<compile_context>
chip_gen: v7x
topology: tpu7x:2x2x1
jax: 0.10.2.dev20260603
libtpu: 0.0.44.dev20260713+nightly
codegen_flags: <defaults>
</compile_context>

<pallas_src>
import jax
import jax.numpy as jnp
from jax import lax
from jax.experimental import pallas as pl
from jax.experimental.pallas import tpu as pltpu
from jax.experimental.pallas import tpu_sc as plsc

VOCAB = 100000
D = 128
SCALE = float(D) ** 0.5

NC = 2
NS = 16
NW = NC * NS

B_TOTAL = 1024 * 200
B_PER_W = B_TOTAL // NW
CHUNK = 128
NCHUNK = B_PER_W // CHUNK


NBUF = 6
INFLIGHT = 3


def _emb_body(idx_hbm, table_hbm, out_hbm, *scratch):
  idx_v = scratch[0]
  bufs = scratch[1:1 + NBUF]
  gsems = scratch[1 + NBUF:1 + 2 * NBUF]
  ssems = scratch[1 + 2 * NBUF:1 + 3 * NBUF]

  wid = lax.axis_index("s") * NC + lax.axis_index("c")
  base = wid * B_PER_W

  pltpu.sync_copy(idx_hbm.at[pl.ds(base, CHUNK)], idx_v.at[pl.ds(0, CHUNK)])

  HALF = CHUNK // 2

  def start_gather(c, phase):
    for h in range(2):
      pltpu.make_async_copy(
          table_hbm.at[idx_v.at[pl.ds(c * CHUNK + h * HALF, HALF)]],
          bufs[phase].at[pl.ds(h * HALF, HALF)],
          gsems[phase],
      ).start()

  def wait_scatter(phase):
    pltpu.make_async_copy(bufs[phase], out_hbm.at[pl.ds(base, CHUNK)],
                          ssems[phase]).wait()

  def do_chunk(cc, phase):
    buf = bufs[phase]
    for h in range(2):
      pltpu.make_async_copy(table_hbm.at[idx_v.at[pl.ds(0, HALF)]],
                            buf.at[pl.ds(h * HALF, HALF)],
                            gsems[phase]).wait()

    @pl.loop(0, CHUNK)
    def _scale_row(r):
      for j in range(8):
        sl = (r, pl.ds(j * 16, 16))
        buf[sl] = buf[sl] * SCALE

    pltpu.make_async_copy(buf, out_hbm.at[pl.ds(base + cc * CHUNK, CHUNK)],
                          ssems[phase]).start()

    p2 = (phase + INFLIGHT) % NBUF
    if isinstance(cc, int):
      if cc + INFLIGHT < NCHUNK:
        if cc >= INFLIGHT:
          wait_scatter(p2)
        start_gather(cc + INFLIGHT, p2)
    else:
      @pl.when(cc >= INFLIGHT)
      def _():
        wait_scatter(p2)

      start_gather(cc + INFLIGHT, p2)

  start_gather(0, 0)
  pltpu.sync_copy(idx_hbm.at[pl.ds(base + CHUNK, B_PER_W - CHUNK)],
                  idx_v.at[pl.ds(CHUNK, B_PER_W - CHUNK)])
  for b in range(1, INFLIGHT):
    start_gather(b, b)

  MAIN = ((NCHUNK - INFLIGHT) // NBUF) * NBUF

  @pl.loop(0, MAIN, step=NBUF)
  def _chunk_loop(c):
    for phase in range(NBUF):
      do_chunk(c + phase, phase)

  for cc in range(MAIN, NCHUNK):
    do_chunk(cc, cc % NBUF)

  for cc in range(NCHUNK - NBUF, NCHUNK):
    wait_scatter(cc % NBUF)


@jax.jit
def _emb_call(x_flat, table):
  mesh = plsc.VectorSubcoreMesh(
      core_axis_name="c", subcore_axis_name="s", num_cores=NC,
      num_subcores=NS)
  return pl.kernel(
      _emb_body,
      out_type=jax.ShapeDtypeStruct((B_TOTAL, D), jnp.float32),
      mesh=mesh,
      scratch_types=(
          [pltpu.VMEM((B_PER_W,), jnp.int32)]
          + [pltpu.VMEM((CHUNK, D), jnp.float32)] * NBUF
          + [pltpu.SemaphoreType.DMA] * (2 * NBUF)
      ),
  )(x_flat, table)


def kernel(x, table):
  x_flat = x.reshape(-1).astype(jnp.int32)
  out = _emb_call(x_flat, table)
  return out.reshape(x.shape + (D,))

# --- scband reference (transcript-rebuilt; emitter-appended) ---
"""Pipeline reference for scband-word-embedding-63316407878291 (READ-ONLY COPY).

The authoritative reference and input builder live on the scoring server;
editing this copy changes nothing except your own understanding.
"""

import jax, jax.numpy as jnp
import numpy as np

VOCAB_SIZE = 100000
D_MODEL = 128

def setup_inputs(seed: int = 0) -> dict:
    key = jax.random.key(seed)
    k1, k2 = jax.random.split(key)
    x = jax.random.randint(k1, (1024, 200), 0, VOCAB_SIZE, dtype=jnp.int64 if jax.config.jax_enable_x64 else jnp.int32)
    # nn.Embedding default init: N(0, 1)
    table = jax.random.normal(k2, (VOCAB_SIZE, D_MODEL), dtype=jnp.float32)
    return {"x": x, "table": table}

def reference(x, table):
    # embed(x) * sqrt(d_model)
    emb = jnp.take(table, x, axis=0)
    return emb * (D_MODEL ** 0.5)

if __name__ == "__main__":
    import jax
    _d = setup_inputs()
    print(jax.jit(kernel)(*tuple(_d.values())))

</pallas_src>

<mosaic_0001>
#map = affine_map<(d0, d1) -> (0)>
#map1 = affine_map<(d0, d1) -> (0, 0)>
module attributes {stable_mosaic.version = 14 : i64} {
  func.func @_emb_body(%arg0: i32, %arg1: i32, %arg2: memref<204800xi32, #tpu.memory_space<hbm>>, %arg3: memref<100000x128xf32, #tpu.memory_space<hbm>>, %arg4: memref<204800x128xf32, #tpu.memory_space<hbm>>, %arg5: memref<6400xi32, #tpu.memory_space<vmem>>, %arg6: memref<128x128xf32, #tpu.memory_space<vmem>>, %arg7: memref<128x128xf32, #tpu.memory_space<vmem>>, %arg8: memref<128x128xf32, #tpu.memory_space<vmem>>, %arg9: memref<128x128xf32, #tpu.memory_space<vmem>>, %arg10: memref<128x128xf32, #tpu.memory_space<vmem>>, %arg11: memref<128x128xf32, #tpu.memory_space<vmem>>, %arg12: memref<!tpu.dma_semaphore, #tpu.memory_space<semaphore_mem>>, %arg13: memref<!tpu.dma_semaphore, #tpu.memory_space<semaphore_mem>>, %arg14: memref<!tpu.dma_semaphore, #tpu.memory_space<semaphore_mem>>, %arg15: memref<!tpu.dma_semaphore, #tpu.memory_space<semaphore_mem>>, %arg16: memref<!tpu.dma_semaphore, #tpu.memory_space<semaphore_mem>>, %arg17: memref<!tpu.dma_semaphore, #tpu.memory_space<semaphore_mem>>, %arg18: memref<!tpu.dma_semaphore, #tpu.memory_space<semaphore_mem>>, %arg19: memref<!tpu.dma_semaphore, #tpu.memory_space<semaphore_mem>>, %arg20: memref<!tpu.dma_semaphore, #tpu.memory_space<semaphore_mem>>, %arg21: memref<!tpu.dma_semaphore, #tpu.memory_space<semaphore_mem>>, %arg22: memref<!tpu.dma_semaphore, #tpu.memory_space<semaphore_mem>>, %arg23: memref<!tpu.dma_semaphore, #tpu.memory_space<semaphore_mem>>) attributes {dimension_semantics = [#tpu.dimension_semantics<core_parallel>, #tpu.dimension_semantics<subcore_parallel>], iteration_bounds = array<i64: 2, 16>, scalar_prefetch = 0 : i64, scratch_operands = 19 : i64, tpu.core_type = #tpu.core_type<sc_vector_subcore>, window_params = [{transform_indices = #map}, {transform_indices = #map1}, {transform_indices = #map1}]} {
    %mul3A = arith.constant 2 : i32
    %mul3A_0 = arith.muli %arg1, %mul3A : i32
    %add3A = arith.addi %mul3A_0, %arg0 : i32
    %mul3A_1 = arith.constant 6400 : i32
    %mul3A_2 = arith.muli %add3A, %mul3A_1 : i32
    "tpu.region"() ({
      %run_scoped3A = tpu.sem_alloc : memref<!tpu.dma_semaphore, #tpu.memory_space<semaphore_mem>>
      %dma_start3A_395 = arith.constant 0 : i32
      %dma_start3A_396 = tpu.memref_slice %arg5[%dma_start3A_395] : memref<6400xi32, #tpu.memory_space<vmem>> -> memref<128xi32, #tpu.memory_space<vmem>>
      %dma_start3A_397 = tpu.memref_slice %arg2[%mul3A_2] : memref<204800xi32, #tpu.memory_space<hbm>> -> memref<128xi32, #tpu.memory_space<hbm>>
      %dma_start3A_398 = arith.constant 0 : i32
      %dma_start3A_399 = tpu.memref_slice %arg5[%dma_start3A_398] : memref<6400xi32, #tpu.memory_space<vmem>> -> memref<128xi32, #tpu.memory_space<vmem>>
      %dma_start3A_400 = tpu.memref_slice %arg2[%mul3A_2] : memref<204800xi32, #tpu.memory_space<hbm>> -> memref<128xi32, #tpu.memory_space<hbm>>
      tpu.enqueue_dma source(%dma_start3A_400 : memref<128xi32, #tpu.memory_space<hbm>>) target(%dma_start3A_399 : memref<128xi32, #tpu.memory_space<vmem>>) target_semaphore(%run_scoped3A : memref<!tpu.dma_semaphore, #tpu.memory_space<semaphore_mem>>)
      %dma_wait3A_401 = arith.constant 0 : i32
      %dma_wait3A_402 = tpu.memref_slice %arg5[%dma_wait3A_401] : memref<6400xi32, #tpu.memory_space<vmem>> -> memref<128xi32, #tpu.memory_space<vmem>>
      %dma_wait3A_403 = tpu.memref_slice %arg2[%mul3A_2] : memref<204800xi32, #tpu.memory_space<hbm>> -> memref<128xi32, #tpu.memory_space<hbm>>
      %dma_wait3A_404 = arith.constant 0 : i32
      %dma_wait3A_405 = tpu.memref_slice %arg5[%dma_wait3A_404] : memref<6400xi32, #tpu.memory_space<vmem>> -> memref<128xi32, #tpu.memory_space<vmem>>
      %dma_wait3A_406 = tpu.memref_slice %arg2[%mul3A_2] : memref<204800xi32, #tpu.memory_space<hbm>> -> memref<128xi32, #tpu.memory_space<hbm>>
      tpu.wait_dma2 semaphore(%run_scoped3A : memref<!tpu.dma_semaphore, #tpu.memory_space<semaphore_mem>>) src(%dma_wait3A_406 : memref<128xi32, #tpu.memory_space<hbm>>) dst(%dma_wait3A_405 : memref<128xi32, #tpu.memory_space<vmem>>)
      tpu.yield
    }) : () -> ()
    %dma_start3A = arith.constant 0 : i32
    %dma_start3A_3 = arith.constant 0 : i32
    %dma_start3A_4 = tpu.memref_slice %arg6[%dma_start3A, %dma_start3A_3] : memref<128x128xf32, #tpu.memory_space<vmem>> -> memref<64x128xf32, #tpu.memory_space<vmem>>
    %dma_start3A_5 = arith.constant 0 : i32
    %dma_start3A_6 = tpu.memref_slice %arg5[%dma_start3A_5] : memref<6400xi32, #tpu.memory_space<vmem>> -> memref<64xi32, #tpu.memory_space<vmem>>
    %dma_start3A_7 = arith.constant 0 : i32
    %dma_start3A_8 = arith.constant 0 : i32
    %dma_start3A_9 = tpu.memref_slice %arg3[%dma_start3A_7, %dma_start3A_8] : memref<100000x128xf32, #tpu.memory_space<hbm>> -> memref<100000x128xf32, #tpu.memory_space<hbm>>
    tpu.enqueue_indirect_dma source(%dma_start3A_9 : memref<100000x128xf32, #tpu.memory_space<hbm>>) target(%dma_start3A_4 : memref<64x128xf32, #tpu.memory_space<vmem>>) offsets(%dma_start3A_6 : memref<64xi32, #tpu.memory_space<vmem>>) semaphore(%arg12 : memref<!tpu.dma_semaphore, #tpu.memory_space<semaphore_mem>>)
    %dma_start3A_10 = arith.constant 64 : i32
    %dma_start3A_11 = arith.constant 0 : i32
    %dma_start3A_12 = tpu.memref_slice %arg6[%dma_start3A_10, %dma_start3A_11] : memref<128x128xf32, #tpu.memory_space<vmem>> -> memref<64x128xf32, #tpu.memory_space<vmem>>
    %dma_start3A_13 = arith.constant 64 : i32
    %dma_start3A_14 = tpu.memref_slice %arg5[%dma_start3A_13] : memref<6400xi32, #tpu.memory_space<vmem>> -> memref<64xi32, #tpu.memory_space<vmem>>
    %dma_start3A_15 = arith.constant 0 : i32
    %dma_start3A_16 = arith.constant 0 : i32
    %dma_start3A_17 = tpu.memref_slice %arg3[%dma_start3A_15, %dma_start3A_16] : memref<100000x128xf32, #tpu.memory_space<hbm>> -> memref<100000x128xf32, #tpu.memory_space<hbm>>
    tpu.enqueue_indirect_dma source(%dma_start3A_17 : memref<100000x128xf32, #tpu.memory_space<hbm>>) target(%dma_start3A_12 : memref<64x128xf32, #tpu.memory_space<vmem>>) offsets(%dma_start3A_14 : memref<64xi32, #tpu.memory_space<vmem>>) semaphore(%arg12 : memref<!tpu.dma_semaphore, #tpu.memory_space<semaphore_mem>>)
    %add3A_18 = arith.constant 128 : i32
    %add3A_19 = arith.addi %mul3A_2, %add3A_18 : i32
    "tpu.region"() ({
      %run_scoped3A = tpu.sem_alloc : memref<!tpu.dma_semaphore, #tpu.memory_space<semaphore_mem>>
      %dma_start3A_395 = arith.constant 128 : i32
      %dma_start3A_396 = tpu.memref_slice %arg5[%dma_start3A_395] : memref<6400xi32, #tpu.memory_space<vmem>> -> memref<6272xi32, #tpu.memory_space<vmem>>
      %dma_start3A_397 = tpu.memref_slice %arg2[%add3A_19] : memref<204800xi32, #tpu.memory_space<hbm>> -> memref<6272xi32, #tpu.memory_space<hbm>>
      %dma_start3A_398 = arith.constant 128 : i32
      %dma_start3A_399 = tpu.memref_slice %arg5[%dma_start3A_398] : memref<6400xi32, #tpu.memory_space<vmem>> -> memref<6272xi32, #tpu.memory_space<vmem>>
      %dma_start3A_400 = tpu.memref_slice %arg2[%add3A_19] : memref<204800xi32, #tpu.memory_space<hbm>> -> memref<6272xi32, #tpu.memory_space<hbm>>
      tpu.enqueue_dma source(%dma_start3A_400 : memref<6272xi32, #tpu.memory_space<hbm>>) target(%dma_start3A_399 : memref<6272xi32, #tpu.memory_space<vmem>>) target_semaphore(%run_scoped3A : memref<!tpu.dma_semaphore, #tpu.memory_space<semaphore_mem>>)
      %dma_wait3A_401 = arith.constant 128 : i32
      %dma_wait3A_402 = tpu.memref_slice %arg5[%dma_wait3A_401] : memref<6400xi32, #tpu.memory_space<vmem>> -> memref<6272xi32, #tpu.memory_space<vmem>>
      %dma_wait3A_403 = tpu.memref_slice %arg2[%add3A_19] : memref<204800xi32, #tpu.memory_space<hbm>> -> memref<6272xi32, #tpu.memory_space<hbm>>
      %dma_wait3A_404 = arith.constant 128 : i32
      %dma_wait3A_405 = tpu.memref_slice %arg5[%dma_wait3A_404] : memref<6400xi32, #tpu.memory_space<vmem>> -> memref<6272xi32, #tpu.memory_space<vmem>>
      %dma_wait3A_406 = tpu.memref_slice %arg2[%add3A_19] : memref<204800xi32, #tpu.memory_space<hbm>> -> memref<6272xi32, #tpu.memory_space<hbm>>
      tpu.wait_dma2 semaphore(%run_scoped3A : memref<!tpu.dma_semaphore, #tpu.memory_space<semaphore_mem>>) src(%dma_wait3A_406 : memref<6272xi32, #tpu.memory_space<hbm>>) dst(%dma_wait3A_405 : memref<6272xi32, #tpu.memory_space<vmem>>)
      tpu.yield
    }) : () -> ()
    %dma_start3A_20 = arith.constant 0 : i32
    %dma_start3A_21 = arith.constant 0 : i32
    %dma_start3A_22 = tpu.memref_slice %arg7[%dma_start3A_20, %dma_start3A_21] : memref<128x128xf32, #tpu.memory_space<vmem>> -> memref<64x128xf32, #tpu.memory_space<vmem>>
    %dma_start3A_23 = arith.constant 128 : i32
    %dma_start3A_24 = tpu.memref_slice %arg5[%dma_start3A_23] : memref<6400xi32, #tpu.memory_space<vmem>> -> memref<64xi32, #tpu.memory_space<vmem>>
    %dma_start3A_25 = arith.constant 0 : i32
    %dma_start3A_26 = arith.constant 0 : i32
    %dma_start3A_27 = tpu.memref_slice %arg3[%dma_start3A_25, %dma_start3A_26] : memref<100000x128xf32, #tpu.memory_space<hbm>> -> memref<100000x128xf32, #tpu.memory_space<hbm>>
    tpu.enqueue_indirect_dma source(%dma_start3A_27 : memref<100000x128xf32, #tpu.memory_space<hbm>>) target(%dma_start3A_22 : memref<64x128xf32, #tpu.memory_space<vmem>>) offsets(%dma_start3A_24 : memref<64xi32, #tpu.memory_space<vmem>>) semaphore(%arg13 : memref<!tpu.dma_semaphore, #tpu.memory_space<semaphore_mem>>)
    %dma_start3A_28 = arith.constant 64 : i32
    %dma_start3A_29 = arith.constant 0 : i32
    %dma_start3A_30 = tpu.memref_slice %arg7[%dma_start3A_28, %dma_start3A_29] : memref<128x128xf32, #tpu.memory_space<vmem>> -> memref<64x128xf32, #tpu.memory_space<vmem>>
    %dma_start3A_31 = arith.constant 192 : i32
    %dma_start3A_32 = tpu.memref_slice %arg5[%dma_start3A_31] : memref<6400xi32, #tpu.memory_space<vmem>> -> memref<64xi32, #tpu.memory_space<vmem>>
    %dma_start3A_33 = arith.constant 0 : i32
    %dma_start3A_34 = arith.constant 0 : i32
    %dma_start3A_35 = tpu.memref_slice %arg3[%dma_start3A_33, %dma_start3A_34] : memref<100000x128xf32, #tpu.memory_space<hbm>> -> memref<100000x128xf32, #tpu.memory_space<hbm>>
    tpu.enqueue_indirect_dma source(%dma_start3A_35 : memref<100000x128xf32, #tpu.memory_space<hbm>>) target(%dma_start3A_30 : memref<64x128xf32, #tpu.memory_space<vmem>>) offsets(%dma_start3A_32 : memref<64xi32, #tpu.memory_space<vmem>>) semaphore(%arg13 : memref<!tpu.dma_semaphore, #tpu.memory_space<semaphore_mem>>)
    %dma_start3A_36 = arith.constant 0 : i32
    %dma_start3A_37 = arith.constant 0 : i32
    %dma_start3A_38 = tpu.memref_slice %arg8[%dma_start3A_36, %dma_start3A_37] : memref<128x128xf32, #tpu.memory_space<vmem>> -> memref<64x128xf32, #tpu.memory_space<vmem>>
    %dma_start3A_39 = arith.constant 256 : i32
    %dma_start3A_40 = tpu.memref_slice %arg5[%dma_start3A_39] : memref<6400xi32, #tpu.memory_space<vmem>> -> memref<64xi32, #tpu.memory_space<vmem>>
    %dma_start3A_41 = arith.constant 0 : i32
    %dma_start3A_42 = arith.constant 0 : i32
    %dma_start3A_43 = tpu.memref_slice %arg3[%dma_start3A_41, %dma_start3A_42] : memref<100000x128xf32, #tpu.memory_space<hbm>> -> memref<100000x128xf32, #tpu.memory_space<hbm>>
    tpu.enqueue_indirect_dma source(%dma_start3A_43 : memref<100000x128xf32, #tpu.memory_space<hbm>>) target(%dma_start3A_38 : memref<64x128xf32, #tpu.memory_space<vmem>>) offsets(%dma_start3A_40 : memref<64xi32, #tpu.memory_space<vmem>>) semaphore(%arg14 : memref<!tpu.dma_semaphore, #tpu.memory_space<semaphore_mem>>)
    %dma_start3A_44 = arith.constant 64 : i32
    %dma_start3A_45 = arith.constant 0 : i32
    %dma_start3A_46 = tpu.memref_slice %arg8[%dma_start3A_44, %dma_start3A_45] : memref<128x128xf32, #tpu.memory_space<vmem>> -> memref<64x128xf32, #tpu.memory_space<vmem>>
    %dma_start3A_47 = arith.constant 320 : i32
    %dma_start3A_48 = tpu.memref_slice %arg5[%dma_start3A_47] : memref<6400xi32, #tpu.memory_space<vmem>> -> memref<64xi32, #tpu.memory_space<vmem>>
    %dma_start3A_49 = arith.constant 0 : i32
    %dma_start3A_50 = arith.constant 0 : i32
    %dma_start3A_51 = tpu.memref_slice %arg3[%dma_start3A_49, %dma_start3A_50] : memref<100000x128xf32, #tpu.memory_space<hbm>> -> memref<100000x128xf32, #tpu.memory_space<hbm>>
    tpu.enqueue_indirect_dma source(%dma_start3A_51 : memref<100000x128xf32, #tpu.memory_space<hbm>>) target(%dma_start3A_46 : memref<64x128xf32, #tpu.memory_space<vmem>>) offsets(%dma_start3A_48 : memref<64xi32, #tpu.memory_space<vmem>>) semaphore(%arg14 : memref<!tpu.dma_semaphore, #tpu.memory_space<semaphore_mem>>)
    %scan3A = arith.constant 0 : i32
    %scan3A_52 = arith.constant 7 : i32
    %scan3A_53 = arith.addi %scan3A, %scan3A_52 : i32
    %scan3A_54 = arith.constant 1 : i32
    scf.for %scan3A_395 = %scan3A to %scan3A_53 step %scan3A_54  : i32 {
      %mul3A_396 = arith.constant 6 : i32
      %mul3A_397 = arith.muli %scan3A_395, %mul3A_396 : i32
      %add3A_398 = arith.constant 0 : i32
      %add3A_399 = arith.addi %add3A_398, %mul3A_397 : i32
      %add3A_400 = arith.constant 0 : i32
      %add3A_401 = arith.addi %add3A_399, %add3A_400 : i32
      %dma_wait3A_402 = arith.constant 0 : i32
      %dma_wait3A_403 = arith.constant 0 : i32
      %dma_wait3A_404 = tpu.memref_slice %arg6[%dma_wait3A_402, %dma_wait3A_403] : memref<128x128xf32, #tpu.memory_space<vmem>> -> memref<64x128xf32, #tpu.memory_space<vmem>>
      %dma_wait3A_405 = arith.constant 0 : i32
      %dma_wait3A_406 = tpu.memref_slice %arg5[%dma_wait3A_405] : memref<6400xi32, #tpu.memory_space<vmem>> -> memref<64xi32, #tpu.memory_space<vmem>>
      %dma_wait3A_407 = arith.constant 0 : i32
      %dma_wait3A_408 = arith.constant 0 : i32
      %dma_wait3A_409 = tpu.memref_slice %arg3[%dma_wait3A_407, %dma_wait3A_408] : memref<100000x128xf32, #tpu.memory_space<hbm>> -> memref<100000x128xf32, #tpu.memory_space<hbm>>
      tpu.wait_indirect_dma semaphore(%arg12 : memref<!tpu.dma_semaphore, #tpu.memory_space<semaphore_mem>>) src(%dma_wait3A_409 : memref<100000x128xf32, #tpu.memory_space<hbm>>) dst(%dma_wait3A_404 : memref<64x128xf32, #tpu.memory_space<vmem>>)
      %dma_wait3A_410 = arith.constant 64 : i32
      %dma_wait3A_411 = arith.constant 0 : i32
      %dma_wait3A_412 = tpu.memref_slice %arg6[%dma_wait3A_410, %dma_wait3A_411] : memref<128x128xf32, #tpu.memory_space<vmem>> -> memref<64x128xf32, #tpu.memory_space<vmem>>
      %dma_wait3A_413 = arith.constant 0 : i32
      %dma_wait3A_414 = tpu.memref_slice %arg5[%dma_wait3A_413] : memref<6400xi32, #tpu.memory_space<vmem>> -> memref<64xi32, #tpu.memory_space<vmem>>
      %dma_wait3A_415 = arith.constant 0 : i32
      %dma_wait3A_416 = arith.constant 0 : i32
      %dma_wait3A_417 = tpu.memref_slice %arg3[%dma_wait3A_415, %dma_wait3A_416] : memref<100000x128xf32, #tpu.memory_space<hbm>> -> memref<100000x128xf32, #tpu.memory_space<hbm>>
      tpu.wait_indirect_dma semaphore(%arg12 : memref<!tpu.dma_semaphore, #tpu.memory_space<semaphore_mem>>) src(%dma_wait3A_417 : memref<100000x128xf32, #tpu.memory_space<hbm>>) dst(%dma_wait3A_412 : memref<64x128xf32, #tpu.memory_space<vmem>>)
      %scan3A_418 = arith.constant 0 : i32
      %scan3A_419 = arith.constant 128 : i32
      %scan3A_420 = arith.addi %scan3A_418, %scan3A_419 : i32
      %scan3A_421 = arith.constant 1 : i32
      scf.for %scan3A_751 = %scan3A_418 to %scan3A_420 step %scan3A_421  : i32 {
        %mul3A_752 = arith.constant 1 : i32
        %mul3A_753 = arith.muli %scan3A_751, %mul3A_752 : i32
        %add3A_754 = arith.constant 0 : i32
        %add3A_755 = arith.addi %add3A_754, %mul3A_753 : i32
        %get3A = arith.index_cast %add3A_755 : i32 to index
        %get3A_756 = arith.constant 0 : index
        %get3A_757 = tpu.vector_load %arg6[%get3A, %get3A_756] {strides = array<i32>} : memref<128x128xf32, #tpu.memory_space<vmem>>, vector<1x16xf32>,
        %get3A_758 = vector.shape_cast %get3A_757 : vector<1x16xf32> to vector<16xf32>
        %mul3A_759 = arith.constant 11.3137083 : f32
        %mul3A_760 = vector.broadcast %mul3A_759 : f32 to vector<16xf32>
        %mul3A_761 = arith.mulf %get3A_758, %mul3A_760 : vector<16xf32>
        %swap3A = arith.index_cast %add3A_755 : i32 to index
        %swap3A_762 = arith.constant 0 : index
        %swap3A_763 = tpu.vector_load %arg6[%swap3A, %swap3A_762] {strides = array<i32>} : memref<128x128xf32, #tpu.memory_space<vmem>>, vector<1x16xf32>,
        %swap3A_764 = vector.shape_cast %swap3A_763 : vector<1x16xf32> to vector<16xf32>
        %swap3A_765 = vector.shape_cast %mul3A_761 : vector<16xf32> to vector<1x16xf32>
        tpu.vector_store %arg6[%swap3A, %swap3A_762], %swap3A_765 {strides = array<i32>} : memref<128x128xf32, #tpu.memory_space<vmem>>, vector<1x16xf32>,
        %get3A_766 = arith.index_cast %add3A_755 : i32 to index
        %get3A_767 = arith.constant 16 : index
        %get3A_768 = tpu.vector_load %arg6[%get3A_766, %get3A_767] {strides = array<i32>} : memref<128x128xf32, #tpu.memory_space<vmem>>, vector<1x16xf32>,
        %get3A_769 = vector.shape_cast %get3A_768 : vector<1x16xf32> to vector<16xf32>
        %mul3A_770 = arith.constant 11.3137083 : f32
        %mul3A_771 = vector.broadcast %mul3A_770 : f32 to vector<16xf32>
        %mul3A_772 = arith.mulf %get3A_769, %mul3A_771 : vector<16xf32>
        %swap3A_773 = arith.index_cast %add3A_755 : i32 to index
        %swap3A_774 = arith.constant 16 : index
        %swap3A_775 = tpu.vector_load %arg6[%swap3A_773, %swap3A_774] {strides = array<i32>} : memref<128x128xf32, #tpu.memory_space<vmem>>, vector<1x16xf32>,
        %swap3A_776 = vector.shape_cast %swap3A_775 : vector<1x16xf32> to vector<16xf32>
        %swap3A_777 = vector.shape_cast %mul3A_772 : vector<16xf32> to vector<1x16xf32>
        tpu.vector_store %arg6[%swap3A_773, %swap3A_774], %swap3A_777 {strides = array<i32>} : memref<128x128xf32, #tpu.memory_space<vmem>>, vector<1x16xf32>,
        %get3A_778 = arith.index_cast %add3A_755 : i32 to index
        %get3A_779 = arith.constant 32 : index
        %get3A_780 = tpu.vector_load %arg6[%get3A_778, %get3A_779] {strides = array<i32>} : memref<128x128xf32, #tpu.memory_space<vmem>>, vector<1x16xf32>,
        %get3A_781 = vector.shape_cast %get3A_780 : vector<1x16xf32> to vector<16xf32>
        %mul3A_782 = arith.constant 11.3137083 : f32
        %mul3A_783 = vector.broadcast %mul3A_782 : f32 to vector<16xf32>
        %mul3A_784 = arith.mulf %get3A_781, %mul3A_783 : vector<16xf32>
        %swap3A_785 = arith.index_cast %add3A_755 : i32 to index
        %swap3A_786 = arith.constant 32 : index
        %swap3A_787 = tpu.vector_load %arg6[%swap3A_785, %swap3A_786] {strides = array<i32>} : memref<128x128xf32, #tpu.memory_space<vmem>>, vector<1x16xf32>,
        %swap3A_788 = vector.shape_cast %swap3A_787 : vector<1x16xf32> to vector<16xf32>
        %swap3A_789 = vector.shape_cast %mul3A_784 : vector<16xf32> to vector<1x16xf32>
        tpu.vector_store %arg6[%swap3A_785, %swap3A_786], %swap3A_789 {strides = array<i32>} : memref<128x128xf32, #tpu.memory_space<vmem>>, vector<1x16xf32>,
        %get3A_790 = arith.index_cast %add3A_755 : i32 to index
        %get3A_791 = arith.constant 48 : index
        %get3A_792 = tpu.vector_load %arg6[%get3A_790, %get3A_791] {strides = array<i32>} : memref<128x128xf32, #tpu.memory_space<vmem>>, vector<1x16xf32>,
        %get3A_793 = vector.shape_cast %get3A_792 : vector<1x16xf32> to vector<16xf32>
        %mul3A_794 = arith.constant 11.3137083 : f32
        %mul3A_795 = vector.broadcast %mul3A_794 : f32 to vector<16xf32>
        %mul3A_796 = arith.mulf %get3A_793, %mul3A_795 : vector<16xf32>
        %swap3A_797 = arith.index_cast %add3A_755 : i32 to index
        %swap3A_798 = arith.constant 48 : index
        %swap3A_799 = tpu.vector_load %arg6[%swap3A_797, %swap3A_798] {strides = array<i32>} : memref<128x128xf32, #tpu.memory_space<vmem>>, vector<1x16xf32>,
        %swap3A_800 = vector.shape_cast %swap3A_799 : vector<1x16xf32> to vector<16xf32>
        %swap3A_801 = vector.shape_cast %mul3A_796 : vector<16xf32> to vector<1x16xf32>
        tpu.vector_store %arg6[%swap3A_797, %swap3A_798], %swap3A_801 {strides = array<i32>} : memref<128x128xf32, #tpu.memory_space<vmem>>, vector<1x16xf32>,
        %get3A_802 = arith.index_cast %add3A_755 : i32 to index
        %get3A_803 = arith.constant 64 : index
        %get3A_804 = tpu.vector_load %arg6[%get3A_802, %get3A_803] {strides = array<i32>} : memref<128x128xf32, #tpu.memory_space<vmem>>, vector<1x16xf32>,
        %get3A_805 = vector.shape_cast %get3A_804 : vector<1x16xf32> to vector<16xf32>
        %mul3A_806 = arith.constant 11.3137083 : f32
        %mul3A_807 = vector.broadcast %mul3A_806 : f32 to vector<16xf32>
        %mul3A_808 = arith.mulf %get3A_805, %mul3A_807 : vector<16xf32>
        %swap3A_809 = arith.index_cast %add3A_755 : i32 to index
        %swap3A_810 = arith.constant 64 : index
        %swap3A_811 = tpu.vector_load %arg6[%swap3A_809, %swap3A_810] {strides = array<i32>} : memref<128x128xf32, #tpu.memory_space<vmem>>, vector<1x16xf32>,
        %swap3A_812 = vector.shape_cast %swap3A_811 : vector<1x16xf32> to vector<16xf32>
        %swap3A_813 = vector.shape_cast %mul3A_808 : vector<16xf32> to vector<1x16xf32>
        tpu.vector_store %arg6[%swap3A_809, %swap3A_810], %swap3A_813 {strides = array<i32>} : memref<128x128xf32, #tpu.memory_space<vmem>>, vector<1x16xf32>,
        %get3A_814 = arith.index_cast %add3A_755 : i32 to index
        %get3A_815 = arith.constant 80 : index
        %get3A_816 = tpu.vector_load %arg6[%get3A_814, %get3A_815] {strides = array<i32>} : memref<128x128xf32, #tpu.memory_space<vmem>>, vector<1x16xf32>,
        %get3A_817 = vector.shape_cast %get3A_816 : vector<1x16xf32> to vector<16xf32>
        %mul3A_818 = arith.constant 11.3137083 : f32
        %mul3A_819 = vector.broadcast %mul3A_818 : f32 to vector<16xf32>
        %mul3A_820 = arith.mulf %get3A_817, %mul3A_819 : vector<16xf32>
        %swap3A_821 = arith.index_cast %add3A_755 : i32 to index
        %swap3A_822 = arith.constant 80 : index
        %swap3A_823 = tpu.vector_load %arg6[%swap3A_821, %swap3A_822] {strides = array<i32>} : memref<128x128xf32, #tpu.memory_space<vmem>>, vector<1x16xf32>,
        %swap3A_824 = vector.shape_cast %swap3A_823 : vector<1x16xf32> to vector<16xf32>
        %swap3A_825 = vector.shape_cast %mul3A_820 : vector<16xf32> to vector<1x16xf32>
        tpu.vector_store %arg6[%swap3A_821, %swap3A_822], %swap3A_825 {strides = array<i32>} : memref<128x128xf32, #tpu.memory_space<vmem>>, vector<1x16xf32>,
        %get3A_826 = arith.index_cast %add3A_755 : i32 to index
        %get3A_827 = arith.constant 96 : index
        %get3A_828 = tpu.vector_load %arg6[%get3A_826, %get3A_827] {strides = array<i32>} : memref<128x128xf32, #tpu.memory_space<vmem>>, vector<1x16xf32>,
        %get3A_829 = vector.shape_cast %get3A_828 : vector<1x16xf32> to vector<16xf32>
        %mul3A_830 = arith.constant 11.3137083 : f32
        %mul3A_831 = vector.broadcast %mul3A_830 : f32 to vector<16xf32>
        %mul3A_832 = arith.mulf %get3A_829, %mul3A_831 : vector<16xf32>
        %swap3A_833 = arith.index_cast %add3A_755 : i32 to index
        %swap3A_834 = arith.constant 96 : index
        %swap3A_835 = tpu.vector_load %arg6[%swap3A_833, %swap3A_834] {strides = array<i32>} : memref<128x128xf32, #tpu.memory_space<vmem>>, vector<1x16xf32>,
        %swap3A_836 = vector.shape_cast %swap3A_835 : vector<1x16xf32> to vector<16xf32>
        %swap3A_837 = vector.shape_cast %mul3A_832 : vector<16xf32> to vector<1x16xf32>
        tpu.vector_store %arg6[%swap3A_833, %swap3A_834], %swap3A_837 {strides = array<i32>} : memref<128x128xf32, #tpu.memory_space<vmem>>, vector<1x16xf32>,
        %get3A_838 = arith.index_cast %add3A_755 : i32 to index
        %get3A_839 = arith.constant 112 : index
        %get3A_840 = tpu.vector_load %arg6[%get3A_838, %get3A_839] {strides = array<i32>} : memref<128x128xf32, #tpu.memory_space<vmem>>, vector<1x16xf32>,
        %get3A_841 = vector.shape_cast %get3A_840 : vector<1x16xf32> to vector<16xf32>
        %mul3A_842 = arith.constant 11.3137083 : f32
        %mul3A_843 = vector.broadcast %mul3A_842 : f32 to vector<16xf32>
        %mul3A_844 = arith.mulf %get3A_841, %mul3A_843 : vector<16xf32>
        %swap3A_845 = arith.index_cast %add3A_755 : i32 to index
        %swap3A_846 = arith.constant 112 : index
        %swap3A_847 = tpu.vector_load %arg6[%swap3A_845, %swap3A_846] {strides = array<i32>} : memref<128x128xf32, #tpu.memory_space<vmem>>, vector<1x16xf32>,
        %swap3A_848 = vector.shape_cast %swap3A_847 : vector<1x16xf32> to vector<16xf32>
        %swap3A_849 = vector.shape_cast %mul3A_844 : vector<16xf32> to vector<1x16xf32>
        tpu.vector_store %arg6[%swap3A_845, %swap3A_846], %swap3A_849 {strides = array<i32>} : memref<128x128xf32, #tpu.memory_space<vmem>>, vector<1x16xf32>,
      }
      %scan3A_422 = arith.constant 128 : i32
      %mul3A_423 = arith.constant 128 : i32
      %mul3A_424 = arith.muli %add3A_401, %mul3A_423 : i32
      %add3A_425 = arith.addi %mul3A_2, %mul3A_424 : i32
      %dma_start3A_426 = arith.constant 0 : i32
      %dma_start3A_427 = tpu.memref_slice %arg4[%add3A_425, %dma_start3A_426] : memref<204800x128xf32, #tpu.memory_space<hbm>> -> memref<128x128xf32, #tpu.memory_space<hbm>>
      %dma_start3A_428 = arith.constant 0 : i32
      %dma_start3A_429 = tpu.memref_slice %arg4[%add3A_425, %dma_start3A_428] : memref<204800x128xf32, #tpu.memory_space<hbm>> -> memref<128x128xf32, #tpu.memory_space<hbm>>
      tpu.enqueue_dma source(%arg6 : memref<128x128xf32, #tpu.memory_space<vmem>>) target(%dma_start3A_429 : memref<128x128xf32, #tpu.memory_space<hbm>>) target_semaphore(%arg18 : memref<!tpu.dma_semaphore, #tpu.memory_space<semaphore_mem>>)
      %ge3A = arith.constant 3 : i32
      %ge3A_430 = arith.cmpi sge, %add3A_401, %ge3A : i32
      %convert_element_type3A = arith.extui %ge3A_430 : i1 to i32
      %cond3A = arith.constant 0 : i32
      %cond3A_431 = arith.cmpi ne, %convert_element_type3A, %cond3A : i32
      scf.if %cond3A_431 {
        %dma_wait3A_751 = arith.constant 0 : i32
        %dma_wait3A_752 = tpu.memref_slice %arg4[%mul3A_2, %dma_wait3A_751] : memref<204800x128xf32, #tpu.memory_space<hbm>> -> memref<128x128xf32, #tpu.memory_space<hbm>>
        %dma_wait3A_753 = arith.constant 0 : i32
        %dma_wait3A_754 = tpu.memref_slice %arg4[%mul3A_2, %dma_wait3A_753] : memref<204800x128xf32, #tpu.memory_space<hbm>> -> memref<128x128xf32, #tpu.memory_space<hbm>>
        tpu.wait_dma2 semaphore(%arg21 : memref<!tpu.dma_semaphore, #tpu.memory_space<semaphore_mem>>) src(%arg9 : memref<128x128xf32, #tpu.memory_space<vmem>>) dst(%dma_wait3A_754 : memref<128x128xf32, #tpu.memory_space<hbm>>)
      } else {
      }
      %add3A_432 = arith.constant 3 : i32
      %add3A_433 = arith.addi %add3A_401, %add3A_432 : i32
      %mul3A_434 = arith.constant 128 : i32
      %mul3A_435 = arith.muli %add3A_433, %mul3A_434 : i32
      %add3A_436 = arith.constant 0 : i32
      %add3A_437 = arith.addi %mul3A_435, %add3A_436 : i32
      %dma_start3A_438 = arith.constant 0 : i32
      %dma_start3A_439 = arith.constant 0 : i32
      %dma_start3A_440 = tpu.memref_slice %arg9[%dma_start3A_438, %dma_start3A_439] : memref<128x128xf32, #tpu.memory_space<vmem>> -> memref<64x128xf32, #tpu.memory_space<vmem>>
      %dma_start3A_441 = tpu.memref_slice %arg5[%add3A_437] : memref<6400xi32, #tpu.memory_space<vmem>> -> memref<64xi32, #tpu.memory_space<vmem>>
      %dma_start3A_442 = arith.constant 0 : i32
      %dma_start3A_443 = arith.constant 0 : i32
      %dma_start3A_444 = tpu.memref_slice %arg3[%dma_start3A_442, %dma_start3A_443] : memref<100000x128xf32, #tpu.memory_space<hbm>> -> memref<100000x128xf32, #tpu.memory_space<hbm>>
      tpu.enqueue_indirect_dma source(%dma_start3A_444 : memref<100000x128xf32, #tpu.memory_space<hbm>>) target(%dma_start3A_440 : memref<64x128xf32, #tpu.memory_space<vmem>>) offsets(%dma_start3A_441 : memref<64xi32, #tpu.memory_space<vmem>>) semaphore(%arg15 : memref<!tpu.dma_semaphore, #tpu.memory_space<semaphore_mem>>)
      %mul3A_445 = arith.constant 128 : i32
      %mul3A_446 = arith.muli %add3A_433, %mul3A_445 : i32
      %add3A_447 = arith.constant 64 : i32
      %add3A_448 = arith.addi %mul3A_446, %add3A_447 : i32
      %dma_start3A_449 = arith.constant 64 : i32
      %dma_start3A_450 = arith.constant 0 : i32
      %dma_start3A_451 = tpu.memref_slice %arg9[%dma_start3A_449, %dma_start3A_450] : memref<128x128xf32, #tpu.memory_space<vmem>> -> memref<64x128xf32, #tpu.memory_space<vmem>>
      %dma_start3A_452 = tpu.memref_slice %arg5[%add3A_448] : memref<6400xi32, #tpu.memory_space<vmem>> -> memref<64xi32, #tpu.memory_space<vmem>>
      %dma_start3A_453 = arith.constant 0 : i32
      %dma_start3A_454 = arith.constant 0 : i32
      %dma_start3A_455 = tpu.memref_slice %arg3[%dma_start3A_453, %dma_start3A_454] : memref<100000x128xf32, #tpu.memory_space<hbm>> -> memref<100000x128xf32, #tpu.memory_space<hbm>>
      tpu.enqueue_indirect_dma source(%dma_start3A_455 : memref<100000x128xf32, #tpu.memory_space<hbm>>) target(%dma_start3A_451 : memref<64x128xf32, #tpu.memory_space<vmem>>) offsets(%dma_start3A_452 : memref<64xi32, #tpu.memory_space<vmem>>) semaphore(%arg15 : memref<!tpu.dma_semaphore, #tpu.memory_space<semaphore_mem>>)
      %add3A_456 = arith.constant 1 : i32
      %add3A_457 = arith.addi %add3A_399, %add3A_456 : i32
      %dma_wait3A_458 = arith.constant 0 : i32
      %dma_wait3A_459 = arith.constant 0 : i32
      %dma_wait3A_460 = tpu.memref_slice %arg7[%dma_wait3A_458, %dma_wait3A_459] : memref<128x128xf32, #tpu.memory_space<vmem>> -> memref<64x128xf32, #tpu.memory_space<vmem>>
      %dma_wait3A_461 = arith.constant 0 : i32
      %dma_wait3A_462 = tpu.memref_slice %arg5[%dma_wait3A_461] : memref<6400xi32, #tpu.memory_space<vmem>> -> memref<64xi32, #tpu.memory_space<vmem>>
      %dma_wait3A_463 = arith.constant 0 : i32
      %dma_wait3A_464 = arith.constant 0 : i32
      %dma_wait3A_465 = tpu.memref_slice %arg3[%dma_wait3A_463, %dma_wait3A_464] : memref<100000x128xf32, #tpu.memory_space<hbm>> -> memref<100000x128xf32, #tpu.memory_space<hbm>>
      tpu.wait_indirect_dma semaphore(%arg13 : memref<!tpu.dma_semaphore, #tpu.memory_space<semaphore_mem>>) src(%dma_wait3A_465 : memref<100000x128xf32, #tpu.memory_space<hbm>>) dst(%dma_wait3A_460 : memref<64x128xf32, #tpu.memory_space<vmem>>)
      %dma_wait3A_466 = arith.constant 64 : i32
      %dma_wait3A_467 = arith.constant 0 : i32
      %dma_wait3A_468 = tpu.memref_slice %arg7[%dma_wait3A_466, %dma_wait3A_467] : memref<128x128xf32, #tpu.memory_space<vmem>> -> memref<64x128xf32, #tpu.memory_space<vmem>>
      %dma_wait3A_469 = arith.constant 0 : i32
      %dma_wait3A_470 = tpu.memref_slice %arg5[%dma_wait3A_469] : memref<6400xi32, #tpu.memory_space<vmem>> -> memref<64xi32, #tpu.memory_space<vmem>>
      %dma_wait3A_471 = arith.constant 0 : i32
      %dma_wait3A_472 = arith.constant 0 : i32
      %dma_wait3A_473 = tpu.memref_slice %arg3[%dma_wait3A_471, %dma_wait3A_472] : memref<100000x128xf32, #tpu.memory_space<hbm>> -> memref<100000x128xf32, #tpu.memory_space<hbm>>
      tpu.wait_indirect_dma semaphore(%arg13 : memref<!tpu.dma_semaphore, #tpu.memory_space<semaphore_mem>>) src(%dma_wait3A_473 : memref<100000x128xf32, #tpu.memory_space<hbm>>) dst(%dma_wait3A_468 : memref<64x128xf32, #tpu.memory_space<vmem>>)
      %scan3A_474 = arith.constant 0 : i32
      %scan3A_475 = arith.constant 128 : i32
      %scan3A_476 = arith.addi %scan3A_474, %scan3A_475 : i32
      %scan3A_477 = arith.constant 1 : i32
      scf.for %scan3A_751 = %scan3A_474 to %scan3A_476 step %scan3A_477  : i32 {
        %mul3A_752 = arith.constant 1 : i32
        %mul3A_753 = arith.muli %scan3A_751, %mul3A_752 : i32
        %add3A_754 = arith.constant 0 : i32
        %add3A_755 = arith.addi %add3A_754, %mul3A_753 : i32
        %get3A = arith.index_cast %add3A_755 : i32 to index
        %get3A_756 = arith.constant 0 : index
        %get3A_757 = tpu.vector_load %arg7[%get3A, %get3A_756] {strides = array<i32>} : memref<128x128xf32, #tpu.memory_space<vmem>>, vector<1x16xf32>,
        %get3A_758 = vector.shape_cast %get3A_757 : vector<1x16xf32> to vector<16xf32>
        %mul3A_759 = arith.constant 11.3137083 : f32
        %mul3A_760 = vector.broadcast %mul3A_759 : f32 to vector<16xf32>
        %mul3A_761 = arith.mulf %get3A_758, %mul3A_760 : vector<16xf32>
        %swap3A = arith.index_cast %add3A_755 : i32 to index
        %swap3A_762 = arith.constant 0 : index
        %swap3A_763 = tpu.vector_load %arg7[%swap3A, %swap3A_762] {strides = array<i32>} : memref<128x128xf32, #tpu.memory_space<vmem>>, vector<1x16xf32>,
        %swap3A_764 = vector.shape_cast %swap3A_763 : vector<1x16xf32> to vector<16xf32>
        %swap3A_765 = vector.shape_cast %mul3A_761 : vector<16xf32> to vector<1x16xf32>
        tpu.vector_store %arg7[%swap3A, %swap3A_762], %swap3A_765 {strides = array<i32>} : memref<128x128xf32, #tpu.memory_space<vmem>>, vector<1x16xf32>,
        %get3A_766 = arith.index_cast %add3A_755 : i32 to index
        %get3A_767 = arith.constant 16 : index
        %get3A_768 = tpu.vector_load %arg7[%get3A_766, %get3A_767] {strides = array<i32>} : memref<128x128xf32, #tpu.memory_space<vmem>>, vector<1x16xf32>,
        %get3A_769 = vector.shape_cast %get3A_768 : vector<1x16xf32> to vector<16xf32>
        %mul3A_770 = arith.constant 11.3137083 : f32
        %mul3A_771 = vector.broadcast %mul3A_770 : f32 to vector<16xf32>
        %mul3A_772 = arith.mulf %get3A_769, %mul3A_771 : vector<16xf32>
        %swap3A_773 = arith.index_cast %add3A_755 : i32 to index
        %swap3A_774 = arith.constant 16 : index
        %swap3A_775 = tpu.vector_load %arg7[%swap3A_773, %swap3A_774] {strides = array<i32>} : memref<128x128xf32, #tpu.memory_space<vmem>>, vector<1x16xf32>,
        %swap3A_776 = vector.shape_cast %swap3A_775 : vector<1x16xf32> to vector<16xf32>
        %swap3A_777 = vector.shape_cast %mul3A_772 : vector<16xf32> to vector<1x16xf32>
        tpu.vector_store %arg7[%swap3A_773, %swap3A_774], %swap3A_777 {strides = array<i32>} : memref<128x128xf32, #tpu.memory_space<vmem>>, vector<1x16xf32>,
        %get3A_778 = arith.index_cast %add3A_755 : i32 to index
        %get3A_779 = arith.constant 32 : index
        %get3A_780 = tpu.vector_load %arg7[%get3A_778, %get3A_779] {strides = array<i32>} : memref<128x128xf32, #tpu.memory_space<vmem>>, vector<1x16xf32>,
        %get3A_781 = vector.shape_cast %get3A_780 : vector<1x16xf32> to vector<16xf32>
        %mul3A_782 = arith.constant 11.3137083 : f32
        %mul3A_783 = vector.broadcast %mul3A_782 : f32 to vector<16xf32>
        %mul3A_784 = arith.mulf %get3A_781, %mul3A_783 : vector<16xf32>
        %swap3A_785 = arith.index_cast %add3A_755 : i32 to index
        %swap3A_786 = arith.constant 32 : index
        %swap3A_787 = tpu.vector_load %arg7[%swap3A_785, %swap3A_786] {strides = array<i32>} : memref<128x128xf32, #tpu.memory_space<vmem>>, vector<1x16xf32>,
        %swap3A_788 = vector.shape_cast %swap3A_787 : vector<1x16xf32> to vector<16xf32>
        %swap3A_789 = vector.shape_cast %mul3A_784 : vector<16xf32> to vector<1x16xf32>
        tpu.vector_store %arg7[%swap3A_785, %swap3A_786], %swap3A_789 {strides = array<i32>} : memref<128x128xf32, #tpu.memory_space<vmem>>, vector<1x16xf32>,
        %get3A_790 = arith.index_cast %add3A_755 : i32 to index
        %get3A_791 = arith.constant 48 : index
        %get3A_792 = tpu.vector_load %arg7[%get3A_790, %get3A_791] {strides = array<i32>} : memref<128x128xf32, #tpu.memory_space<vmem>>, vector<1x16xf32>,
        %get3A_793 = vector.shape_cast %get3A_792 : vector<1x16xf32> to vector<16xf32>
        %mul3A_794 = arith.constant 11.3137083 : f32
        %mul3A_795 = vector.broadcast %mul3A_794 : f32 to vector<16xf32>
        %mul3A_796 = arith.mulf %get3A_793, %mul3A_795 : vector<16xf32>
        %swap3A_797 = arith.index_cast %add3A_755 : i32 to index
        %swap3A_798 = arith.constant 48 : index
        %swap3A_799 = tpu.vector_load %arg7[%swap3A_797, %swap3A_798] {strides = array<i32>} : memref<128x128xf32, #tpu.memory_space<vmem>>, vector<1x16xf32>,
        %swap3A_800 = vector.shape_cast %swap3A_799 : vector<1x16xf32> to vector<16xf32>
        %swap3A_801 = vector.shape_cast %mul3A_796 : vector<16xf32> to vector<1x16xf32>
        tpu.vector_store %arg7[%swap3A_797, %swap3A_798], %swap3A_801 {strides = array<i32>} : memref<128x128xf32, #tpu.memory_space<vmem>>, vector<1x16xf32>,
        %get3A_802 = arith.index_cast %add3A_755 : i32 to index
        %get3A_803 = arith.constant 64 : index
        %get3A_804 = tpu.vector_load %arg7[%get3A_802, %get3A_803] {strides = array<i32>} : memref<128x128xf32, #tpu.memory_space<vmem>>, vector<1x16xf32>,
        %get3A_805 = vector.shape_cast %get3A_804 : vector<1x16xf32> to vector<16xf32>
        %mul3A_806 = arith.constant 11.3137083 : f32
        %mul3A_807 = vector.broadcast %mul3A_806 : f32 to vector<16xf32>
        %mul3A_808 = arith.mulf %get3A_805, %mul3A_807 : vector<16xf32>
        %swap3A_809 = arith.index_cast %add3A_755 : i32 to index
        %swap3A_810 = arith.constant 64 : index
        %swap3A_811 = tpu.vector_load %arg7[%swap3A_809, %swap3A_810] {strides = array<i32>} : memref<128x128xf32, #tpu.memory_space<vmem>>, vector<1x16xf32>,
        %swap3A_812 = vector.shape_cast %swap3A_811 : vector<1x16xf32> to vector<16xf32>
        %swap3A_813 = vector.shape_cast %mul3A_808 : vector<16xf32> to vector<1x16xf32>
        tpu.vector_store %arg7[%swap3A_809, %swap3A_810], %swap3A_813 {strides = array<i32>} : memref<128x128xf32, #tpu.memory_space<vmem>>, vector<1x16xf32>,
        %get3A_814 = arith.index_cast %add3A_755 : i32 to index
        %get3A_815 = arith.constant 80 : index
        %get3A_816 = tpu.vector_load %arg7[%get3A_814, %get3A_815] {strides = array<i32>} : memref<128x128xf32, #tpu.memory_space<vmem>>, vector<1x16xf32>,
        %get3A_817 = vector.shape_cast %get3A_816 : vector<1x16xf32> to vector<16xf32>
        %mul3A_818 = arith.constant 11.3137083 : f32
        %mul3A_819 = vector.broadcast %mul3A_818 : f32 to vector<16xf32>
        %mul3A_820 = arith.mulf %get3A_817, %mul3A_819 : vector<16xf32>
        %swap3A_821 = arith.index_cast %add3A_755 : i32 to index
        %swap3A_822 = arith.constant 80 : index
        %swap3A_823 = tpu.vector_load %arg7[%swap3A_821, %swap3A_822] {strides = array<i32>} : memref<128x128xf32, #tpu.memory_space<vmem>>, vector<1x16xf32>,
        %swap3A_824 = vector.shape_cast %swap3A_823 : vector<1x16xf32> to vector<16xf32>
        %swap3A_825 = vector.shape_cast %mul3A_820 : vector<16xf32> to vector<1x16xf32>
        tpu.vector_store %arg7[%swap3A_821, %swap3A_822], %swap3A_825 {strides = array<i32>} : memref<128x128xf32, #tpu.memory_space<vmem>>, vector<1x16xf32>,
        %get3A_826 = arith.index_cast %add3A_755 : i32 to index
        %get3A_827 = arith.constant 96 : index
        %get3A_828 = tpu.vector_load %arg7[%get3A_826, %get3A_827] {strides = array<i32>} : memref<128x128xf32, #tpu.memory_space<vmem>>, vector<1x16xf32>,
        %get3A_829 = vector.shape_cast %get3A_828 : vector<1x16xf32> to vector<16xf32>
        %mul3A_830 = arith.constant 11.3137083 : f32
        %mul3A_831 = vector.broadcast %mul3A_830 : f32 to vector<16xf32>
        %mul3A_832 = arith.mulf %get3A_829, %mul3A_831 : vector<16xf32>
        %swap3A_833 = arith.index_cast %add3A_755 : i32 to index
        %swap3A_834 = arith.constant 96 : index
        %swap3A_835 = tpu.vector_load %arg7[%swap3A_833, %swap3A_834] {strides = array<i32>} : memref<128x128xf32, #tpu.memory_space<vmem>>, vector<1x16xf32>,
        %swap3A_836 = vector.shape_cast %swap3A_835 : vector<1x16xf32> to vector<16xf32>
        %swap3A_837 = vector.shape_cast %mul3A_832 : vector<16xf32> to vector<1x16xf32>
        tpu.vector_store %arg7[%swap3A_833, %swap3A_834], %swap3A_837 {strides = array<i32>} : memref<128x128xf32, #tpu.memory_space<vmem>>, vector<1x16xf32>,
        %get3A_838 = arith.index_cast %add3A_755 : i32 to index
        %get3A_839 = arith.constant 112 : index
        %get3A_840 = tpu.vector_load %arg7[%get3A_838, %get3A_839] {strides = array<i32>} : memref<128x128xf32, #tpu.memory_space<vmem>>, vector<1x16xf32>,
        %get3A_841 = vector.shape_cast %get3A_840 : vector<1x16xf32> to vector<16xf32>
        %mul3A_842 = arith.constant 11.3137083 : f32
        %mul3A_843 = vector.broadcast %mul3A_842 : f32 to vector<16xf32>
        %mul3A_844 = arith.mulf %get3A_841, %mul3A_843 : vector<16xf32>
        %swap3A_845 = arith.index_cast %add3A_755 : i32 to index
        %swap3A_846 = arith.constant 112 : index
        %swap3A_847 = tpu.vector_load %arg7[%swap3A_845, %swap3A_846] {strides = array<i32>} : memref<128x128xf32, #tpu.memory_space<vmem>>, vector<1x16xf32>,
        %swap3A_848 = vector.shape_cast %swap3A_847 : vector<1x16xf32> to vector<16xf32>
        %swap3A_849 = vector.shape_cast %mul3A_844 : vector<16xf32> to vector<1x16xf32>
        tpu.vector_store %arg7[%swap3A_845, %swap3A_846], %swap3A_849 {strides = array<i32>} : memref<128x128xf32, #tpu.memory_space<vmem>>, vector<1x16xf32>,
      }
      %scan3A_478 = arith.constant 128 : i32
      %mul3A_479 = arith.constant 128 : i32
      %mul3A_480 = arith.muli %add3A_457, %mul3A_479 : i32
      %add3A_481 = arith.addi %mul3A_2, %mul3A_480 : i32
      %dma_start3A_482 = arith.constant 0 : i32
      %dma_start3A_483 = tpu.memref_slice %arg4[%add3A_481, %dma_start3A_482] : memref<204800x128xf32, #tpu.memory_space<hbm>> -> memref<128x128xf32, #tpu.memory_space<hbm>>
      %dma_start3A_484 = arith.constant 0 : i32
      %dma_start3A_485 = tpu.memref_slice %arg4[%add3A_481, %dma_start3A_484] : memref<204800x128xf32, #tpu.memory_space<hbm>> -> memref<128x128xf32, #tpu.memory_space<hbm>>
      tpu.enqueue_dma source(%arg7 : memref<128x128xf32, #tpu.memory_space<vmem>>) target(%dma_start3A_485 : memref<128x128xf32, #tpu.memory_space<hbm>>) target_semaphore(%arg19 : memref<!tpu.dma_semaphore, #tpu.memory_space<semaphore_mem>>)
      %ge3A_486 = arith.constant 3 : i32
      %ge3A_487 = arith.cmpi sge, %add3A_457, %ge3A_486 : i32
      %convert_element_type3A_488 = arith.extui %ge3A_487 : i1 to i32
      %cond3A_489 = arith.constant 0 : i32
      %cond3A_490 = arith.cmpi ne, %convert_element_type3A_488, %cond3A_489 : i32
      scf.if %cond3A_490 {
        %dma_wait3A_751 = arith.constant 0 : i32
        %dma_wait3A_752 = tpu.memref_slice %arg4[%mul3A_2, %dma_wait3A_751] : memref<204800x128xf32, #tpu.memory_space<hbm>> -> memref<128x128xf32, #tpu.memory_space<hbm>>
        %dma_wait3A_753 = arith.constant 0 : i32
        %dma_wait3A_754 = tpu.memref_slice %arg4[%mul3A_2, %dma_wait3A_753] : memref<204800x128xf32, #tpu.memory_space<hbm>> -> memref<128x128xf32, #tpu.memory_space<hbm>>
        tpu.wait_dma2 semaphore(%arg22 : memref<!tpu.dma_semaphore, #tpu.memory_space<semaphore_mem>>) src(%arg10 : memref<128x128xf32, #tpu.memory_space<vmem>>) dst(%dma_wait3A_754 : memref<128x128xf32, #tpu.memory_space<hbm>>)
      } else {
      }
      %add3A_491 = arith.constant 3 : i32
      %add3A_492 = arith.addi %add3A_457, %add3A_491 : i32
      %mul3A_493 = arith.constant 128 : i32
      %mul3A_494 = arith.muli %add3A_492, %mul3A_493 : i32
      %add3A_495 = arith.constant 0 : i32
      %add3A_496 = arith.addi %mul3A_494, %add3A_495 : i32
      %dma_start3A_497 = arith.constant 0 : i32
      %dma_start3A_498 = arith.constant 0 : i32
      %dma_start3A_499 = tpu.memref_slice %arg10[%dma_start3A_497, %dma_start3A_498] : memref<128x128xf32, #tpu.memory_space<vmem>> -> memref<64x128xf32, #tpu.memory_space<vmem>>
      %dma_start3A_500 = tpu.memref_slice %arg5[%add3A_496] : memref<6400xi32, #tpu.memory_space<vmem>> -> memref<64xi32, #tpu.memory_space<vmem>>
      %dma_start3A_501 = arith.constant 0 : i32
      %dma_start3A_502 = arith.constant 0 : i32
      %dma_start3A_503 = tpu.memref_slice %arg3[%dma_start3A_501, %dma_start3A_502] : memref<100000x128xf32, #tpu.memory_space<hbm>> -> memref<100000x128xf32, #tpu.memory_space<hbm>>
      tpu.enqueue_indirect_dma source(%dma_start3A_503 : memref<100000x128xf32, #tpu.memory_space<hbm>>) target(%dma_start3A_499 : memref<64x128xf32, #tpu.memory_space<vmem>>) offsets(%dma_start3A_500 : memref<64xi32, #tpu.memory_space<vmem>>) semaphore(%arg16 : memref<!tpu.dma_semaphore, #tpu.memory_space<semaphore_mem>>)
      %mul3A_504 = arith.constant 128 : i32
      %mul3A_505 = arith.muli %add3A_492, %mul3A_504 : i32
      %add3A_506 = arith.constant 64 : i32
      %add3A_507 = arith.addi %mul3A_505, %add3A_506 : i32
      %dma_start3A_508 = arith.constant 64 : i32
      %dma_start3A_509 = arith.constant 0 : i32
      %dma_start3A_510 = tpu.memref_slice %arg10[%dma_start3A_508, %dma_start3A_509] : memref<128x128xf32, #tpu.memory_space<vmem>> -> memref<64x128xf32, #tpu.memory_space<vmem>>
      %dma_start3A_511 = tpu.memref_slice %arg5[%add3A_507] : memref<6400xi32, #tpu.memory_space<vmem>> -> memref<64xi32, #tpu.memory_space<vmem>>
      %dma_start3A_512 = arith.constant 0 : i32
      %dma_start3A_513 = arith.constant 0 : i32
      %dma_start3A_514 = tpu.memref_slice %arg3[%dma_start3A_512, %dma_start3A_513] : memref<100000x128xf32, #tpu.memory_space<hbm>> -> memref<100000x128xf32, #tpu.memory_space<hbm>>
      tpu.enqueue_indirect_dma source(%dma_start3A_514 : memref<100000x128xf32, #tpu.memory_space<hbm>>) target(%dma_start3A_510 : memref<64x128xf32, #tpu.memory_space<vmem>>) offsets(%dma_start3A_511 : memref<64xi32, #tpu.memory_space<vmem>>) semaphore(%arg16 : memref<!tpu.dma_semaphore, #tpu.memory_space<semaphore_mem>>)
      %add3A_515 = arith.constant 2 : i32
      %add3A_516 = arith.addi %add3A_399, %add3A_515 : i32
      %dma_wait3A_517 = arith.constant 0 : i32
      %dma_wait3A_518 = arith.constant 0 : i32
      %dma_wait3A_519 = tpu.memref_slice %arg8[%dma_wait3A_517, %dma_wait3A_518] : memref<128x128xf32, #tpu.memory_space<vmem>> -> memref<64x128xf32, #tpu.memory_space<vmem>>
      %dma_wait3A_520 = arith.constant 0 : i32
      %dma_wait3A_521 = tpu.memref_slice %arg5[%dma_wait3A_520] : memref<6400xi32, #tpu.memory_space<vmem>> -> memref<64xi32, #tpu.memory_space<vmem>>
      %dma_wait3A_522 = arith.constant 0 : i32
      %dma_wait3A_523 = arith.constant 0 : i32
      %dma_wait3A_524 = tpu.memref_slice %arg3[%dma_wait3A_522, %dma_wait3A_523] : memref<100000x128xf32, #tpu.memory_space<hbm>> -> memref<100000x128xf32, #tpu.memory_space<hbm>>
      tpu.wait_indirect_dma semaphore(%arg14 : memref<!tpu.dma_semaphore, #tpu.memory_space<semaphore_mem>>) src(%dma_wait3A_524 : memref<100000x128xf32, #tpu.memory_space<hbm>>) dst(%dma_wait3A_519 : memref<64x128xf32, #tpu.memory_space<vmem>>)
      %dma_wait3A_525 = arith.constant 64 : i32
      %dma_wait3A_526 = arith.constant 0 : i32
      %dma_wait3A_527 = tpu.memref_slice %arg8[%dma_wait3A_525, %dma_wait3A_526] : memref<128x128xf32, #tpu.memory_space<vmem>> -> memref<64x128xf32, #tpu.memory_space<vmem>>
      %dma_wait3A_528 = arith.constant 0 : i32
      %dma_wait3A_529 = tpu.memref_slice %arg5[%dma_wait3A_528] : memref<6400xi32, #tpu.memory_space<vmem>> -> memref<64xi32, #tpu.memory_space<vmem>>
      %dma_wait3A_530 = arith.constant 0 : i32
      %dma_wait3A_531 = arith.constant 0 : i32
      %dma_wait3A_532 = tpu.memref_slice %arg3[%dma_wait3A_530, %dma_wait3A_531] : memref<100000x128xf32, #tpu.memory_space<hbm>> -> memref<100000x128xf32, #tpu.memory_space<hbm>>
      tpu.wait_indirect_dma semaphore(%arg14 : memref<!tpu.dma_semaphore, #tpu.memory_space<semaphore_mem>>) src(%dma_wait3A_532 : memref<100000x128xf32, #tpu.memory_space<hbm>>) dst(%dma_wait3A_527 : memref<64x128xf32, #tpu.memory_space<vmem>>)
      %scan3A_533 = arith.constant 0 : i32
      %scan3A_534 = arith.constant 128 : i32
      %scan3A_535 = arith.addi %scan3A_533, %scan3A_534 : i32
      %scan3A_536 = arith.constant 1 : i32
      scf.for %scan3A_751 = %scan3A_533 to %scan3A_535 step %scan3A_536  : i32 {
        %mul3A_752 = arith.constant 1 : i32
        %mul3A_753 = arith.muli %scan3A_751, %mul3A_752 : i32
        %add3A_754 = arith.constant 0 : i32
        %add3A_755 = arith.addi %add3A_754, %mul3A_753 : i32
        %get3A = arith.index_cast %add3A_755 : i32 to index
        %get3A_756 = arith.constant 0 : index
        %get3A_757 = tpu.vector_load %arg8[%get3A, %get3A_756] {strides = array<i32>} : memref<128x128xf32, #tpu.memory_space<vmem>>, vector<1x16xf32>,
        %get3A_758 = vector.shape_cast %get3A_757 : vector<1x16xf32> to vector<16xf32>
        %mul3A_759 = arith.constant 11.3137083 : f32
        %mul3A_760 = vector.broadcast %mul3A_759 : f32 to vector<16xf32>
        %mul3A_761 = arith.mulf %get3A_758, %mul3A_760 : vector<16xf32>
        %swap3A = arith.index_cast %add3A_755 : i32 to index
        %swap3A_762 = arith.constant 0 : index
        %swap3A_763 = tpu.vector_load %arg8[%swap3A, %swap3A_762] {strides = array<i32>} : memref<128x128xf32, #tpu.memory_space<vmem>>, vector<1x16xf32>,
        %swap3A_764 = vector.shape_cast %swap3A_763 : vector<1x16xf32> to vector<16xf32>
        %swap3A_765 = vector.shape_cast %mul3A_761 : vector<16xf32> to vector<1x16xf32>
        tpu.vector_store %arg8[%swap3A, %swap3A_762], %swap3A_765 {strides = array<i32>} : memref<128x128xf32, #tpu.memory_space<vmem>>, vector<1x16xf32>,
        %get3A_766 = arith.index_cast %add3A_755 : i32 to index
        %get3A_767 = arith.constant 16 : index
        %get3A_768 = tpu.vector_load %arg8[%get3A_766, %get3A_767] {strides = array<i32>} : memref<128x128xf32, #tpu.memory_space<vmem>>, vector<1x16xf32>,
        %get3A_769 = vector.shape_cast %get3A_768 : vector<1x16xf32> to vector<16xf32>
        %mul3A_770 = arith.constant 11.3137083 : f32
        %mul3A_771 = vector.broadcast %mul3A_770 : f32 to vector<16xf32>
        %mul3A_772 = arith.mulf %get3A_769, %mul3A_771 : vector<16xf32>
        %swap3A_773 = arith.index_cast %add3A_755 : i32 to index
        %swap3A_774 = arith.constant 16 : index
        %swap3A_775 = tpu.vector_load %arg8[%swap3A_773, %swap3A_774] {strides = array<i32>} : memref<128x128xf32, #tpu.memory_space<vmem>>, vector<1x16xf32>,
        %swap3A_776 = vector.shape_cast %swap3A_775 : vector<1x16xf32> to vector<16xf32>
        %swap3A_777 = vector.shape_cast %mul3A_772 : vector<16xf32> to vector<1x16xf32>
        tpu.vector_store %arg8[%swap3A_773, %swap3A_774], %swap3A_777 {strides = array<i32>} : memref<128x128xf32, #tpu.memory_space<vmem>>, vector<1x16xf32>,
        %get3A_778 = arith.index_cast %add3A_755 : i32 to index
        %get3A_779 = arith.constant 32 : index
        %get3A_780 = tpu.vector_load %arg8[%get3A_778, %get3A_779] {strides = array<i32>} : memref<128x128xf32, #tpu.memory_space<vmem>>, vector<1x16xf32>,
        %get3A_781 = vector.shape_cast %get3A_780 : vector<1x16xf32> to vector<16xf32>
        %mul3A_782 = arith.constant 11.3137083 : f32
        %mul3A_783 = vector.broadcast %mul3A_782 : f32 to vector<16xf32>
        %mul3A_784 = arith.mulf %get3A_781, %mul3A_783 : vector<16xf32>
        %swap3A_785 = arith.index_cast %add3A_755 : i32 to index
        %swap3A_786 = arith.constant 32 : index
        %swap3A_787 = tpu.vector_load %arg8[%swap3A_785, %swap3A_786] {strides = array<i32>} : memref<128x128xf32, #tpu.memory_space<vmem>>, vector<1x16xf32>,
        %swap3A_788 = vector.shape_cast %swap3A_787 : vector<1x16xf32> to vector<16xf32>
        %swap3A_789 = vector.shape_cast %mul3A_784 : vector<16xf32> to vector<1x16xf32>
        tpu.vector_store %arg8[%swap3A_785, %swap3A_786], %swap3A_789 {strides = array<i32>} : memref<128x128xf32, #tpu.memory_space<vmem>>, vector<1x16xf32>,
        %get3A_790 = arith.index_cast %add3A_755 : i32 to index
        %get3A_791 = arith.constant 48 : index
        %get3A_792 = tpu.vector_load %arg8[%get3A_790, %get3A_791] {strides = array<i32>} : memref<128x128xf32, #tpu.memory_space<vmem>>, vector<1x16xf32>,
        %get3A_793 = vector.shape_cast %get3A_792 : vector<1x16xf32> to vector<16xf32>
        %mul3A_794 = arith.constant 11.3137083 : f32
        %mul3A_795 = vector.broadcast %mul3A_794 : f32 to vector<16xf32>
        %mul3A_796 = arith.mulf %get3A_793, %mul3A_795 : vector<16xf32>
        %swap3A_797 = arith.index_cast %add3A_755 : i32 to index
        %swap3A_798 = arith.constant 48 : index
        %swap3A_799 = tpu.vector_load %arg8[%swap3A_797, %swap3A_798] {strides = array<i32>} : memref<128x128xf32, #tpu.memory_space<vmem>>, vector<1x16xf32>,
        %swap3A_800 = vector.shape_cast %swap3A_799 : vector<1x16xf32> to vector<16xf32>
        %swap3A_801 = vector.shape_cast %mul3A_796 : vector<16xf32> to vector<1x16xf32>
        tpu.vector_store %arg8[%swap3A_797, %swap3A_798], %swap3A_801 {strides = array<i32>} : memref<128x128xf32, #tpu.memory_space<vmem>>, vector<1x16xf32>,
        %get3A_802 = arith.index_cast %add3A_755 : i32 to index
        %get3A_803 = arith.constant 64 : index
        %get3A_804 = tpu.vector_load %arg8[%get3A_802, %get3A_803] {strides = array<i32>} : memref<128x128xf32, #tpu.memory_space<vmem>>, vector<1x16xf32>,
        %get3A_805 = vector.shape_cast %get3A_804 : vector<1x16xf32> to vector<16xf32>
        %mul3A_806 = arith.constant 11.3137083 : f32
        %mul3A_807 = vector.broadcast %mul3A_806 : f32 to vector<16xf32>
        %mul3A_808 = arith.mulf %get3A_805, %mul3A_807 : vector<16xf32>
        %swap3A_809 = arith.index_cast %add3A_755 : i32 to index
        %swap3A_810 = arith.constant 64 : index
        %swap3A_811 = tpu.vector_load %arg8[%swap3A_809, %swap3A_810] {strides = array<i32>} : memref<128x128xf32, #tpu.memory_space<vmem>>, vector<1x16xf32>,
        %swap3A_812 = vector.shape_cast %swap3A_811 : vector<1x16xf32> to vector<16xf32>
        %swap3A_813 = vector.shape_cast %mul3A_808 : vector<16xf32> to vector<1x16xf32>
        tpu.vector_store %arg8[%swap3A_809, %swap3A_810], %swap3A_813 {strides = array<i32>} : memref<128x128xf32, #tpu.memory_space<vmem>>, vector<1x16xf32>,
        %get3A_814 = arith.index_cast %add3A_755 : i32 to index
        %get3A_815 = arith.constant 80 : index
        %get3A_816 = tpu.vector_load %arg8[%get3A_814, %get3A_815] {strides = array<i32>} : memref<128x128xf32, #tpu.memory_space<vmem>>, vector<1x16xf32>,
        %get3A_817 = vector.shape_cast %get3A_816 : vector<1x16xf32> to vector<16xf32>
        %mul3A_818 = arith.constant 11.3137083 : f32
        %mul3A_819 = vector.broadcast %mul3A_818 : f32 to vector<16xf32>
        %mul3A_820 = arith.mulf %get3A_817, %mul3A_819 : vector<16xf32>
        %swap3A_821 = arith.index_cast %add3A_755 : i32 to index
        %swap3A_822 = arith.constant 80 : index
        %swap3A_823 = tpu.vector_load %arg8[%swap3A_821, %swap3A_822] {strides = array<i32>} : memref<128x128xf32, #tpu.memory_space<vmem>>, vector<1x16xf32>,
        %swap3A_824 = vector.shape_cast %swap3A_823 : vector<1x16xf32> to vector<16xf32>
        %swap3A_825 = vector.shape_cast %mul3A_820 : vector<16xf32> to vector<1x16xf32>
        tpu.vector_store %arg8[%swap3A_821, %swap3A_822], %swap3A_825 {strides = array<i32>} : memref<128x128xf32, #tpu.memory_space<vmem>>, vector<1x16xf32>,
        %get3A_826 = arith.index_cast %add3A_755 : i32 to index
        %get3A_827 = arith.constant 96 : index
        %get3A_828 = tpu.vector_load %arg8[%get3A_826, %get3A_827] {strides = array<i32>} : memref<128x128xf32, #tpu.memory_space<vmem>>, vector<1x16xf32>,
        %get3A_829 = vector.shape_cast %get3A_828 : vector<1x16xf32> to vector<16xf32>
        %mul3A_830 = arith.constant 11.3137083 : f32
        %mul3A_831 = vector.broadcast %mul3A_830 : f32 to vector<16xf32>
        %mul3A_832 = arith.mulf %get3A_829, %mul3A_831 : vector<16xf32>
        %swap3A_833 = arith.index_cast %add3A_755 : i32 to index
        %swap3A_834 = arith.constant 96 : index
        %swap3A_835 = tpu.vector_load %arg8[%swap3A_833, %swap3A_834] {strides = array<i32>} : memref<128x128xf32, #tpu.memory_space<vmem>>, vector<1x16xf32>,
        %swap3A_836 = vector.shape_cast %swap3A_835 : vector<1x16xf32> to vector<16xf32>
        %swap3A_837 = vector.shape_cast %mul3A_832 : vector<16xf32> to vector<1x16xf32>
        tpu.vector_store %arg8[%swap3A_833, %swap3A_834], %swap3A_837 {strides = array<i32>} : memref<128x128xf32, #tpu.memory_space<vmem>>, vector<1x16xf32>,
        %get3A_838 = arith.index_cast %add3A_755 : i32 to index
        %get3A_839 = arith.constant 112 : index
        %get3A_840 = tpu.vector_load %arg8[%get3A_838, %get3A_839] {strides = array<i32>} : memref<128x128xf32, #tpu.memory_space<vmem>>, vector<1x16xf32>,
        %get3A_841 = vector.shape_cast %get3A_840 : vector<1x16xf32> to vector<16xf32>
        %mul3A_842 = arith.constant 11.3137083 : f32
        %mul3A_843 = vector.broadcast %mul3A_842 : f32 to vector<16xf32>
        %mul3A_844 = arith.mulf %get3A_841, %mul3A_843 : vector<16xf32>
        %swap3A_845 = arith.index_cast %add3A_755 : i32 to index
        %swap3A_846 = arith.constant 112 : index
        %swap3A_847 = tpu.vector_load %arg8[%swap3A_845, %swap3A_846] {strides = array<i32>} : memref<128x128xf32, #tpu.memory_space<vmem>>, vector<1x16xf32>,
        %swap3A_848 = vector.shape_cast %swap3A_847 : vector<1x16xf32> to vector<16xf32>
        %swap3A_849 = vector.shape_cast %mul3A_844 : vector<16xf32> to vector<1x16xf32>
        tpu.vector_store %arg8[%swap3A_845, %swap3A_846], %swap3A_849 {strides = array<i32>} : memref<128x128xf32, #tpu.memory_space<vmem>>, vector<1x16xf32>,
      }
      %scan3A_537 = arith.constant 128 : i32
      %mul3A_538 = arith.constant 128 : i32
      %mul3A_539 = arith.muli %add3A_516, %mul3A_538 : i32
      %add3A_540 = arith.addi %mul3A_2, %mul3A_539 : i32
      %dma_start3A_541 = arith.constant 0 : i32
      %dma_start3A_542 = tpu.memref_slice %arg4[%add3A_540, %dma_start3A_541] : memref<204800x128xf32, #tpu.memory_space<hbm>> -> memref<128x128xf32, #tpu.memory_space<hbm>>
      %dma_start3A_543 = arith.constant 0 : i32
      %dma_start3A_544 = tpu.memref_slice %arg4[%add3A_540, %dma_start3A_543] : memref<204800x128xf32, #tpu.memory_space<hbm>> -> memref<128x128xf32, #tpu.memory_space<hbm>>
      tpu.enqueue_dma source(%arg8 : memref<128x128xf32, #tpu.memory_space<vmem>>) target(%dma_start3A_544 : memref<128x128xf32, #tpu.memory_space<hbm>>) target_semaphore(%arg20 : memref<!tpu.dma_semaphore, #tpu.memory_space<semaphore_mem>>)
      %ge3A_545 = arith.constant 3 : i32
      %ge3A_546 = arith.cmpi sge, %add3A_516, %ge3A_545 : i32
      %convert_element_type3A_547 = arith.extui %ge3A_546 : i1 to i32
      %cond3A_548 = arith.constant 0 : i32
      %cond3A_549 = arith.cmpi ne, %convert_element_type3A_547, %cond3A_548 : i32
      scf.if %cond3A_549 {
        %dma_wait3A_751 = arith.constant 0 : i32
        %dma_wait3A_752 = tpu.memref_slice %arg4[%mul3A_2, %dma_wait3A_751] : memref<204800x128xf32, #tpu.memory_space<hbm>> -> memref<128x128xf32, #tpu.memory_space<hbm>>
        %dma_wait3A_753 = arith.constant 0 : i32
        %dma_wait3A_754 = tpu.memref_slice %arg4[%mul3A_2, %dma_wait3A_753] : memref<204800x128xf32, #tpu.memory_space<hbm>> -> memref<128x128xf32, #tpu.memory_space<hbm>>
        tpu.wait_dma2 semaphore(%arg23 : memref<!tpu.dma_semaphore, #tpu.memory_space<semaphore_mem>>) src(%arg11 : memref<128x128xf32, #tpu.memory_space<vmem>>) dst(%dma_wait3A_754 : memref<128x128xf32, #tpu.memory_space<hbm>>)
      } else {
      }
      %add3A_550 = arith.constant 3 : i32
      %add3A_551 = arith.addi %add3A_516, %add3A_550 : i32
      %mul3A_552 = arith.constant 128 : i32
      %mul3A_553 = arith.muli %add3A_551, %mul3A_552 : i32
      %add3A_554 = arith.constant 0 : i32
      %add3A_555 = arith.addi %mul3A_553, %add3A_554 : i32
      %dma_start3A_556 = arith.constant 0 : i32
      %dma_start3A_557 = arith.constant 0 : i32
      %dma_start3A_558 = tpu.memref_slice %arg11[%dma_start3A_556, %dma_start3A_557] : memref<128x128xf32, #tpu.memory_space<vmem>> -> memref<64x128xf32, #tpu.memory_space<vmem>>
      %dma_start3A_559 = tpu.memref_slice %arg5[%add3A_555] : memref<6400xi32, #tpu.memory_space<vmem>> -> memref<64xi32, #tpu.memory_space<vmem>>
      %dma_start3A_560 = arith.constant 0 : i32
      %dma_start3A_561 = arith.constant 0 : i32
      %dma_start3A_562 = tpu.memref_slice %arg3[%dma_start3A_560, %dma_start3A_561] : memref<100000x128xf32, #tpu.memory_space<hbm>> -> memref<100000x128xf32, #tpu.memory_space<hbm>>
      tpu.enqueue_indirect_dma source(%dma_start3A_562 : memref<100000x128xf32, #tpu.memory_space<hbm>>) target(%dma_start3A_558 : memref<64x128xf32, #tpu.memory_space<vmem>>) offsets(%dma_start3A_559 : memref<64xi32, #tpu.memory_space<vmem>>) semaphore(%arg17 : memref<!tpu.dma_semaphore, #tpu.memory_space<semaphore_mem>>)
      %mul3A_563 = arith.constant 128 : i32
      %mul3A_564 = arith.muli %add3A_551, %mul3A_563 : i32
      %add3A_565 = arith.constant 64 : i32
      %add3A_566 = arith.addi %mul3A_564, %add3A_565 : i32
      %dma_start3A_567 = arith.constant 64 : i32
      %dma_start3A_568 = arith.constant 0 : i32
      %dma_start3A_569 = tpu.memref_slice %arg11[%dma_start3A_567, %dma_start3A_568] : memref<128x128xf32, #tpu.memory_space<vmem>> -> memref<64x128xf32, #tpu.memory_space<vmem>>
      %dma_start3A_570 = tpu.memref_slice %arg5[%add3A_566] : memref<6400xi32, #tpu.memory_space<vmem>> -> memref<64xi32, #tpu.memory_space<vmem>>
      %dma_start3A_571 = arith.constant 0 : i32
      %dma_start3A_572 = arith.constant 0 : i32
      %dma_start3A_573 = tpu.memref_slice %arg3[%dma_start3A_571, %dma_start3A_572] : memref<100000x128xf32, #tpu.memory_space<hbm>> -> memref<100000x128xf32, #tpu.memory_space<hbm>>
      tpu.enqueue_indirect_dma source(%dma_start3A_573 : memref<100000x128xf32, #tpu.memory_space<hbm>>) target(%dma_start3A_569 : memref<64x128xf32, #tpu.memory_space<vmem>>) offsets(%dma_start3A_570 : memref<64xi32, #tpu.memory_space<vmem>>) semaphore(%arg17 : memref<!tpu.dma_semaphore, #tpu.memory_space<semaphore_mem>>)
      %add3A_574 = arith.constant 3 : i32
      %add3A_575 = arith.addi %add3A_399, %add3A_574 : i32
      %dma_wait3A_576 = arith.constant 0 : i32
      %dma_wait3A_577 = arith.constant 0 : i32
      %dma_wait3A_578 = tpu.memref_slice %arg9[%dma_wait3A_576, %dma_wait3A_577] : memref<128x128xf32, #tpu.memory_space<vmem>> -> memref<64x128xf32, #tpu.memory_space<vmem>>
      %dma_wait3A_579 = arith.constant 0 : i32
      %dma_wait3A_580 = tpu.memref_slice %arg5[%dma_wait3A_579] : memref<6400xi32, #tpu.memory_space<vmem>> -> memref<64xi32, #tpu.memory_space<vmem>>
      %dma_wait3A_581 = arith.constant 0 : i32
      %dma_wait3A_582 = arith.constant 0 : i32
      %dma_wait3A_583 = tpu.memref_slice %arg3[%dma_wait3A_581, %dma_wait3A_582] : memref<100000x128xf32, #tpu.memory_space<hbm>> -> memref<100000x128xf32, #tpu.memory_space<hbm>>
      tpu.wait_indirect_dma semaphore(%arg15 : memref<!tpu.dma_semaphore, #tpu.memory_space<semaphore_mem>>) src(%dma_wait3A_583 : memref<100000x128xf32, #tpu.memory_space<hbm>>) dst(%dma_wait3A_578 : memref<64x128xf32, #tpu.memory_space<vmem>>)
      %dma_wait3A_584 = arith.constant 64 : i32
      %dma_wait3A_585 = arith.constant 0 : i32
      %dma_wait3A_586 = tpu.memref_slice %arg9[%dma_wait3A_584, %dma_wait3A_585] : memref<128x128xf32, #tpu.memory_space<vmem>> -> memref<64x128xf32, #tpu.memory_space<vmem>>
      %dma_wait3A_587 = arith.constant 0 : i32
      %dma_wait3A_588 = tpu.memref_slice %arg5[%dma_wait3A_587] : memref<6400xi32, #tpu.memory_space<vmem>> -> memref<64xi32, #tpu.memory_space<vmem>>
      %dma_wait3A_589 = arith.constant 0 : i32
      %dma_wait3A_590 = arith.constant 0 : i32
      %dma_wait3A_591 = tpu.memref_slice %arg3[%dma_wait3A_589, %dma_wait3A_590] : memref<100000x128xf32, #tpu.memory_space<hbm>> -> memref<100000x128xf32, #tpu.memory_space<hbm>>
      tpu.wait_indirect_dma semaphore(%arg15 : memref<!tpu.dma_semaphore, #tpu.memory_space<semaphore_mem>>) src(%dma_wait3A_591 : memref<100000x128xf32, #tpu.memory_space<hbm>>) dst(%dma_wait3A_586 : memref<64x128xf32, #tpu.memory_space<vmem>>)
      %scan3A_592 = arith.constant 0 : i32
      %scan3A_593 = arith.constant 128 : i32
      %scan3A_594 = arith.addi %scan3A_592, %scan3A_593 : i32
      %scan3A_595 = arith.constant 1 : i32
      scf.for %scan3A_751 = %scan3A_592 to %scan3A_594 step %scan3A_595  : i32 {
        %mul3A_752 = arith.constant 1 : i32
        %mul3A_753 = arith.muli %scan3A_751, %mul3A_752 : i32
        %add3A_754 = arith.constant 0 : i32
        %add3A_755 = arith.addi %add3A_754, %mul3A_753 : i32
        %get3A = arith.index_cast %add3A_755 : i32 to index
        %get3A_756 = arith.constant 0 : index
        %get3A_757 = tpu.vector_load %arg9[%get3A, %get3A_756] {strides = array<i32>} : memref<128x128xf32, #tpu.memory_space<vmem>>, vector<1x16xf32>,
        %get3A_758 = vector.shape_cast %get3A_757 : vector<1x16xf32> to vector<16xf32>
        %mul3A_759 = arith.constant 11.3137083 : f32
        %mul3A_760 = vector.broadcast %mul3A_759 : f32 to vector<16xf32>
        %mul3A_761 = arith.mulf %get3A_758, %mul3A_760 : vector<16xf32>
        %swap3A = arith.index_cast %add3A_755 : i32 to index
        %swap3A_762 = arith.constant 0 : index
        %swap3A_763 = tpu.vector_load %arg9[%swap3A, %swap3A_762] {strides = array<i32>} : memref<128x128xf32, #tpu.memory_space<vmem>>, vector<1x16xf32>,
        %swap3A_764 = vector.shape_cast %swap3A_763 : vector<1x16xf32> to vector<16xf32>
        %swap3A_765 = vector.shape_cast %mul3A_761 : vector<16xf32> to vector<1x16xf32>
        tpu.vector_store %arg9[%swap3A, %swap3A_762], %swap3A_765 {strides = array<i32>} : memref<128x128xf32, #tpu.memory_space<vmem>>, vector<1x16xf32>,
        %get3A_766 = arith.index_cast %add3A_755 : i32 to index
        %get3A_767 = arith.constant 16 : index
        %get3A_768 = tpu.vector_load %arg9[%get3A_766, %get3A_767] {strides = array<i32>} : memref<128x128xf32, #tpu.memory_space<vmem>>, vector<1x16xf32>,
        %get3A_769 = vector.shape_cast %get3A_768 : vector<1x16xf32> to vector<16xf32>
        %mul3A_770 = arith.constant 11.3137083 : f32
        %mul3A_771 = vector.broadcast %mul3A_770 : f32 to vector<16xf32>
        %mul3A_772 = arith.mulf %get3A_769, %mul3A_771 : vector<16xf32>
        %swap3A_773 = arith.index_cast %add3A_755 : i32 to index
        %swap3A_774 = arith.constant 16 : index
        %swap3A_775 = tpu.vector_load %arg9[%swap3A_773, %swap3A_774] {strides = array<i32>} : memref<128x128xf32, #tpu.memory_space<vmem>>, vector<1x16xf32>,
        %swap3A_776 = vector.shape_cast %swap3A_775 : vector<1x16xf32> to vector<16xf32>
        %swap3A_777 = vector.shape_cast %mul3A_772 : vector<16xf32> to vector<1x16xf32>
        tpu.vector_store %arg9[%swap3A_773, %swap3A_774], %swap3A_777 {strides = array<i32>} : memref<128x128xf32, #tpu.memory_space<vmem>>, vector<1x16xf32>,
        %get3A_778 = arith.index_cast %add3A_755 : i32 to index
        %get3A_779 = arith.constant 32 : index
        %get3A_780 = tpu.vector_load %arg9[%get3A_778, %get3A_779] {strides = array<i32>} : memref<128x128xf32, #tpu.memory_space<vmem>>, vector<1x16xf32>,
        %get3A_781 = vector.shape_cast %get3A_780 : vector<1x16xf32> to vector<16xf32>
        %mul3A_782 = arith.constant 11.3137083 : f32
        %mul3A_783 = vector.broadcast %mul3A_782 : f32 to vector<16xf32>
        %mul3A_784 = arith.mulf %get3A_781, %mul3A_783 : vector<16xf32>
        %swap3A_785 = arith.index_cast %add3A_755 : i32 to index
        %swap3A_786 = arith.constant 32 : index
        %swap3A_787 = tpu.vector_load %arg9[%swap3A_785, %swap3A_786] {strides = array<i32>} : memref<128x128xf32, #tpu.memory_space<vmem>>, vector<1x16xf32>,
        %swap3A_788 = vector.shape_cast %swap3A_787 : vector<1x16xf32> to vector<16xf32>
        %swap3A_789 = vector.shape_cast %mul3A_784 : vector<16xf32> to vector<1x16xf32>
        tpu.vector_store %arg9[%swap3A_785, %swap3A_786], %swap3A_789 {strides = array<i32>} : memref<128x128xf32, #tpu.memory_space<vmem>>, vector<1x16xf32>,
        %get3A_790 = arith.index_cast %add3A_755 : i32 to index
        %get3A_791 = arith.constant 48 : index
        %get3A_792 = tpu.vector_load %arg9[%get3A_790, %get3A_791] {strides = array<i32>} : memref<128x128xf32, #tpu.memory_space<vmem>>, vector<1x16xf32>,
        %get3A_793 = vector.shape_cast %get3A_792 : vector<1x16xf32> to vector<16xf32>
        %mul3A_794 = arith.constant 11.3137083 : f32
        %mul3A_795 = vector.broadcast %mul3A_794 : f32 to vector<16xf32>
        %mul3A_796 = arith.mulf %get3A_793, %mul3A_795 : vector<16xf32>
        %swap3A_797 = arith.index_cast %add3A_755 : i32 to index
        %swap3A_798 = arith.constant 48 : index
        %swap3A_799 = tpu.vector_load %arg9[%swap3A_797, %swap3A_798] {strides = array<i32>} : memref<128x128xf32, #tpu.memory_space<vmem>>, vector<1x16xf32>,
        %swap3A_800 = vector.shape_cast %swap3A_799 : vector<1x16xf32> to vector<16xf32>
        %swap3A_801 = vector.shape_cast %mul3A_796 : vector<16xf32> to vector<1x16xf32>
        tpu.vector_store %arg9[%swap3A_797, %swap3A_798], %swap3A_801 {strides = array<i32>} : memref<128x128xf32, #tpu.memory_space<vmem>>, vector<1x16xf32>,
        %get3A_802 = arith.index_cast %add3A_755 : i32 to index
        %get3A_803 = arith.constant 64 : index
        %get3A_804 = tpu.vector_load %arg9[%get3A_802, %get3A_803] {strides = array<i32>} : memref<128x128xf32, #tpu.memory_space<vmem>>, vector<1x16xf32>,
        %get3A_805 = vector.shape_cast %get3A_804 : vector<1x16xf32> to vector<16xf32>
        %mul3A_806 = arith.constant 11.3137083 : f32
        %mul3A_807 = vector.broadcast %mul3A_806 : f32 to vector<16xf32>
        %mul3A_808 = arith.mulf %get3A_805, %mul3A_807 : vector<16xf32>
        %swap3A_809 = arith.index_cast %add3A_755 : i32 to index
        %swap3A_810 = arith.constant 64 : index
        %swap3A_811 = tpu.vector_load %arg9[%swap3A_809, %swap3A_810] {strides = array<i32>} : memref<128x128xf32, #tpu.memory_space<vmem>>, vector<1x16xf32>,
        %swap3A_812 = vector.shape_cast %swap3A_811 : vector<1x16xf32> to vector<16xf32>
        %swap3A_813 = vector.shape_cast %mul3A_808 : vector<16xf32> to vector<1x16xf32>
        tpu.vector_store %arg9[%swap3A_809, %swap3A_810], %swap3A_813 {strides = array<i32>} : memref<128x128xf32, #tpu.memory_space<vmem>>, vector<1x16xf32>,
        %get3A_814 = arith.index_cast %add3A_755 : i32 to index
        %get3A_815 = arith.constant 80 : index
        %get3A_816 = tpu.vector_load %arg9[%get3A_814, %get3A_815] {strides = array<i32>} : memref<128x128xf32, #tpu.memory_space<vmem>>, vector<1x16xf32>,
        %get3A_817 = vector.shape_cast %get3A_816 : vector<1x16xf32> to vector<16xf32>
        %mul3A_818 = arith.constant 11.3137083 : f32
        %mul3A_819 = vector.broadcast %mul3A_818 : f32 to vector<16xf32>
        %mul3A_820 = arith.mulf %get3A_817, %mul3A_819 : vector<16xf32>
        %swap3A_821 = arith.index_cast %add3A_755 : i32 to index
        %swap3A_822 = arith.constant 80 : index
        %swap3A_823 = tpu.vector_load %arg9[%swap3A_821, %swap3A_822] {strides = array<i32>} : memref<128x128xf32, #tpu.memory_space<vmem>>, vector<1x16xf32>,
        %swap3A_824 = vector.shape_cast %swap3A_823 : vector<1x16xf32> to vector<16xf32>
        %swap3A_825 = vector.shape_cast %mul3A_820 : vector<16xf32> to vector<1x16xf32>
        tpu.vector_store %arg9[%swap3A_821, %swap3A_822], %swap3A_825 {strides = array<i32>} : memref<128x128xf32, #tpu.memory_space<vmem>>, vector<1x16xf32>,
        %get3A_826 = arith.index_cast %add3A_755 : i32 to index
        %get3A_827 = arith.constant 96 : index
        %get3A_828 = tpu.vector_load %arg9[%get3A_826, %get3A_827] {strides = array<i32>} : memref<128x128xf32, #tpu.memory_space<vmem>>, vector<1x16xf32>,
        %get3A_829 = vector.shape_cast %get3A_828 : vector<1x16xf32> to vector<16xf32>
        %mul3A_830 = arith.constant 11.3137083 : f32
        %mul3A_831 = vector.broadcast %mul3A_830 : f32 to vector<16xf32>
        %mul3A_832 = arith.mulf %get3A_829, %mul3A_831 : vector<16xf32>
        %swap3A_833 = arith.index_cast %add3A_755 : i32 to index
        %swap3A_834 = arith.constant 96 : index
        %swap3A_835 = tpu.vector_load %arg9[%swap3A_833, %swap3A_834] {strides = array<i32>} : memref<128x128xf32, #tpu.memory_space<vmem>>, vector<1x16xf32>,
        %swap3A_836 = vector.shape_cast %swap3A_835 : vector<1x16xf32> to vector<16xf32>
        %swap3A_837 = vector.shape_cast %mul3A_832 : vector<16xf32> to vector<1x16xf32>
        tpu.vector_store %arg9[%swap3A_833, %swap3A_834], %swap3A_837 {strides = array<i32>} : memref<128x128xf32, #tpu.memory_space<vmem>>, vector<1x16xf32>,
        %get3A_838 = arith.index_cast %add3A_755 : i32 to index
        %get3A_839 = arith.constant 112 : index
        %get3A_840 = tpu.vector_load %arg9[%get3A_838, %get3A_839] {strides = array<i32>} : memref<128x128xf32, #tpu.memory_space<vmem>>, vector<1x16xf32>,
        %get3A_841 = vector.shape_cast %get3A_840 : vector<1x16xf32> to vector<16xf32>
        %mul3A_842 = arith.constant 11.3137083 : f32
        %mul3A_843 = vector.broadcast %mul3A_842 : f32 to vector<16xf32>
        %mul3A_844 = arith.mulf %get3A_841, %mul3A_843 : vector<16xf32>
        %swap3A_845 = arith.index_cast %add3A_755 : i32 to index
        %swap3A_846 = arith.constant 112 : index
        %swap3A_847 = tpu.vector_load %arg9[%swap3A_845, %swap3A_846] {strides = array<i32>} : memref<128x128xf32, #tpu.memory_space<vmem>>, vector<1x16xf32>,
        %swap3A_848 = vector.shape_cast %swap3A_847 : vector<1x16xf32> to vector<16xf32>
        %swap3A_849 = vector.shape_cast %mul3A_844 : vector<16xf32> to vector<1x16xf32>
        tpu.vector_store %arg9[%swap3A_845, %swap3A_846], %swap3A_849 {strides = array<i32>} : memref<128x128xf32, #tpu.memory_space<vmem>>, vector<1x16xf32>,
      }
      %scan3A_596 = arith.constant 128 : i32
      %mul3A_597 = arith.constant 128 : i32
      %mul3A_598 = arith.muli %add3A_575, %mul3A_597 : i32
      %add3A_599 = arith.addi %mul3A_2, %mul3A_598 : i32
      %dma_start3A_600 = arith.constant 0 : i32
      %dma_start3A_601 = tpu.memref_slice %arg4[%add3A_599, %dma_start3A_600] : memref<204800x128xf32, #tpu.memory_space<hbm>> -> memref<128x128xf32, #tpu.memory_space<hbm>>
      %dma_start3A_602 = arith.constant 0 : i32
      %dma_start3A_603 = tpu.memref_slice %arg4[%add3A_599, %dma_start3A_602] : memref<204800x128xf32, #tpu.memory_space<hbm>> -> memref<128x128xf32, #tpu.memory_space<hbm>>
      tpu.enqueue_dma source(%arg9 : memref<128x128xf32, #tpu.memory_space<vmem>>) target(%dma_start3A_603 : memref<128x128xf32, #tpu.memory_space<hbm>>) target_semaphore(%arg21 : memref<!tpu.dma_semaphore, #tpu.memory_space<semaphore_mem>>)
      %ge3A_604 = arith.constant 3 : i32
      %ge3A_605 = arith.cmpi sge, %add3A_575, %ge3A_604 : i32
      %convert_element_type3A_606 = arith.extui %ge3A_605 : i1 to i32
      %cond3A_607 = arith.constant 0 : i32
      %cond3A_608 = arith.cmpi ne, %convert_element_type3A_606, %cond3A_607 : i32
      scf.if %cond3A_608 {
        %dma_wait3A_751 = arith.constant 0 : i32
        %dma_wait3A_752 = tpu.memref_slice %arg4[%mul3A_2, %dma_wait3A_751] : memref<204800x128xf32, #tpu.memory_space<hbm>> -> memref<128x128xf32, #tpu.memory_space<hbm>>
        %dma_wait3A_753 = arith.constant 0 : i32
        %dma_wait3A_754 = tpu.memref_slice %arg4[%mul3A_2, %dma_wait3A_753] : memref<204800x128xf32, #tpu.memory_space<hbm>> -> memref<128x128xf32, #tpu.memory_space<hbm>>
        tpu.wait_dma2 semaphore(%arg18 : memref<!tpu.dma_semaphore, #tpu.memory_space<semaphore_mem>>) src(%arg6 : memref<128x128xf32, #tpu.memory_space<vmem>>) dst(%dma_wait3A_754 : memref<128x128xf32, #tpu.memory_space<hbm>>)
      } else {
      }
      %add3A_609 = arith.constant 3 : i32
      %add3A_610 = arith.addi %add3A_575, %add3A_609 : i32
      %mul3A_611 = arith.constant 128 : i32
      %mul3A_612 = arith.muli %add3A_610, %mul3A_611 : i32
      %add3A_613 = arith.constant 0 : i32
      %add3A_614 = arith.addi %mul3A_612, %add3A_613 : i32
      %dma_start3A_615 = arith.constant 0 : i32
      %dma_start3A_616 = arith.constant 0 : i32
      %dma_start3A_617 = tpu.memref_slice %arg6[%dma_start3A_615, %dma_start3A_616] : memref<128x128xf32, #tpu.memory_space<vmem>> -> memref<64x128xf32, #tpu.memory_space<vmem>>
      %dma_start3A_618 = tpu.memref_slice %arg5[%add3A_614] : memref<6400xi32, #tpu.memory_space<vmem>> -> memref<64xi32, #tpu.memory_space<vmem>>
      %dma_start3A_619 = arith.constant 0 : i32
      %dma_start3A_620 = arith.constant 0 : i32
      %dma_start3A_621 = tpu.memref_slice %arg3[%dma_start3A_619, %dma_start3A_620] : memref<100000x128xf32, #tpu.memory_space<hbm>> -> memref<100000x128xf32, #tpu.memory_space<hbm>>
      tpu.enqueue_indirect_dma source(%dma_start3A_621 : memref<100000x128xf32, #tpu.memory_space<hbm>>) target(%dma_start3A_617 : memref<64x128xf32, #tpu.memory_space<vmem>>) offsets(%dma_start3A_618 : memref<64xi32, #tpu.memory_space<vmem>>) semaphore(%arg12 : memref<!tpu.dma_semaphore, #tpu.memory_space<semaphore_mem>>)
      %mul3A_622 = arith.constant 128 : i32
      %mul3A_623 = arith.muli %add3A_610, %mul3A_622 : i32
      %add3A_624 = arith.constant 64 : i32
      %add3A_625 = arith.addi %mul3A_623, %add3A_624 : i32
      %dma_start3A_626 = arith.constant 64 : i32
      %dma_start3A_627 = arith.constant 0 : i32
      %dma_start3A_628 = tpu.memref_slice %arg6[%dma_start3A_626, %dma_start3A_627] : memref<128x128xf32, #tpu.memory_space<vmem>> -> memref<64x128xf32, #tpu.memory_space<vmem>>
      %dma_start3A_629 = tpu.memref_slice %arg5[%add3A_625] : memref<6400xi32, #tpu.memory_space<vmem>> -> memref<64xi32, #tpu.memory_space<vmem>>
      %dma_start3A_630 = arith.constant 0 : i32
      %dma_start3A_631 = arith.constant 0 : i32
      %dma_start3A_632 = tpu.memref_slice %arg3[%dma_start3A_630, %dma_start3A_631] : memref<100000x128xf32, #tpu.memory_space<hbm>> -> memref<100000x128xf32, #tpu.memory_space<hbm>>
      tpu.enqueue_indirect_dma source(%dma_start3A_632 : memref<100000x128xf32, #tpu.memory_space<hbm>>) target(%dma_start3A_628 : memref<64x128xf32, #tpu.memory_space<vmem>>) offsets(%dma_start3A_629 : memref<64xi32, #tpu.memory_space<vmem>>) semaphore(%arg12 : memref<!tpu.dma_semaphore, #tpu.memory_space<semaphore_mem>>)
      %add3A_633 = arith.constant 4 : i32
      %add3A_634 = arith.addi %add3A_399, %add3A_633 : i32
      %dma_wait3A_635 = arith.constant 0 : i32
      %dma_wait3A_636 = arith.constant 0 : i32
      %dma_wait3A_637 = tpu.memref_slice %arg10[%dma_wait3A_635, %dma_wait3A_636] : memref<128x128xf32, #tpu.memory_space<vmem>> -> memref<64x128xf32, #tpu.memory_space<vmem>>
      %dma_wait3A_638 = arith.constant 0 : i32
      %dma_wait3A_639 = tpu.memref_slice %arg5[%dma_wait3A_638] : memref<6400xi32, #tpu.memory_space<vmem>> -> memref<64xi32, #tpu.memory_space<vmem>>
      %dma_wait3A_640 = arith.constant 0 : i32
      %dma_wait3A_641 = arith.constant 0 : i32
      %dma_wait3A_642 = tpu.memref_slice %arg3[%dma_wait3A_640, %dma_wait3A_641] : memref<100000x128xf32, #tpu.memory_space<hbm>> -> memref<100000x128xf32, #tpu.memory_space<hbm>>
      tpu.wait_indirect_dma semaphore(%arg16 : memref<!tpu.dma_semaphore, #tpu.memory_space<semaphore_mem>>) src(%dma_wait3A_642 : memref<100000x128xf32, #tpu.memory_space<hbm>>) dst(%dma_wait3A_637 : memref<64x128xf32, #tpu.memory_space<vmem>>)
      %dma_wait3A_643 = arith.constant 64 : i32
      %dma_wait3A_644 = arith.constant 0 : i32
      %dma_wait3A_645 = tpu.memref_slice %arg10[%dma_wait3A_643, %dma_wait3A_644] : memref<128x128xf32, #tpu.memory_space<vmem>> -> memref<64x128xf32, #tpu.memory_space<vmem>>
      %dma_wait3A_646 = arith.constant 0 : i32
      %dma_wait3A_647 = tpu.memref_slice %arg5[%dma_wait3A_646] : memref<6400xi32, #tpu.memory_space<vmem>> -> memref<64xi32, #tpu.memory_space<vmem>>
      %dma_wait3A_648 = arith.constant 0 : i32
      %dma_wait3A_649 = arith.constant 0 : i32
      %dma_wait3A_650 = tpu.memref_slice %arg3[%dma_wait3A_648, %dma_wait3A_649] : memref<100000x128xf32, #tpu.memory_space<hbm>> -> memref<100000x128xf32, #tpu.memory_space<hbm>>
      tpu.wait_indirect_dma semaphore(%arg16 : memref<!tpu.dma_semaphore, #tpu.memory_space<semaphore_mem>>) src(%dma_wait3A_650 : memref<100000x128xf32, #tpu.memory_space<hbm>>) dst(%dma_wait3A_645 : memref<64x128xf32, #tpu.memory_space<vmem>>)
      %scan3A_651 = arith.constant 0 : i32
      %scan3A_652 = arith.constant 128 : i32
      %scan3A_653 = arith.addi %scan3A_651, %scan3A_652 : i32
      %scan3A_654 = arith.constant 1 : i32
      scf.for %scan3A_751 = %scan3A_651 to %scan3A_653 step %scan3A_654  : i32 {
        %mul3A_752 = arith.constant 1 : i32
        %mul3A_753 = arith.muli %scan3A_751, %mul3A_752 : i32
        %add3A_754 = arith.constant 0 : i32
        %add3A_755 = arith.addi %add3A_754, %mul3A_753 : i32
        %get3A = arith.index_cast %add3A_755 : i32 to index
        %get3A_756 = arith.constant 0 : index
        %get3A_757 = tpu.vector_load %arg10[%get3A, %get3A_756] {strides = array<i32>} : memref<128x128xf32, #tpu.memory_space<vmem>>, vector<1x16xf32>,
        %get3A_758 = vector.shape_cast %get3A_757 : vector<1x16xf32> to vector<16xf32>
        %mul3A_759 = arith.constant 11.3137083 : f32
        %mul3A_760 = vector.broadcast %mul3A_759 : f32 to vector<16xf32>
        %mul3A_761 = arith.mulf %get3A_758, %mul3A_760 : vector<16xf32>
        %swap3A = arith.index_cast %add3A_755 : i32 to index
        %swap3A_762 = arith.constant 0 : index
        %swap3A_763 = tpu.vector_load %arg10[%swap3A, %swap3A_762] {strides = array<i32>} : memref<128x128xf32, #tpu.memory_space<vmem>>, vector<1x16xf32>,
        %swap3A_764 = vector.shape_cast %swap3A_763 : vector<1x16xf32> to vector<16xf32>
        %swap3A_765 = vector.shape_cast %mul3A_761 : vector<16xf32> to vector<1x16xf32>
        tpu.vector_store %arg10[%swap3A, %swap3A_762], %swap3A_765 {strides = array<i32>} : memref<128x128xf32, #tpu.memory_space<vmem>>, vector<1x16xf32>,
        %get3A_766 = arith.index_cast %add3A_755 : i32 to index
        %get3A_767 = arith.constant 16 : index
        %get3A_768 = tpu.vector_load %arg10[%get3A_766, %get3A_767] {strides = array<i32>} : memref<128x128xf32, #tpu.memory_space<vmem>>, vector<1x16xf32>,
        %get3A_769 = vector.shape_cast %get3A_768 : vector<1x16xf32> to vector<16xf32>
        %mul3A_770 = arith.constant 11.3137083 : f32
        %mul3A_771 = vector.broadcast %mul3A_770 : f32 to vector<16xf32>
        %mul3A_772 = arith.mulf %get3A_769, %mul3A_771 : vector<16xf32>
        %swap3A_773 = arith.index_cast %add3A_755 : i32 to index
        %swap3A_774 = arith.constant 16 : index
        %swap3A_775 = tpu.vector_load %arg10[%swap3A_773, %swap3A_774] {strides = array<i32>} : memref<128x128xf32, #tpu.memory_space<vmem>>, vector<1x16xf32>,
        %swap3A_776 = vector.shape_cast %swap3A_775 : vector<1x16xf32> to vector<16xf32>
        %swap3A_777 = vector.shape_cast %mul3A_772 : vector<16xf32> to vector<1x16xf32>
        tpu.vector_store %arg10[%swap3A_773, %swap3A_774], %swap3A_777 {strides = array<i32>} : memref<128x128xf32, #tpu.memory_space<vmem>>, vector<1x16xf32>,
        %get3A_778 = arith.index_cast %add3A_755 : i32 to index
        %get3A_779 = arith.constant 32 : index
        %get3A_780 = tpu.vector_load %arg10[%get3A_778, %get3A_779] {strides = array<i32>} : memref<128x128xf32, #tpu.memory_space<vmem>>, vector<1x16xf32>,
        %get3A_781 = vector.shape_cast %get3A_780 : vector<1x16xf32> to vector<16xf32>
        %mul3A_782 = arith.constant 11.3137083 : f32
        %mul3A_783 = vector.broadcast %mul3A_782 : f32 to vector<16xf32>
        %mul3A_784 = arith.mulf %get3A_781, %mul3A_783 : vector<16xf32>
        %swap3A_785 = arith.index_cast %add3A_755 : i32 to index
        %swap3A_786 = arith.constant 32 : index
        %swap3A_787 = tpu.vector_load %arg10[%swap3A_785, %swap3A_786] {strides = array<i32>} : memref<128x128xf32, #tpu.memory_space<vmem>>, vector<1x16xf32>,
        %swap3A_788 = vector.shape_cast %swap3A_787 : vector<1x16xf32> to vector<16xf32>
        %swap3A_789 = vector.shape_cast %mul3A_784 : vector<16xf32> to vector<1x16xf32>
        tpu.vector_store %arg10[%swap3A_785, %swap3A_786], %swap3A_789 {strides = array<i32>} : memref<128x128xf32, #tpu.memory_space<vmem>>, vector<1x16xf32>,
        %get3A_790 = arith.index_cast %add3A_755 : i32 to index
        %get3A_791 = arith.constant 48 : index
        %get3A_792 = tpu.vector_load %arg10[%get3A_790, %get3A_791] {strides = array<i32>} : memref<128x128xf32, #tpu.memory_space<vmem>>, vector<1x16xf32>,
        %get3A_793 = vector.shape_cast %get3A_792 : vector<1x16xf32> to vector<16xf32>
        %mul3A_794 = arith.constant 11.3137083 : f32
        %mul3A_795 = vector.broadcast %mul3A_794 : f32 to vector<16xf32>
        %mul3A_796 = arith.mulf %get3A_793, %mul3A_795 : vector<16xf32>
        %swap3A_797 = arith.index_cast %add3A_755 : i32 to index
        %swap3A_798 = arith.constant 48 : index
        %swap3A_799 = tpu.vector_load %arg10[%swap3A_797, %swap3A_798] {strides = array<i32>} : memref<128x128xf32, #tpu.memory_space<vmem>>, vector<1x16xf32>,
        %swap3A_800 = vector.shape_cast %swap3A_799 : vector<1x16xf32> to vector<16xf32>
        %swap3A_801 = vector.shape_cast %mul3A_796 : vector<16xf32> to vector<1x16xf32>
        tpu.vector_store %arg10[%swap3A_797, %swap3A_798], %swap3A_801 {strides = array<i32>} : memref<128x128xf32, #tpu.memory_space<vmem>>, vector<1x16xf32>,
        %get3A_802 = arith.index_cast %add3A_755 : i32 to index
        %get3A_803 = arith.constant 64 : index
        %get3A_804 = tpu.vector_load %arg10[%get3A_802, %get3A_803] {strides = array<i32>} : memref<128x128xf32, #tpu.memory_space<vmem>>, vector<1x16xf32>,
        %get3A_805 = vector.shape_cast %get3A_804 : vector<1x16xf32> to vector<16xf32>
        %mul3A_806 = arith.constant 11.3137083 : f32
        %mul3A_807 = vector.broadcast %mul3A_806 : f32 to vector<16xf32>
        %mul3A_808 = arith.mulf %get3A_805, %mul3A_807 : vector<16xf32>
        %swap3A_809 = arith.index_cast %add3A_755 : i32 to index
        %swap3A_810 = arith.constant 64 : index
        %swap3A_811 = tpu.vector_load %arg10[%swap3A_809, %swap3A_810] {strides = array<i32>} : memref<128x128xf32, #tpu.memory_space<vmem>>, vector<1x16xf32>,
        %swap3A_812 = vector.shape_cast %swap3A_811 : vector<1x16xf32> to vector<16xf32>
        %swap3A_813 = vector.shape_cast %mul3A_808 : vector<16xf32> to vector<1x16xf32>
        tpu.vector_store %arg10[%swap3A_809, %swap3A_810], %swap3A_813 {strides = array<i32>} : memref<128x128xf32, #tpu.memory_space<vmem>>, vector<1x16xf32>,
        %get3A_814 = arith.index_cast %add3A_755 : i32 to index
        %get3A_815 = arith.constant 80 : index
        %get3A_816 = tpu.vector_load %arg10[%get3A_814, %get3A_815] {strides = array<i32>} : memref<128x128xf32, #tpu.memory_space<vmem>>, vector<1x16xf32>,
        %get3A_817 = vector.shape_cast %get3A_816 : vector<1x16xf32> to vector<16xf32>
        %mul3A_818 = arith.constant 11.3137083 : f32
        %mul3A_819 = vector.broadcast %mul3A_818 : f32 to vector<16xf32>
        %mul3A_820 = arith.mulf %get3A_817, %mul3A_819 : vector<16xf32>
        %swap3A_821 = arith.index_cast %add3A_755 : i32 to index
        %swap3A_822 = arith.constant 80 : index
        %swap3A_823 = tpu.vector_load %arg10[%swap3A_821, %swap3A_822] {strides = array<i32>} : memref<128x128xf32, #tpu.memory_space<vmem>>, vector<1x16xf32>,
        %swap3A_824 = vector.shape_cast %swap3A_823 : vector<1x16xf32> to vector<16xf32>
        %swap3A_825 = vector.shape_cast %mul3A_820 : vector<16xf32> to vector<1x16xf32>
        tpu.vector_store %arg10[%swap3A_821, %swap3A_822], %swap3A_825 {strides = array<i32>} : memref<128x128xf32, #tpu.memory_space<vmem>>, vector<1x16xf32>,
        %get3A_826 = arith.index_cast %add3A_755 : i32 to index
        %get3A_827 = arith.constant 96 : index
        %get3A_828 = tpu.vector_load %arg10[%get3A_826, %get3A_827] {strides = array<i32>} : memref<128x128xf32, #tpu.memory_space<vmem>>, vector<1x16xf32>,
        %get3A_829 = vector.shape_cast %get3A_828 : vector<1x16xf32> to vector<16xf32>
        %mul3A_830 = arith.constant 11.3137083 : f32
        %mul3A_831 = vector.broadcast %mul3A_830 : f32 to vector<16xf32>
        %mul3A_832 = arith.mulf %get3A_829, %mul3A_831 : vector<16xf32>
        %swap3A_833 = arith.index_cast %add3A_755 : i32 to index
        %swap3A_834 = arith.constant 96 : index
        %swap3A_835 = tpu.vector_load %arg10[%swap3A_833, %swap3A_834] {strides = array<i32>} : memref<128x128xf32, #tpu.memory_space<vmem>>, vector<1x16xf32>,
        %swap3A_836 = vector.shape_cast %swap3A_835 : vector<1x16xf32> to vector<16xf32>
        %swap3A_837 = vector.shape_cast %mul3A_832 : vector<16xf32> to vector<1x16xf32>
        tpu.vector_store %arg10[%swap3A_833, %swap3A_834], %swap3A_837 {strides = array<i32>} : memref<128x128xf32, #tpu.memory_space<vmem>>, vector<1x16xf32>,
        %get3A_838 = arith.index_cast %add3A_755 : i32 to index
        %get3A_839 = arith.constant 112 : index
        %get3A_840 = tpu.vector_load %arg10[%get3A_838, %get3A_839] {strides = array<i32>} : memref<128x128xf32, #tpu.memory_space<vmem>>, vector<1x16xf32>,
        %get3A_841 = vector.shape_cast %get3A_840 : vector<1x16xf32> to vector<16xf32>
        %mul3A_842 = arith.constant 11.3137083 : f32
        %mul3A_843 = vector.broadcast %mul3A_842 : f32 to vector<16xf32>
        %mul3A_844 = arith.mulf %get3A_841, %mul3A_843 : vector<16xf32>
        %swap3A_845 = arith.index_cast %add3A_755 : i32 to index
        %swap3A_846 = arith.constant 112 : index
        %swap3A_847 = tpu.vector_load %arg10[%swap3A_845, %swap3A_846] {strides = array<i32>} : memref<128x128xf32, #tpu.memory_space<vmem>>, vector<1x16xf32>,
        %swap3A_848 = vector.shape_cast %swap3A_847 : vector<1x16xf32> to vector<16xf32>
        %swap3A_849 = vector.shape_cast %mul3A_844 : vector<16xf32> to vector<1x16xf32>
        tpu.vector_store %arg10[%swap3A_845, %swap3A_846], %swap3A_849 {strides = array<i32>} : memref<128x128xf32, #tpu.memory_space<vmem>>, vector<1x16xf32>,
      }
      %scan3A_655 = arith.constant 128 : i32
      %mul3A_656 = arith.constant 128 : i32
      %mul3A_657 = arith.muli %add3A_634, %mul3A_656 : i32
      %add3A_658 = arith.addi %mul3A_2, %mul3A_657 : i32
      %dma_start3A_659 = arith.constant 0 : i32
      %dma_start3A_660 = tpu.memref_slice %arg4[%add3A_658, %dma_start3A_659] : memref<204800x128xf32, #tpu.memory_space<hbm>> -> memref<128x128xf32, #tpu.memory_space<hbm>>
      %dma_start3A_661 = arith.constant 0 : i32
      %dma_start3A_662 = tpu.memref_slice %arg4[%add3A_658, %dma_start3A_661] : memref<204800x128xf32, #tpu.memory_space<hbm>> -> memref<128x128xf32, #tpu.memory_space<hbm>>
      tpu.enqueue_dma source(%arg10 : memref<128x128xf32, #tpu.memory_space<vmem>>) target(%dma_start3A_662 : memref<128x128xf32, #tpu.memory_space<hbm>>) target_semaphore(%arg22 : memref<!tpu.dma_semaphore, #tpu.memory_space<semaphore_mem>>)
      %ge3A_663 = arith.constant 3 : i32
      %ge3A_664 = arith.cmpi sge, %add3A_634, %ge3A_663 : i32
      %convert_element_type3A_665 = arith.extui %ge3A_664 : i1 to i32
      %cond3A_666 = arith.constant 0 : i32
      %cond3A_667 = arith.cmpi ne, %convert_element_type3A_665, %cond3A_666 : i32
      scf.if %cond3A_667 {
        %dma_wait3A_751 = arith.constant 0 : i32
        %dma_wait3A_752 = tpu.memref_slice %arg4[%mul3A_2, %dma_wait3A_751] : memref<204800x128xf32, #tpu.memory_space<hbm>> -> memref<128x128xf32, #tpu.memory_space<hbm>>
        %dma_wait3A_753 = arith.constant 0 : i32
        %dma_wait3A_754 = tpu.memref_slice %arg4[%mul3A_2, %dma_wait3A_753] : memref<204800x128xf32, #tpu.memory_space<hbm>> -> memref<128x128xf32, #tpu.memory_space<hbm>>
        tpu.wait_dma2 semaphore(%arg19 : memref<!tpu.dma_semaphore, #tpu.memory_space<semaphore_mem>>) src(%arg7 : memref<128x128xf32, #tpu.memory_space<vmem>>) dst(%dma_wait3A_754 : memref<128x128xf32, #tpu.memory_space<hbm>>)
      } else {
      }
      %add3A_668 = arith.constant 3 : i32
      %add3A_669 = arith.addi %add3A_634, %add3A_668 : i32
      %mul3A_670 = arith.constant 128 : i32
      %mul3A_671 = arith.muli %add3A_669, %mul3A_670 : i32
      %add3A_672 = arith.constant 0 : i32
      %add3A_673 = arith.addi %mul3A_671, %add3A_672 : i32
      %dma_start3A_674 = arith.constant 0 : i32
      %dma_start3A_675 = arith.constant 0 : i32
      %dma_start3A_676 = tpu.memref_slice %arg7[%dma_start3A_674, %dma_start3A_675] : memref<128x128xf32, #tpu.memory_space<vmem>> -> memref<64x128xf32, #tpu.memory_space<vmem>>
      %dma_start3A_677 = tpu.memref_slice %arg5[%add3A_673] : memref<6400xi32, #tpu.memory_space<vmem>> -> memref<64xi32, #tpu.memory_space<vmem>>
      %dma_start3A_678 = arith.constant 0 : i32
      %dma_start3A_679 = arith.constant 0 : i32
      %dma_start3A_680 = tpu.memref_slice %arg3[%dma_start3A_678, %dma_start3A_679] : memref<100000x128xf32, #tpu.memory_space<hbm>> -> memref<100000x128xf32, #tpu.memory_space<hbm>>
      tpu.enqueue_indirect_dma source(%dma_start3A_680 : memref<100000x128xf32, #tpu.memory_space<hbm>>) target(%dma_start3A_676 : memref<64x128xf32, #tpu.memory_space<vmem>>) offsets(%dma_start3A_677 : memref<64xi32, #tpu.memory_space<vmem>>) semaphore(%arg13 : memref<!tpu.dma_semaphore, #tpu.memory_space<semaphore_mem>>)
      %mul3A_681 = arith.constant 128 : i32
      %mul3A_682 = arith.muli %add3A_669, %mul3A_681 : i32
      %add3A_683 = arith.constant 64 : i32
      %add3A_684 = arith.addi %mul3A_682, %add3A_683 : i32
      %dma_start3A_685 = arith.constant 64 : i32
      %dma_start3A_686 = arith.constant 0 : i32
      %dma_start3A_687 = tpu.memref_slice %arg7[%dma_start3A_685, %dma_start3A_686] : memref<128x128xf32, #tpu.memory_space<vmem>> -> memref<64x128xf32, #tpu.memory_space<vmem>>
      %dma_start3A_688 = tpu.memref_slice %arg5[%add3A_684] : memref<6400xi32, #tpu.memory_space<vmem>> -> memref<64xi32, #tpu.memory_space<vmem>>
      %dma_start3A_689 = arith.constant 0 : i32
      %dma_start3A_690 = arith.constant 0 : i32
      %dma_start3A_691 = tpu.memref_slice %arg3[%dma_start3A_689, %dma_start3A_690] : memref<100000x128xf32, #tpu.memory_space<hbm>> -> memref<100000x128xf32, #tpu.memory_space<hbm>>
      tpu.enqueue_indirect_dma source(%dma_start3A_691 : memref<100000x128xf32, #tpu.memory_space<hbm>>) target(%dma_start3A_687 : memref<64x128xf32, #tpu.memory_space<vmem>>) offsets(%dma_start3A_688 : memref<64xi32, #tpu.memory_space<vmem>>) semaphore(%arg13 : memref<!tpu.dma_semaphore, #tpu.memory_space<semaphore_mem>>)
      %add3A_692 = arith.constant 5 : i32
      %add3A_693 = arith.addi %add3A_399, %add3A_692 : i32
      %dma_wait3A_694 = arith.constant 0 : i32
      %dma_wait3A_695 = arith.constant 0 : i32
      %dma_wait3A_696 = tpu.memref_slice %arg11[%dma_wait3A_694, %dma_wait3A_695] : memref<128x128xf32, #tpu.memory_space<vmem>> -> memref<64x128xf32, #tpu.memory_space<vmem>>
      %dma_wait3A_697 = arith.constant 0 : i32
      %dma_wait3A_698 = tpu.memref_slice %arg5[%dma_wait3A_697] : memref<6400xi32, #tpu.memory_space<vmem>> -> memref<64xi32, #tpu.memory_space<vmem>>
      %dma_wait3A_699 = arith.constant 0 : i32
      %dma_wait3A_700 = arith.constant 0 : i32
      %dma_wait3A_701 = tpu.memref_slice %arg3[%dma_wait3A_699, %dma_wait3A_700] : memref<100000x128xf32, #tpu.memory_space<hbm>> -> memref<100000x128xf32, #tpu.memory_space<hbm>>
      tpu.wait_indirect_dma semaphore(%arg17 : memref<!tpu.dma_semaphore, #tpu.memory_space<semaphore_mem>>) src(%dma_wait3A_701 : memref<100000x128xf32, #tpu.memory_space<hbm>>) dst(%dma_wait3A_696 : memref<64x128xf32, #tpu.memory_space<vmem>>)
      %dma_wait3A_702 = arith.constant 64 : i32
      %dma_wait3A_703 = arith.constant 0 : i32
      %dma_wait3A_704 = tpu.memref_slice %arg11[%dma_wait3A_702, %dma_wait3A_703] : memref<128x128xf32, #tpu.memory_space<vmem>> -> memref<64x128xf32, #tpu.memory_space<vmem>>
      %dma_wait3A_705 = arith.constant 0 : i32
      %dma_wait3A_706 = tpu.memref_slice %arg5[%dma_wait3A_705] : memref<6400xi32, #tpu.memory_space<vmem>> -> memref<64xi32, #tpu.memory_space<vmem>>
      %dma_wait3A_707 = arith.constant 0 : i32
      %dma_wait3A_708 = arith.constant 0 : i32
      %dma_wait3A_709 = tpu.memref_slice %arg3[%dma_wait3A_707, %dma_wait3A_708] : memref<100000x128xf32, #tpu.memory_space<hbm>> -> memref<100000x128xf32, #tpu.memory_space<hbm>>
      tpu.wait_indirect_dma semaphore(%arg17 : memref<!tpu.dma_semaphore, #tpu.memory_space<semaphore_mem>>) src(%dma_wait3A_709 : memref<100000x128xf32, #tpu.memory_space<hbm>>) dst(%dma_wait3A_704 : memref<64x128xf32, #tpu.memory_space<vmem>>)
      %scan3A_710 = arith.constant 0 : i32
      %scan3A_711 = arith.constant 128 : i32
      %scan3A_712 = arith.addi %scan3A_710, %scan3A_711 : i32
      %scan3A_713 = arith.constant 1 : i32
      scf.for %scan3A_751 = %scan3A_710 to %scan3A_712 step %scan3A_713  : i32 {
        %mul3A_752 = arith.constant 1 : i32
        %mul3A_753 = arith.muli %scan3A_751, %mul3A_752 : i32
        %add3A_754 = arith.constant 0 : i32
        %add3A_755 = arith.addi %add3A_754, %mul3A_753 : i32
        %get3A = arith.index_cast %add3A_755 : i32 to index
        %get3A_756 = arith.constant 0 : index
        %get3A_757 = tpu.vector_load %arg11[%get3A, %get3A_756] {strides = array<i32>} : memref<128x128xf32, #tpu.memory_space<vmem>>, vector<1x16xf32>,
        %get3A_758 = vector.shape_cast %get3A_757 : vector<1x16xf32> to vector<16xf32>
        %mul3A_759 = arith.constant 11.3137083 : f32
        %mul3A_760 = vector.broadcast %mul3A_759 : f32 to vector<16xf32>
        %mul3A_761 = arith.mulf %get3A_758, %mul3A_760 : vector<16xf32>
        %swap3A = arith.index_cast %add3A_755 : i32 to index
        %swap3A_762 = arith.constant 0 : index
        %swap3A_763 = tpu.vector_load %arg11[%swap3A, %swap3A_762] {strides = array<i32>} : memref<128x128xf32, #tpu.memory_space<vmem>>, vector<1x16xf32>,
        %swap3A_764 = vector.shape_cast %swap3A_763 : vector<1x16xf32> to vector<16xf32>
        %swap3A_765 = vector.shape_cast %mul3A_761 : vector<16xf32> to vector<1x16xf32>
        tpu.vector_store %arg11[%swap3A, %swap3A_762], %swap3A_765 {strides = array<i32>} : memref<128x128xf32, #tpu.memory_space<vmem>>, vector<1x16xf32>,
        %get3A_766 = arith.index_cast %add3A_755 : i32 to index
        %get3A_767 = arith.constant 16 : index
        %get3A_768 = tpu.vector_load %arg11[%get3A_766, %get3A_767] {strides = array<i32>} : memref<128x128xf32, #tpu.memory_space<vmem>>, vector<1x16xf32>,
        %get3A_769 = vector.shape_cast %get3A_768 : vector<1x16xf32> to vector<16xf32>
        %mul3A_770 = arith.constant 11.3137083 : f32
        %mul3A_771 = vector.broadcast %mul3A_770 : f32 to vector<16xf32>
        %mul3A_772 = arith.mulf %get3A_769, %mul3A_771 : vector<16xf32>
        %swap3A_773 = arith.index_cast %add3A_755 : i32 to index
        %swap3A_774 = arith.constant 16 : index
        %swap3A_775 = tpu.vector_load %arg11[%swap3A_773, %swap3A_774] {strides = array<i32>} : memref<128x128xf32, #tpu.memory_space<vmem>>, vector<1x16xf32>,
        %swap3A_776 = vector.shape_cast %swap3A_775 : vector<1x16xf32> to vector<16xf32>
        %swap3A_777 = vector.shape_cast %mul3A_772 : vector<16xf32> to vector<1x16xf32>
        tpu.vector_store %arg11[%swap3A_773, %swap3A_774], %swap3A_777 {strides = array<i32>} : memref<128x128xf32, #tpu.memory_space<vmem>>, vector<1x16xf32>,
        %get3A_778 = arith.index_cast %add3A_755 : i32 to index
        %get3A_779 = arith.constant 32 : index
        %get3A_780 = tpu.vector_load %arg11[%get3A_778, %get3A_779] {strides = array<i32>} : memref<128x128xf32, #tpu.memory_space<vmem>>, vector<1x16xf32>,
        %get3A_781 = vector.shape_cast %get3A_780 : vector<1x16xf32> to vector<16xf32>
        %mul3A_782 = arith.constant 11.3137083 : f32
        %mul3A_783 = vector.broadcast %mul3A_782 : f32 to vector<16xf32>
        %mul3A_784 = arith.mulf %get3A_781, %mul3A_783 : vector<16xf32>
        %swap3A_785 = arith.index_cast %add3A_755 : i32 to index
        %swap3A_786 = arith.constant 32 : index
        %swap3A_787 = tpu.vector_load %arg11[%swap3A_785, %swap3A_786] {strides = array<i32>} : memref<128x128xf32, #tpu.memory_space<vmem>>, vector<1x16xf32>,
        %swap3A_788 = vector.shape_cast %swap3A_787 : vector<1x16xf32> to vector<16xf32>
        %swap3A_789 = vector.shape_cast %mul3A_784 : vector<16xf32> to vector<1x16xf32>
        tpu.vector_store %arg11[%swap3A_785, %swap3A_786], %swap3A_789 {strides = array<i32>} : memref<128x128xf32, #tpu.memory_space<vmem>>, vector<1x16xf32>,
        %get3A_790 = arith.index_cast %add3A_755 : i32 to index
        %get3A_791 = arith.constant 48 : index
        %get3A_792 = tpu.vector_load %arg11[%get3A_790, %get3A_791] {strides = array<i32>} : memref<128x128xf32, #tpu.memory_space<vmem>>, vector<1x16xf32>,
        %get3A_793 = vector.shape_cast %get3A_792 : vector<1x16xf32> to vector<16xf32>
        %mul3A_794 = arith.constant 11.3137083 : f32
        %mul3A_795 = vector.broadcast %mul3A_794 : f32 to vector<16xf32>
        %mul3A_796 = arith.mulf %get3A_793, %mul3A_795 : vector<16xf32>
        %swap3A_797 = arith.index_cast %add3A_755 : i32 to index
        %swap3A_798 = arith.constant 48 : index
        %swap3A_799 = tpu.vector_load %arg11[%swap3A_797, %swap3A_798] {strides = array<i32>} : memref<128x128xf32, #tpu.memory_space<vmem>>, vector<1x16xf32>,
        %swap3A_800 = vector.shape_cast %swap3A_799 : vector<1x16xf32> to vector<16xf32>
        %swap3A_801 = vector.shape_cast %mul3A_796 : vector<16xf32> to vector<1x16xf32>
        tpu.vector_store %arg11[%swap3A_797, %swap3A_798], %swap3A_801 {strides = array<i32>} : memref<128x128xf32, #tpu.memory_space<vmem>>, vector<1x16xf32>,
        %get3A_802 = arith.index_cast %add3A_755 : i32 to index
        %get3A_803 = arith.constant 64 : index
        %get3A_804 = tpu.vector_load %arg11[%get3A_802, %get3A_803] {strides = array<i32>} : memref<128x128xf32, #tpu.memory_space<vmem>>, vector<1x16xf32>,
        %get3A_805 = vector.shape_cast %get3A_804 : vector<1x16xf32> to vector<16xf32>
        %mul3A_806 = arith.constant 11.3137083 : f32
        %mul3A_807 = vector.broadcast %mul3A_806 : f32 to vector<16xf32>
        %mul3A_808 = arith.mulf %get3A_805, %mul3A_807 : vector<16xf32>
        %swap3A_809 = arith.index_cast %add3A_755 : i32 to index
        %swap3A_810 = arith.constant 64 : index
        %swap3A_811 = tpu.vector_load %arg11[%swap3A_809, %swap3A_810] {strides = array<i32>} : memref<128x128xf32, #tpu.memory_space<vmem>>, vector<1x16xf32>,
        %swap3A_812 = vector.shape_cast %swap3A_811 : vector<1x16xf32> to vector<16xf32>
        %swap3A_813 = vector.shape_cast %mul3A_808 : vector<16xf32> to vector<1x16xf32>
        tpu.vector_store %arg11[%swap3A_809, %swap3A_810], %swap3A_813 {strides = array<i32>} : memref<128x128xf32, #tpu.memory_space<vmem>>, vector<1x16xf32>,
        %get3A_814 = arith.index_cast %add3A_755 : i32 to index
        %get3A_815 = arith.constant 80 : index
        %get3A_816 = tpu.vector_load %arg11[%get3A_814, %get3A_815] {strides = array<i32>} : memref<128x128xf32, #tpu.memory_space<vmem>>, vector<1x16xf32>,
        %get3A_817 = vector.shape_cast %get3A_816 : vector<1x16xf32> to vector<16xf32>
        %mul3A_818 = arith.constant 11.3137083 : f32
        %mul3A_819 = vector.broadcast %mul3A_818 : f32 to vector<16xf32>
        %mul3A_820 = arith.mulf %get3A_817, %mul3A_819 : vector<16xf32>
        %swap3A_821 = arith.index_cast %add3A_755 : i32 to index
        %swap3A_822 = arith.constant 80 : index
        %swap3A_823 = tpu.vector_load %arg11[%swap3A_821, %swap3A_822] {strides = array<i32>} : memref<128x128xf32, #tpu.memory_space<vmem>>, vector<1x16xf32>,
        %swap3A_824 = vector.shape_cast %swap3A_823 : vector<1x16xf32> to vector<16xf32>
        %swap3A_825 = vector.shape_cast %mul3A_820 : vector<16xf32> to vector<1x16xf32>
        tpu.vector_store %arg11[%swap3A_821, %swap3A_822], %swap3A_825 {strides = array<i32>} : memref<128x128xf32, #tpu.memory_space<vmem>>, vector<1x16xf32>,
        %get3A_826 = arith.index_cast %add3A_755 : i32 to index
        %get3A_827 = arith.constant 96 : index
        %get3A_828 = tpu.vector_load %arg11[%get3A_826, %get3A_827] {strides = array<i32>} : memref<128x128xf32, #tpu.memory_space<vmem>>, vector<1x16xf32>,
        %get3A_829 = vector.shape_cast %get3A_828 : vector<1x16xf32> to vector<16xf32>
        %mul3A_830 = arith.constant 11.3137083 : f32
        %mul3A_831 = vector.broadcast %mul3A_830 : f32 to vector<16xf32>
        %mul3A_832 = arith.mulf %get3A_829, %mul3A_831 : vector<16xf32>
        %swap3A_833 = arith.index_cast %add3A_755 : i32 to index
        %swap3A_834 = arith.constant 96 : index
        %swap3A_835 = tpu.vector_load %arg11[%swap3A_833, %swap3A_834] {strides = array<i32>} : memref<128x128xf32, #tpu.memory_space<vmem>>, vector<1x16xf32>,
        %swap3A_836 = vector.shape_cast %swap3A_835 : vector<1x16xf32> to vector<16xf32>
        %swap3A_837 = vector.shape_cast %mul3A_832 : vector<16xf32> to vector<1x16xf32>
        tpu.vector_store %arg11[%swap3A_833, %swap3A_834], %swap3A_837 {strides = array<i32>} : memref<128x128xf32, #tpu.memory_space<vmem>>, vector<1x16xf32>,
        %get3A_838 = arith.index_cast %add3A_755 : i32 to index
        %get3A_839 = arith.constant 112 : index
        %get3A_840 = tpu.vector_load %arg11[%get3A_838, %get3A_839] {strides = array<i32>} : memref<128x128xf32, #tpu.memory_space<vmem>>, vector<1x16xf32>,
        %get3A_841 = vector.shape_cast %get3A_840 : vector<1x16xf32> to vector<16xf32>
        %mul3A_842 = arith.constant 11.3137083 : f32
        %mul3A_843 = vector.broadcast %mul3A_842 : f32 to vector<16xf32>
        %mul3A_844 = arith.mulf %get3A_841, %mul3A_843 : vector<16xf32>
        %swap3A_845 = arith.index_cast %add3A_755 : i32 to index
        %swap3A_846 = arith.constant 112 : index
        %swap3A_847 = tpu.vector_load %arg11[%swap3A_845, %swap3A_846] {strides = array<i32>} : memref<128x128xf32, #tpu.memory_space<vmem>>, vector<1x16xf32>,
        %swap3A_848 = vector.shape_cast %swap3A_847 : vector<1x16xf32> to vector<16xf32>
        %swap3A_849 = vector.shape_cast %mul3A_844 : vector<16xf32> to vector<1x16xf32>
        tpu.vector_store %arg11[%swap3A_845, %swap3A_846], %swap3A_849 {strides = array<i32>} : memref<128x128xf32, #tpu.memory_space<vmem>>, vector<1x16xf32>,
      }
      %scan3A_714 = arith.constant 128 : i32
      %mul3A_715 = arith.constant 128 : i32
      %mul3A_716 = arith.muli %add3A_693, %mul3A_715 : i32
      %add3A_717 = arith.addi %mul3A_2, %mul3A_716 : i32
      %dma_start3A_718 = arith.constant 0 : i32
      %dma_start3A_719 = tpu.memref_slice %arg4[%add3A_717, %dma_start3A_718] : memref<204800x128xf32, #tpu.memory_space<hbm>> -> memref<128x128xf32, #tpu.memory_space<hbm>>
      %dma_start3A_720 = arith.constant 0 : i32
      %dma_start3A_721 = tpu.memref_slice %arg4[%add3A_717, %dma_start3A_720] : memref<204800x128xf32, #tpu.memory_space<hbm>> -> memref<128x128xf32, #tpu.memory_space<hbm>>
      tpu.enqueue_dma source(%arg11 : memref<128x128xf32, #tpu.memory_space<vmem>>) target(%dma_start3A_721 : memref<128x128xf32, #tpu.memory_space<hbm>>) target_semaphore(%arg23 : memref<!tpu.dma_semaphore, #tpu.memory_space<semaphore_mem>>)
      %ge3A_722 = arith.constant 3 : i32
      %ge3A_723 = arith.cmpi sge, %add3A_693, %ge3A_722 : i32
      %convert_element_type3A_724 = arith.extui %ge3A_723 : i1 to i32
      %cond3A_725 = arith.constant 0 : i32
      %cond3A_726 = arith.cmpi ne, %convert_element_type3A_724, %cond3A_725 : i32
      scf.if %cond3A_726 {
        %dma_wait3A_751 = arith.constant 0 : i32
        %dma_wait3A_752 = tpu.memref_slice %arg4[%mul3A_2, %dma_wait3A_751] : memref<204800x128xf32, #tpu.memory_space<hbm>> -> memref<128x128xf32, #tpu.memory_space<hbm>>
        %dma_wait3A_753 = arith.constant 0 : i32
        %dma_wait3A_754 = tpu.memref_slice %arg4[%mul3A_2, %dma_wait3A_753] : memref<204800x128xf32, #tpu.memory_space<hbm>> -> memref<128x128xf32, #tpu.memory_space<hbm>>
        tpu.wait_dma2 semaphore(%arg20 : memref<!tpu.dma_semaphore, #tpu.memory_space<semaphore_mem>>) src(%arg8 : memref<128x128xf32, #tpu.memory_space<vmem>>) dst(%dma_wait3A_754 : memref<128x128xf32, #tpu.memory_space<hbm>>)
      } else {
      }
      %add3A_727 = arith.constant 3 : i32
      %add3A_728 = arith.addi %add3A_693, %add3A_727 : i32
      %mul3A_729 = arith.constant 128 : i32
      %mul3A_730 = arith.muli %add3A_728, %mul3A_729 : i32
      %add3A_731 = arith.constant 0 : i32
      %add3A_732 = arith.addi %mul3A_730, %add3A_731 : i32
      %dma_start3A_733 = arith.constant 0 : i32
      %dma_start3A_734 = arith.constant 0 : i32
      %dma_start3A_735 = tpu.memref_slice %arg8[%dma_start3A_733, %dma_start3A_734] : memref<128x128xf32, #tpu.memory_space<vmem>> -> memref<64x128xf32, #tpu.memory_space<vmem>>
      %dma_start3A_736 = tpu.memref_slice %arg5[%add3A_732] : memref<6400xi32, #tpu.memory_space<vmem>> -> memref<64xi32, #tpu.memory_space<vmem>>
      %dma_start3A_737 = arith.constant 0 : i32
      %dma_start3A_738 = arith.constant 0 : i32
      %dma_start3A_739 = tpu.memref_slice %arg3[%dma_start3A_737, %dma_start3A_738] : memref<100000x128xf32, #tpu.memory_space<hbm>> -> memref<100000x128xf32, #tpu.memory_space<hbm>>
      tpu.enqueue_indirect_dma source(%dma_start3A_739 : memref<100000x128xf32, #tpu.memory_space<hbm>>) target(%dma_start3A_735 : memref<64x128xf32, #tpu.memory_space<vmem>>) offsets(%dma_start3A_736 : memref<64xi32, #tpu.memory_space<vmem>>) semaphore(%arg14 : memref<!tpu.dma_semaphore, #tpu.memory_space<semaphore_mem>>)
      %mul3A_740 = arith.constant 128 : i32
      %mul3A_741 = arith.muli %add3A_728, %mul3A_740 : i32
      %add3A_742 = arith.constant 64 : i32
      %add3A_743 = arith.addi %mul3A_741, %add3A_742 : i32
      %dma_start3A_744 = arith.constant 64 : i32
      %dma_start3A_745 = arith.constant 0 : i32
      %dma_start3A_746 = tpu.memref_slice %arg8[%dma_start3A_744, %dma_start3A_745] : memref<128x128xf32, #tpu.memory_space<vmem>> -> memref<64x128xf32, #tpu.memory_space<vmem>>
      %dma_start3A_747 = tpu.memref_slice %arg5[%add3A_743] : memref<6400xi32, #tpu.memory_space<vmem>> -> memref<64xi32, #tpu.memory_space<vmem>>
      %dma_start3A_748 = arith.constant 0 : i32
      %dma_start3A_749 = arith.constant 0 : i32
      %dma_start3A_750 = tpu.memref_slice %arg3[%dma_start3A_748, %dma_start3A_749] : memref<100000x128xf32, #tpu.memory_space<hbm>> -> memref<100000x128xf32, #tpu.memory_space<hbm>>
      tpu.enqueue_indirect_dma source(%dma_start3A_750 : memref<100000x128xf32, #tpu.memory_space<hbm>>) target(%dma_start3A_746 : memref<64x128xf32, #tpu.memory_space<vmem>>) offsets(%dma_start3A_747 : memref<64xi32, #tpu.memory_space<vmem>>) semaphore(%arg14 : memref<!tpu.dma_semaphore, #tpu.memory_space<semaphore_mem>>)
    }
    %scan3A_55 = arith.constant 7 : i32
    %dma_wait3A = arith.constant 0 : i32
    %dma_wait3A_56 = arith.constant 0 : i32
    %dma_wait3A_57 = tpu.memref_slice %arg6[%dma_wait3A, %dma_wait3A_56] : memref<128x128xf32, #tpu.memory_space<vmem>> -> memref<64x128xf32, #tpu.memory_space<vmem>>
    %dma_wait3A_58 = arith.constant 0 : i32
    %dma_wait3A_59 = tpu.memref_slice %arg5[%dma_wait3A_58] : memref<6400xi32, #tpu.memory_space<vmem>> -> memref<64xi32, #tpu.memory_space<vmem>>
    %dma_wait3A_60 = arith.constant 0 : i32
    %dma_wait3A_61 = arith.constant 0 : i32
    %dma_wait3A_62 = tpu.memref_slice %arg3[%dma_wait3A_60, %dma_wait3A_61] : memref<100000x128xf32, #tpu.memory_space<hbm>> -> memref<100000x128xf32, #tpu.memory_space<hbm>>
    tpu.wait_indirect_dma semaphore(%arg12 : memref<!tpu.dma_semaphore, #tpu.memory_space<semaphore_mem>>) src(%dma_wait3A_62 : memref<100000x128xf32, #tpu.memory_space<hbm>>) dst(%dma_wait3A_57 : memref<64x128xf32, #tpu.memory_space<vmem>>)
    %dma_wait3A_63 = arith.constant 64 : i32
    %dma_wait3A_64 = arith.constant 0 : i32
    %dma_wait3A_65 = tpu.memref_slice %arg6[%dma_wait3A_63, %dma_wait3A_64] : memref<128x128xf32, #tpu.memory_space<vmem>> -> memref<64x128xf32, #tpu.memory_space<vmem>>
    %dma_wait3A_66 = arith.constant 0 : i32
    %dma_wait3A_67 = tpu.memref_slice %arg5[%dma_wait3A_66] : memref<6400xi32, #tpu.memory_space<vmem>> -> memref<64xi32, #tpu.memory_space<vmem>>
    %dma_wait3A_68 = arith.constant 0 : i32
    %dma_wait3A_69 = arith.constant 0 : i32
    %dma_wait3A_70 = tpu.memref_slice %arg3[%dma_wait3A_68, %dma_wait3A_69] : memref<100000x128xf32, #tpu.memory_space<hbm>> -> memref<100000x128xf32, #tpu.memory_space<hbm>>
    tpu.wait_indirect_dma semaphore(%arg12 : memref<!tpu.dma_semaphore, #tpu.memory_space<semaphore_mem>>) src(%dma_wait3A_70 : memref<100000x128xf32, #tpu.memory_space<hbm>>) dst(%dma_wait3A_65 : memref<64x128xf32, #tpu.memory_space<vmem>>)
    %scan3A_71 = arith.constant 0 : i32
    %scan3A_72 = arith.constant 128 : i32
    %scan3A_73 = arith.addi %scan3A_71, %scan3A_72 : i32
    %scan3A_74 = arith.constant 1 : i32
    scf.for %scan3A_395 = %scan3A_71 to %scan3A_73 step %scan3A_74  : i32 {
      %mul3A_396 = arith.constant 1 : i32
      %mul3A_397 = arith.muli %scan3A_395, %mul3A_396 : i32
      %add3A_398 = arith.constant 0 : i32
      %add3A_399 = arith.addi %add3A_398, %mul3A_397 : i32
      %get3A = arith.index_cast %add3A_399 : i32 to index
      %get3A_400 = arith.constant 0 : index
      %get3A_401 = tpu.vector_load %arg6[%get3A, %get3A_400] {strides = array<i32>} : memref<128x128xf32, #tpu.memory_space<vmem>>, vector<1x16xf32>,
      %get3A_402 = vector.shape_cast %get3A_401 : vector<1x16xf32> to vector<16xf32>
      %mul3A_403 = arith.constant 11.3137083 : f32
      %mul3A_404 = vector.broadcast %mul3A_403 : f32 to vector<16xf32>
      %mul3A_405 = arith.mulf %get3A_402, %mul3A_404 : vector<16xf32>
      %swap3A = arith.index_cast %add3A_399 : i32 to index
      %swap3A_406 = arith.constant 0 : index
      %swap3A_407 = tpu.vector_load %arg6[%swap3A, %swap3A_406] {strides = array<i32>} : memref<128x128xf32, #tpu.memory_space<vmem>>, vector<1x16xf32>,
      %swap3A_408 = vector.shape_cast %swap3A_407 : vector<1x16xf32> to vector<16xf32>
      %swap3A_409 = vector.shape_cast %mul3A_405 : vector<16xf32> to vector<1x16xf32>
      tpu.vector_store %arg6[%swap3A, %swap3A_406], %swap3A_409 {strides = array<i32>} : memref<128x128xf32, #tpu.memory_space<vmem>>, vector<1x16xf32>,
      %get3A_410 = arith.index_cast %add3A_399 : i32 to index
      %get3A_411 = arith.constant 16 : index
      %get3A_412 = tpu.vector_load %arg6[%get3A_410, %get3A_411] {strides = array<i32>} : memref<128x128xf32, #tpu.memory_space<vmem>>, vector<1x16xf32>,
      %get3A_413 = vector.shape_cast %get3A_412 : vector<1x16xf32> to vector<16xf32>
      %mul3A_414 = arith.constant 11.3137083 : f32
      %mul3A_415 = vector.broadcast %mul3A_414 : f32 to vector<16xf32>
      %mul3A_416 = arith.mulf %get3A_413, %mul3A_415 : vector<16xf32>
      %swap3A_417 = arith.index_cast %add3A_399 : i32 to index
      %swap3A_418 = arith.constant 16 : index
      %swap3A_419 = tpu.vector_load %arg6[%swap3A_417, %swap3A_418] {strides = array<i32>} : memref<128x128xf32, #tpu.memory_space<vmem>>, vector<1x16xf32>,
      %swap3A_420 = vector.shape_cast %swap3A_419 : vector<1x16xf32> to vector<16xf32>
      %swap3A_421 = vector.shape_cast %mul3A_416 : vector<16xf32> to vector<1x16xf32>
      tpu.vector_store %arg6[%swap3A_417, %swap3A_418], %swap3A_421 {strides = array<i32>} : memref<128x128xf32, #tpu.memory_space<vmem>>, vector<1x16xf32>,
      %get3A_422 = arith.index_cast %add3A_399 : i32 to index
      %get3A_423 = arith.constant 32 : index
      %get3A_424 = tpu.vector_load %arg6[%get3A_422, %get3A_423] {strides = array<i32>} : memref<128x128xf32, #tpu.memory_space<vmem>>, vector<1x16xf32>,
      %get3A_425 = vector.shape_cast %get3A_424 : vector<1x16xf32> to vector<16xf32>
      %mul3A_426 = arith.constant 11.3137083 : f32
      %mul3A_427 = vector.broadcast %mul3A_426 : f32 to vector<16xf32>
      %mul3A_428 = arith.mulf %get3A_425, %mul3A_427 : vector<16xf32>
      %swap3A_429 = arith.index_cast %add3A_399 : i32 to index
      %swap3A_430 = arith.constant 32 : index
      %swap3A_431 = tpu.vector_load %arg6[%swap3A_429, %swap3A_430] {strides = array<i32>} : memref<128x128xf32, #tpu.memory_space<vmem>>, vector<1x16xf32>,
      %swap3A_432 = vector.shape_cast %swap3A_431 : vector<1x16xf32> to vector<16xf32>
      %swap3A_433 = vector.shape_cast %mul3A_428 : vector<16xf32> to vector<1x16xf32>
      tpu.vector_store %arg6[%swap3A_429, %swap3A_430], %swap3A_433 {strides = array<i32>} : memref<128x128xf32, #tpu.memory_space<vmem>>, vector<1x16xf32>,
      %get3A_434 = arith.index_cast %add3A_399 : i32 to index
      %get3A_435 = arith.constant 48 : index
      %get3A_436 = tpu.vector_load %arg6[%get3A_434, %get3A_435] {strides = array<i32>} : memref<128x128xf32, #tpu.memory_space<vmem>>, vector<1x16xf32>,
      %get3A_437 = vector.shape_cast %get3A_436 : vector<1x16xf32> to vector<16xf32>
      %mul3A_438 = arith.constant 11.3137083 : f32
      %mul3A_439 = vector.broadcast %mul3A_438 : f32 to vector<16xf32>
      %mul3A_440 = arith.mulf %get3A_437, %mul3A_439 : vector<16xf32>
      %swap3A_441 = arith.index_cast %add3A_399 : i32 to index
      %swap3A_442 = arith.constant 48 : index
      %swap3A_443 = tpu.vector_load %arg6[%swap3A_441, %swap3A_442] {strides = array<i32>} : memref<128x128xf32, #tpu.memory_space<vmem>>, vector<1x16xf32>,
      %swap3A_444 = vector.shape_cast %swap3A_443 : vector<1x16xf32> to vector<16xf32>
      %swap3A_445 = vector.shape_cast %mul3A_440 : vector<16xf32> to vector<1x16xf32>
      tpu.vector_store %arg6[%swap3A_441, %swap3A_442], %swap3A_445 {strides = array<i32>} : memref<128x128xf32, #tpu.memory_space<vmem>>, vector<1x16xf32>,
      %get3A_446 = arith.index_cast %add3A_399 : i32 to index
      %get3A_447 = arith.constant 64 : index
      %get3A_448 = tpu.vector_load %arg6[%get3A_446, %get3A_447] {strides = array<i32>} : memref<128x128xf32, #tpu.memory_space<vmem>>, vector<1x16xf32>,
      %get3A_449 = vector.shape_cast %get3A_448 : vector<1x16xf32> to vector<16xf32>
      %mul3A_450 = arith.constant 11.3137083 : f32
      %mul3A_451 = vector.broadcast %mul3A_450 : f32 to vector<16xf32>
      %mul3A_452 = arith.mulf %get3A_449, %mul3A_451 : vector<16xf32>
      %swap3A_453 = arith.index_cast %add3A_399 : i32 to index
      %swap3A_454 = arith.constant 64 : index
      %swap3A_455 = tpu.vector_load %arg6[%swap3A_453, %swap3A_454] {strides = array<i32>} : memref<128x128xf32, #tpu.memory_space<vmem>>, vector<1x16xf32>,
      %swap3A_456 = vector.shape_cast %swap3A_455 : vector<1x16xf32> to vector<16xf32>
      %swap3A_457 = vector.shape_cast %mul3A_452 : vector<16xf32> to vector<1x16xf32>
      tpu.vector_store %arg6[%swap3A_453, %swap3A_454], %swap3A_457 {strides = array<i32>} : memref<128x128xf32, #tpu.memory_space<vmem>>, vector<1x16xf32>,
      %get3A_458 = arith.index_cast %add3A_399 : i32 to index
      %get3A_459 = arith.constant 80 : index
      %get3A_460 = tpu.vector_load %arg6[%get3A_458, %get3A_459] {strides = array<i32>} : memref<128x128xf32, #tpu.memory_space<vmem>>, vector<1x16xf32>,
      %get3A_461 = vector.shape_cast %get3A_460 : vector<1x16xf32> to vector<16xf32>
      %mul3A_462 = arith.constant 11.3137083 : f32
      %mul3A_463 = vector.broadcast %mul3A_462 : f32 to vector<16xf32>
      %mul3A_464 = arith.mulf %get3A_461, %mul3A_463 : vector<16xf32>
      %swap3A_465 = arith.index_cast %add3A_399 : i32 to index
      %swap3A_466 = arith.constant 80 : index
      %swap3A_467 = tpu.vector_load %arg6[%swap3A_465, %swap3A_466] {strides = array<i32>} : memref<128x128xf32, #tpu.memory_space<vmem>>, vector<1x16xf32>,
      %swap3A_468 = vector.shape_cast %swap3A_467 : vector<1x16xf32> to vector<16xf32>
      %swap3A_469 = vector.shape_cast %mul3A_464 : vector<16xf32> to vector<1x16xf32>
      tpu.vector_store %arg6[%swap3A_465, %swap3A_466], %swap3A_469 {strides = array<i32>} : memref<128x128xf32, #tpu.memory_space<vmem>>, vector<1x16xf32>,
      %get3A_470 = arith.index_cast %add3A_399 : i32 to index
      %get3A_471 = arith.constant 96 : index
      %get3A_472 = tpu.vector_load %arg6[%get3A_470, %get3A_471] {strides = array<i32>} : memref<128x128xf32, #tpu.memory_space<vmem>>, vector<1x16xf32>,
      %get3A_473 = vector.shape_cast %get3A_472 : vector<1x16xf32> to vector<16xf32>
      %mul3A_474 = arith.constant 11.3137083 : f32
      %mul3A_475 = vector.broadcast %mul3A_474 : f32 to vector<16xf32>
      %mul3A_476 = arith.mulf %get3A_473, %mul3A_475 : vector<16xf32>
      %swap3A_477 = arith.index_cast %add3A_399 : i32 to index
      %swap3A_478 = arith.constant 96 : index
      %swap3A_479 = tpu.vector_load %arg6[%swap3A_477, %swap3A_478] {strides = array<i32>} : memref<128x128xf32, #tpu.memory_space<vmem>>, vector<1x16xf32>,
      %swap3A_480 = vector.shape_cast %swap3A_479 : vector<1x16xf32> to vector<16xf32>
      %swap3A_481 = vector.shape_cast %mul3A_476 : vector<16xf32> to vector<1x16xf32>
      tpu.vector_store %arg6[%swap3A_477, %swap3A_478], %swap3A_481 {strides = array<i32>} : memref<128x128xf32, #tpu.memory_space<vmem>>, vector<1x16xf32>,
      %get3A_482 = arith.index_cast %add3A_399 : i32 to index
      %get3A_483 = arith.constant 112 : index
      %get3A_484 = tpu.vector_load %arg6[%get3A_482, %get3A_483] {strides = array<i32>} : memref<128x128xf32, #tpu.memory_space<vmem>>, vector<1x16xf32>,
      %get3A_485 = vector.shape_cast %get3A_484 : vector<1x16xf32> to vector<16xf32>
      %mul3A_486 = arith.constant 11.3137083 : f32
      %mul3A_487 = vector.broadcast %mul3A_486 : f32 to vector<16xf32>
      %mul3A_488 = arith.mulf %get3A_485, %mul3A_487 : vector<16xf32>
      %swap3A_489 = arith.index_cast %add3A_399 : i32 to index
      %swap3A_490 = arith.constant 112 : index
      %swap3A_491 = tpu.vector_load %arg6[%swap3A_489, %swap3A_490] {strides = array<i32>} : memref<128x128xf32, #tpu.memory_space<vmem>>, vector<1x16xf32>,
      %swap3A_492 = vector.shape_cast %swap3A_491 : vector<1x16xf32> to vector<16xf32>
      %swap3A_493 = vector.shape_cast %mul3A_488 : vector<16xf32> to vector<1x16xf32>
      tpu.vector_store %arg6[%swap3A_489, %swap3A_490], %swap3A_493 {strides = array<i32>} : memref<128x128xf32, #tpu.memory_space<vmem>>, vector<1x16xf32>,
    }
    %scan3A_75 = arith.constant 128 : i32
    %add3A_76 = arith.constant 5376 : i32
    %add3A_77 = arith.addi %mul3A_2, %add3A_76 : i32
    %dma_start3A_78 = arith.constant 0 : i32
    %dma_start3A_79 = tpu.memref_slice %arg4[%add3A_77, %dma_start3A_78] : memref<204800x128xf32, #tpu.memory_space<hbm>> -> memref<128x128xf32, #tpu.memory_space<hbm>>
    %dma_start3A_80 = arith.constant 0 : i32
    %dma_start3A_81 = tpu.memref_slice %arg4[%add3A_77, %dma_start3A_80] : memref<204800x128xf32, #tpu.memory_space<hbm>> -> memref<128x128xf32, #tpu.memory_space<hbm>>
    tpu.enqueue_dma source(%arg6 : memref<128x128xf32, #tpu.memory_space<vmem>>) target(%dma_start3A_81 : memref<128x128xf32, #tpu.memory_space<hbm>>) target_semaphore(%arg18 : memref<!tpu.dma_semaphore, #tpu.memory_space<semaphore_mem>>)
    %dma_wait3A_82 = arith.constant 0 : i32
    %dma_wait3A_83 = tpu.memref_slice %arg4[%mul3A_2, %dma_wait3A_82] : memref<204800x128xf32, #tpu.memory_space<hbm>> -> memref<128x128xf32, #tpu.memory_space<hbm>>
    %dma_wait3A_84 = arith.constant 0 : i32
    %dma_wait3A_85 = tpu.memref_slice %arg4[%mul3A_2, %dma_wait3A_84] : memref<204800x128xf32, #tpu.memory_space<hbm>> -> memref<128x128xf32, #tpu.memory_space<hbm>>
    tpu.wait_dma2 semaphore(%arg21 : memref<!tpu.dma_semaphore, #tpu.memory_space<semaphore_mem>>) src(%arg9 : memref<128x128xf32, #tpu.memory_space<vmem>>) dst(%dma_wait3A_85 : memref<128x128xf32, #tpu.memory_space<hbm>>)
    %dma_start3A_86 = arith.constant 0 : i32
    %dma_start3A_87 = arith.constant 0 : i32
    %dma_start3A_88 = tpu.memref_slice %arg9[%dma_start3A_86, %dma_start3A_87] : memref<128x128xf32, #tpu.memory_space<vmem>> -> memref<64x128xf32, #tpu.memory_space<vmem>>
    %dma_start3A_89 = arith.constant 5760 : i32
    %dma_start3A_90 = tpu.memref_slice %arg5[%dma_start3A_89] : memref<6400xi32, #tpu.memory_space<vmem>> -> memref<64xi32, #tpu.memory_space<vmem>>
    %dma_start3A_91 = arith.constant 0 : i32
    %dma_start3A_92 = arith.constant 0 : i32
    %dma_start3A_93 = tpu.memref_slice %arg3[%dma_start3A_91, %dma_start3A_92] : memref<100000x128xf32, #tpu.memory_space<hbm>> -> memref<100000x128xf32, #tpu.memory_space<hbm>>
    tpu.enqueue_indirect_dma source(%dma_start3A_93 : memref<100000x128xf32, #tpu.memory_space<hbm>>) target(%dma_start3A_88 : memref<64x128xf32, #tpu.memory_space<vmem>>) offsets(%dma_start3A_90 : memref<64xi32, #tpu.memory_space<vmem>>) semaphore(%arg15 : memref<!tpu.dma_semaphore, #tpu.memory_space<semaphore_mem>>)
    %dma_start3A_94 = arith.constant 64 : i32
    %dma_start3A_95 = arith.constant 0 : i32
    %dma_start3A_96 = tpu.memref_slice %arg9[%dma_start3A_94, %dma_start3A_95] : memref<128x128xf32, #tpu.memory_space<vmem>> -> memref<64x128xf32, #tpu.memory_space<vmem>>
    %dma_start3A_97 = arith.constant 5824 : i32
    %dma_start3A_98 = tpu.memref_slice %arg5[%dma_start3A_97] : memref<6400xi32, #tpu.memory_space<vmem>> -> memref<64xi32, #tpu.memory_space<vmem>>
    %dma_start3A_99 = arith.constant 0 : i32
    %dma_start3A_100 = arith.constant 0 : i32
    %dma_start3A_101 = tpu.memref_slice %arg3[%dma_start3A_99, %dma_start3A_100] : memref<100000x128xf32, #tpu.memory_space<hbm>> -> memref<100000x128xf32, #tpu.memory_space<hbm>>
    tpu.enqueue_indirect_dma source(%dma_start3A_101 : memref<100000x128xf32, #tpu.memory_space<hbm>>) target(%dma_start3A_96 : memref<64x128xf32, #tpu.memory_space<vmem>>) offsets(%dma_start3A_98 : memref<64xi32, #tpu.memory_space<vmem>>) semaphore(%arg15 : memref<!tpu.dma_semaphore, #tpu.memory_space<semaphore_mem>>)
    %dma_wait3A_102 = arith.constant 0 : i32
    %dma_wait3A_103 = arith.constant 0 : i32
    %dma_wait3A_104 = tpu.memref_slice %arg7[%dma_wait3A_102, %dma_wait3A_103] : memref<128x128xf32, #tpu.memory_space<vmem>> -> memref<64x128xf32, #tpu.memory_space<vmem>>
    %dma_wait3A_105 = arith.constant 0 : i32
    %dma_wait3A_106 = tpu.memref_slice %arg5[%dma_wait3A_105] : memref<6400xi32, #tpu.memory_space<vmem>> -> memref<64xi32, #tpu.memory_space<vmem>>
    %dma_wait3A_107 = arith.constant 0 : i32
    %dma_wait3A_108 = arith.constant 0 : i32
    %dma_wait3A_109 = tpu.memref_slice %arg3[%dma_wait3A_107, %dma_wait3A_108] : memref<100000x128xf32, #tpu.memory_space<hbm>> -> memref<100000x128xf32, #tpu.memory_space<hbm>>
    tpu.wait_indirect_dma semaphore(%arg13 : memref<!tpu.dma_semaphore, #tpu.memory_space<semaphore_mem>>) src(%dma_wait3A_109 : memref<100000x128xf32, #tpu.memory_space<hbm>>) dst(%dma_wait3A_104 : memref<64x128xf32, #tpu.memory_space<vmem>>)
    %dma_wait3A_110 = arith.constant 64 : i32
    %dma_wait3A_111 = arith.constant 0 : i32
    %dma_wait3A_112 = tpu.memref_slice %arg7[%dma_wait3A_110, %dma_wait3A_111] : memref<128x128xf32, #tpu.memory_space<vmem>> -> memref<64x128xf32, #tpu.memory_space<vmem>>
    %dma_wait3A_113 = arith.constant 0 : i32
    %dma_wait3A_114 = tpu.memref_slice %arg5[%dma_wait3A_113] : memref<6400xi32, #tpu.memory_space<vmem>> -> memref<64xi32, #tpu.memory_space<vmem>>
    %dma_wait3A_115 = arith.constant 0 : i32
    %dma_wait3A_116 = arith.constant 0 : i32
    %dma_wait3A_117 = tpu.memref_slice %arg3[%dma_wait3A_115, %dma_wait3A_116] : memref<100000x128xf32, #tpu.memory_space<hbm>> -> memref<100000x128xf32, #tpu.memory_space<hbm>>
    tpu.wait_indirect_dma semaphore(%arg13 : memref<!tpu.dma_semaphore, #tpu.memory_space<semaphore_mem>>) src(%dma_wait3A_117 : memref<100000x128xf32, #tpu.memory_space<hbm>>) dst(%dma_wait3A_112 : memref<64x128xf32, #tpu.memory_space<vmem>>)
    %scan3A_118 = arith.constant 0 : i32
    %scan3A_119 = arith.constant 128 : i32
    %scan3A_120 = arith.addi %scan3A_118, %scan3A_119 : i32
    %scan3A_121 = arith.constant 1 : i32
    scf.for %scan3A_395 = %scan3A_118 to %scan3A_120 step %scan3A_121  : i32 {
      %mul3A_396 = arith.constant 1 : i32
      %mul3A_397 = arith.muli %scan3A_395, %mul3A_396 : i32
      %add3A_398 = arith.constant 0 : i32
      %add3A_399 = arith.addi %add3A_398, %mul3A_397 : i32
      %get3A = arith.index_cast %add3A_399 : i32 to index
      %get3A_400 = arith.constant 0 : index
      %get3A_401 = tpu.vector_load %arg7[%get3A, %get3A_400] {strides = array<i32>} : memref<128x128xf32, #tpu.memory_space<vmem>>, vector<1x16xf32>,
      %get3A_402 = vector.shape_cast %get3A_401 : vector<1x16xf32> to vector<16xf32>
      %mul3A_403 = arith.constant 11.3137083 : f32
      %mul3A_404 = vector.broadcast %mul3A_403 : f32 to vector<16xf32>
      %mul3A_405 = arith.mulf %get3A_402, %mul3A_404 : vector<16xf32>
      %swap3A = arith.index_cast %add3A_399 : i32 to index
      %swap3A_406 = arith.constant 0 : index
      %swap3A_407 = tpu.vector_load %arg7[%swap3A, %swap3A_406] {strides = array<i32>} : memref<128x128xf32, #tpu.memory_space<vmem>>, vector<1x16xf32>,
      %swap3A_408 = vector.shape_cast %swap3A_407 : vector<1x16xf32> to vector<16xf32>
      %swap3A_409 = vector.shape_cast %mul3A_405 : vector<16xf32> to vector<1x16xf32>
      tpu.vector_store %arg7[%swap3A, %swap3A_406], %swap3A_409 {strides = array<i32>} : memref<128x128xf32, #tpu.memory_space<vmem>>, vector<1x16xf32>,
      %get3A_410 = arith.index_cast %add3A_399 : i32 to index
      %get3A_411 = arith.constant 16 : index
      %get3A_412 = tpu.vector_load %arg7[%get3A_410, %get3A_411] {strides = array<i32>} : memref<128x128xf32, #tpu.memory_space<vmem>>, vector<1x16xf32>,
      %get3A_413 = vector.shape_cast %get3A_412 : vector<1x16xf32> to vector<16xf32>
      %mul3A_414 = arith.constant 11.3137083 : f32
      %mul3A_415 = vector.broadcast %mul3A_414 : f32 to vector<16xf32>
      %mul3A_416 = arith.mulf %get3A_413, %mul3A_415 : vector<16xf32>
      %swap3A_417 = arith.index_cast %add3A_399 : i32 to index
      %swap3A_418 = arith.constant 16 : index
      %swap3A_419 = tpu.vector_load %arg7[%swap3A_417, %swap3A_418] {strides = array<i32>} : memref<128x128xf32, #tpu.memory_space<vmem>>, vector<1x16xf32>,
      %swap3A_420 = vector.shape_cast %swap3A_419 : vector<1x16xf32> to vector<16xf32>
      %swap3A_421 = vector.shape_cast %mul3A_416 : vector<16xf32> to vector<1x16xf32>
      tpu.vector_store %arg7[%swap3A_417, %swap3A_418], %swap3A_421 {strides = array<i32>} : memref<128x128xf32, #tpu.memory_space<vmem>>, vector<1x16xf32>,
      %get3A_422 = arith.index_cast %add3A_399 : i32 to index
      %get3A_423 = arith.constant 32 : index
      %get3A_424 = tpu.vector_load %arg7[%get3A_422, %get3A_423] {strides = array<i32>} : memref<128x128xf32, #tpu.memory_space<vmem>>, vector<1x16xf32>,
      %get3A_425 = vector.shape_cast %get3A_424 : vector<1x16xf32> to vector<16xf32>
      %mul3A_426 = arith.constant 11.3137083 : f32
      %mul3A_427 = vector.broadcast %mul3A_426 : f32 to vector<16xf32>
      %mul3A_428 = arith.mulf %get3A_425, %mul3A_427 : vector<16xf32>
      %swap3A_429 = arith.index_cast %add3A_399 : i32 to index
      %swap3A_430 = arith.constant 32 : index
      %swap3A_431 = tpu.vector_load %arg7[%swap3A_429, %swap3A_430] {strides = array<i32>} : memref<128x128xf32, #tpu.memory_space<vmem>>, vector<1x16xf32>,
      %swap3A_432 = vector.shape_cast %swap3A_431 : vector<1x16xf32> to vector<16xf32>
      %swap3A_433 = vector.shape_cast %mul3A_428 : vector<16xf32> to vector<1x16xf32>
      tpu.vector_store %arg7[%swap3A_429, %swap3A_430], %swap3A_433 {strides = array<i32>} : memref<128x128xf32, #tpu.memory_space<vmem>>, vector<1x16xf32>,
      %get3A_434 = arith.index_cast %add3A_399 : i32 to index
      %get3A_435 = arith.constant 48 : index
      %get3A_436 = tpu.vector_load %arg7[%get3A_434, %get3A_435] {strides = array<i32>} : memref<128x128xf32, #tpu.memory_space<vmem>>, vector<1x16xf32>,
      %get3A_437 = vector.shape_cast %get3A_436 : vector<1x16xf32> to vector<16xf32>
      %mul3A_438 = arith.constant 11.3137083 : f32
      %mul3A_439 = vector.broadcast %mul3A_438 : f32 to vector<16xf32>
      %mul3A_440 = arith.mulf %get3A_437, %mul3A_439 : vector<16xf32>
      %swap3A_441 = arith.index_cast %add3A_399 : i32 to index
      %swap3A_442 = arith.constant 48 : index
      %swap3A_443 = tpu.vector_load %arg7[%swap3A_441, %swap3A_442] {strides = array<i32>} : memref<128x128xf32, #tpu.memory_space<vmem>>, vector<1x16xf32>,
      %swap3A_444 = vector.shape_cast %swap3A_443 : vector<1x16xf32> to vector<16xf32>
      %swap3A_445 = vector.shape_cast %mul3A_440 : vector<16xf32> to vector<1x16xf32>
      tpu.vector_store %arg7[%swap3A_441, %swap3A_442], %swap3A_445 {strides = array<i32>} : memref<128x128xf32, #tpu.memory_space<vmem>>, vector<1x16xf32>,
      %get3A_446 = arith.index_cast %add3A_399 : i32 to index
      %get3A_447 = arith.constant 64 : index
      %get3A_448 = tpu.vector_load %arg7[%get3A_446, %get3A_447] {strides = array<i32>} : memref<128x128xf32, #tpu.memory_space<vmem>>, vector<1x16xf32>,
      %get3A_449 = vector.shape_cast %get3A_448 : vector<1x16xf32> to vector<16xf32>
      %mul3A_450 = arith.constant 11.3137083 : f32
      %mul3A_451 = vector.broadcast %mul3A_450 : f32 to vector<16xf32>
      %mul3A_452 = arith.mulf %get3A_449, %mul3A_451 : vector<16xf32>
      %swap3A_453 = arith.index_cast %add3A_399 : i32 to index
      %swap3A_454 = arith.constant 64 : index
      %swap3A_455 = tpu.vector_load %arg7[%swap3A_453, %swap3A_454] {strides = array<i32>} : memref<128x128xf32, #tpu.memory_space<vmem>>, vector<1x16xf32>,
      %swap3A_456 = vector.shape_cast %swap3A_455 : vector<1x16xf32> to vector<16xf32>
      %swap3A_457 = vector.shape_cast %mul3A_452 : vector<16xf32> to vector<1x16xf32>
      tpu.vector_store %arg7[%swap3A_453, %swap3A_454], %swap3A_457 {strides = array<i32>} : memref<128x128xf32, #tpu.memory_space<vmem>>, vector<1x16xf32>,
      %get3A_458 = arith.index_cast %add3A_399 : i32 to index
      %get3A_459 = arith.constant 80 : index
      %get3A_460 = tpu.vector_load %arg7[%get3A_458, %get3A_459] {strides = array<i32>} : memref<128x128xf32, #tpu.memory_space<vmem>>, vector<1x16xf32>,
      %get3A_461 = vector.shape_cast %get3A_460 : vector<1x16xf32> to vector<16xf32>
      %mul3A_462 = arith.constant 11.3137083 : f32
      %mul3A_463 = vector.broadcast %mul3A_462 : f32 to vector<16xf32>
      %mul3A_464 = arith.mulf %get3A_461, %mul3A_463 : vector<16xf32>
      %swap3A_465 = arith.index_cast %add3A_399 : i32 to index
      %swap3A_466 = arith.constant 80 : index
      %swap3A_467 = tpu.vector_load %arg7[%swap3A_465, %swap3A_466] {strides = array<i32>} : memref<128x128xf32, #tpu.memory_space<vmem>>, vector<1x16xf32>,
      %swap3A_468 = vector.shape_cast %swap3A_467 : vector<1x16xf32> to vector<16xf32>
      %swap3A_469 = vector.shape_cast %mul3A_464 : vector<16xf32> to vector<1x16xf32>
      tpu.vector_store %arg7[%swap3A_465, %swap3A_466], %swap3A_469 {strides = array<i32>} : memref<128x128xf32, #tpu.memory_space<vmem>>, vector<1x16xf32>,
      %get3A_470 = arith.index_cast %add3A_399 : i32 to index
      %get3A_471 = arith.constant 96 : index
      %get3A_472 = tpu.vector_load %arg7[%get3A_470, %get3A_471] {strides = array<i32>} : memref<128x128xf32, #tpu.memory_space<vmem>>, vector<1x16xf32>,
      %get3A_473 = vector.shape_cast %get3A_472 : vector<1x16xf32> to vector<16xf32>
      %mul3A_474 = arith.constant 11.3137083 : f32
      %mul3A_475 = vector.broadcast %mul3A_474 : f32 to vector<16xf32>
      %mul3A_476 = arith.mulf %get3A_473, %mul3A_475 : vector<16xf32>
      %swap3A_477 = arith.index_cast %add3A_399 : i32 to index
      %swap3A_478 = arith.constant 96 : index
      %swap3A_479 = tpu.vector_load %arg7[%swap3A_477, %swap3A_478] {strides = array<i32>} : memref<128x128xf32, #tpu.memory_space<vmem>>, vector<1x16xf32>,
      %swap3A_480 = vector.shape_cast %swap3A_479 : vector<1x16xf32> to vector<16xf32>
      %swap3A_481 = vector.shape_cast %mul3A_476 : vector<16xf32> to vector<1x16xf32>
      tpu.vector_store %arg7[%swap3A_477, %swap3A_478], %swap3A_481 {strides = array<i32>} : memref<128x128xf32, #tpu.memory_space<vmem>>, vector<1x16xf32>,
      %get3A_482 = arith.index_cast %add3A_399 : i32 to index
      %get3A_483 = arith.constant 112 : index
      %get3A_484 = tpu.vector_load %arg7[%get3A_482, %get3A_483] {strides = array<i32>} : memref<128x128xf32, #tpu.memory_space<vmem>>, vector<1x16xf32>,
      %get3A_485 = vector.shape_cast %get3A_484 : vector<1x16xf32> to vector<16xf32>
      %mul3A_486 = arith.constant 11.3137083 : f32
      %mul3A_487 = vector.broadcast %mul3A_486 : f32 to vector<16xf32>
      %mul3A_488 = arith.mulf %get3A_485, %mul3A_487 : vector<16xf32>
      %swap3A_489 = arith.index_cast %add3A_399 : i32 to index
      %swap3A_490 = arith.constant 112 : index
      %swap3A_491 = tpu.vector_load %arg7[%swap3A_489, %swap3A_490] {strides = array<i32>} : memref<128x128xf32, #tpu.memory_space<vmem>>, vector<1x16xf32>,
      %swap3A_492 = vector.shape_cast %swap3A_491 : vector<1x16xf32> to vector<16xf32>
      %swap3A_493 = vector.shape_cast %mul3A_488 : vector<16xf32> to vector<1x16xf32>
      tpu.vector_store %arg7[%swap3A_489, %swap3A_490], %swap3A_493 {strides = array<i32>} : memref<128x128xf32, #tpu.memory_space<vmem>>, vector<1x16xf32>,
    }
    %scan3A_122 = arith.constant 128 : i32
    %add3A_123 = arith.constant 5504 : i32
    %add3A_124 = arith.addi %mul3A_2, %add3A_123 : i32
    %dma_start3A_125 = arith.constant 0 : i32
    %dma_start3A_126 = tpu.memref_slice %arg4[%add3A_124, %dma_start3A_125] : memref<204800x128xf32, #tpu.memory_space<hbm>> -> memref<128x128xf32, #tpu.memory_space<hbm>>
    %dma_start3A_127 = arith.constant 0 : i32
    %dma_start3A_128 = tpu.memref_slice %arg4[%add3A_124, %dma_start3A_127] : memref<204800x128xf32, #tpu.memory_space<hbm>> -> memref<128x128xf32, #tpu.memory_space<hbm>>
    tpu.enqueue_dma source(%arg7 : memref<128x128xf32, #tpu.memory_space<vmem>>) target(%dma_start3A_128 : memref<128x128xf32, #tpu.memory_space<hbm>>) target_semaphore(%arg19 : memref<!tpu.dma_semaphore, #tpu.memory_space<semaphore_mem>>)
    %dma_wait3A_129 = arith.constant 0 : i32
    %dma_wait3A_130 = tpu.memref_slice %arg4[%mul3A_2, %dma_wait3A_129] : memref<204800x128xf32, #tpu.memory_space<hbm>> -> memref<128x128xf32, #tpu.memory_space<hbm>>
    %dma_wait3A_131 = arith.constant 0 : i32
    %dma_wait3A_132 = tpu.memref_slice %arg4[%mul3A_2, %dma_wait3A_131] : memref<204800x128xf32, #tpu.memory_space<hbm>> -> memref<128x128xf32, #tpu.memory_space<hbm>>
    tpu.wait_dma2 semaphore(%arg22 : memref<!tpu.dma_semaphore, #tpu.memory_space<semaphore_mem>>) src(%arg10 : memref<128x128xf32, #tpu.memory_space<vmem>>) dst(%dma_wait3A_132 : memref<128x128xf32, #tpu.memory_space<hbm>>)
    %dma_start3A_133 = arith.constant 0 : i32
    %dma_start3A_134 = arith.constant 0 : i32
    %dma_start3A_135 = tpu.memref_slice %arg10[%dma_start3A_133, %dma_start3A_134] : memref<128x128xf32, #tpu.memory_space<vmem>> -> memref<64x128xf32, #tpu.memory_space<vmem>>
    %dma_start3A_136 = arith.constant 5888 : i32
    %dma_start3A_137 = tpu.memref_slice %arg5[%dma_start3A_136] : memref<6400xi32, #tpu.memory_space<vmem>> -> memref<64xi32, #tpu.memory_space<vmem>>
    %dma_start3A_138 = arith.constant 0 : i32
    %dma_start3A_139 = arith.constant 0 : i32
    %dma_start3A_140 = tpu.memref_slice %arg3[%dma_start3A_138, %dma_start3A_139] : memref<100000x128xf32, #tpu.memory_space<hbm>> -> memref<100000x128xf32, #tpu.memory_space<hbm>>
    tpu.enqueue_indirect_dma source(%dma_start3A_140 : memref<100000x128xf32, #tpu.memory_space<hbm>>) target(%dma_start3A_135 : memref<64x128xf32, #tpu.memory_space<vmem>>) offsets(%dma_start3A_137 : memref<64xi32, #tpu.memory_space<vmem>>) semaphore(%arg16 : memref<!tpu.dma_semaphore, #tpu.memory_space<semaphore_mem>>)
    %dma_start3A_141 = arith.constant 64 : i32
    %dma_start3A_142 = arith.constant 0 : i32
    %dma_start3A_143 = tpu.memref_slice %arg10[%dma_start3A_141, %dma_start3A_142] : memref<128x128xf32, #tpu.memory_space<vmem>> -> memref<64x128xf32, #tpu.memory_space<vmem>>
    %dma_start3A_144 = arith.constant 5952 : i32
    %dma_start3A_145 = tpu.memref_slice %arg5[%dma_start3A_144] : memref<6400xi32, #tpu.memory_space<vmem>> -> memref<64xi32, #tpu.memory_space<vmem>>
    %dma_start3A_146 = arith.constant 0 : i32
    %dma_start3A_147 = arith.constant 0 : i32
    %dma_start3A_148 = tpu.memref_slice %arg3[%dma_start3A_146, %dma_start3A_147] : memref<100000x128xf32, #tpu.memory_space<hbm>> -> memref<100000x128xf32, #tpu.memory_space<hbm>>
    tpu.enqueue_indirect_dma source(%dma_start3A_148 : memref<100000x128xf32, #tpu.memory_space<hbm>>) target(%dma_start3A_143 : memref<64x128xf32, #tpu.memory_space<vmem>>) offsets(%dma_start3A_145 : memref<64xi32, #tpu.memory_space<vmem>>) semaphore(%arg16 : memref<!tpu.dma_semaphore, #tpu.memory_space<semaphore_mem>>)
    %dma_wait3A_149 = arith.constant 0 : i32
    %dma_wait3A_150 = arith.constant 0 : i32
    %dma_wait3A_151 = tpu.memref_slice %arg8[%dma_wait3A_149, %dma_wait3A_150] : memref<128x128xf32, #tpu.memory_space<vmem>> -> memref<64x128xf32, #tpu.memory_space<vmem>>
    %dma_wait3A_152 = arith.constant 0 : i32
    %dma_wait3A_153 = tpu.memref_slice %arg5[%dma_wait3A_152] : memref<6400xi32, #tpu.memory_space<vmem>> -> memref<64xi32, #tpu.memory_space<vmem>>
    %dma_wait3A_154 = arith.constant 0 : i32
    %dma_wait3A_155 = arith.constant 0 : i32
    %dma_wait3A_156 = tpu.memref_slice %arg3[%dma_wait3A_154, %dma_wait3A_155] : memref<100000x128xf32, #tpu.memory_space<hbm>> -> memref<100000x128xf32, #tpu.memory_space<hbm>>
    tpu.wait_indirect_dma semaphore(%arg14 : memref<!tpu.dma_semaphore, #tpu.memory_space<semaphore_mem>>) src(%dma_wait3A_156 : memref<100000x128xf32, #tpu.memory_space<hbm>>) dst(%dma_wait3A_151 : memref<64x128xf32, #tpu.memory_space<vmem>>)
    %dma_wait3A_157 = arith.constant 64 : i32
    %dma_wait3A_158 = arith.constant 0 : i32
    %dma_wait3A_159 = tpu.memref_slice %arg8[%dma_wait3A_157, %dma_wait3A_158] : memref<128x128xf32, #tpu.memory_space<vmem>> -> memref<64x128xf32, #tpu.memory_space<vmem>>
    %dma_wait3A_160 = arith.constant 0 : i32
    %dma_wait3A_161 = tpu.memref_slice %arg5[%dma_wait3A_160] : memref<6400xi32, #tpu.memory_space<vmem>> -> memref<64xi32, #tpu.memory_space<vmem>>
    %dma_wait3A_162 = arith.constant 0 : i32
    %dma_wait3A_163 = arith.constant 0 : i32
    %dma_wait3A_164 = tpu.memref_slice %arg3[%dma_wait3A_162, %dma_wait3A_163] : memref<100000x128xf32, #tpu.memory_space<hbm>> -> memref<100000x128xf32, #tpu.memory_space<hbm>>
    tpu.wait_indirect_dma semaphore(%arg14 : memref<!tpu.dma_semaphore, #tpu.memory_space<semaphore_mem>>) src(%dma_wait3A_164 : memref<100000x128xf32, #tpu.memory_space<hbm>>) dst(%dma_wait3A_159 : memref<64x128xf32, #tpu.memory_space<vmem>>)
    %scan3A_165 = arith.constant 0 : i32
    %scan3A_166 = arith.constant 128 : i32
    %scan3A_167 = arith.addi %scan3A_165, %scan3A_166 : i32
    %scan3A_168 = arith.constant 1 : i32
    scf.for %scan3A_395 = %scan3A_165 to %scan3A_167 step %scan3A_168  : i32 {
      %mul3A_396 = arith.constant 1 : i32
      %mul3A_397 = arith.muli %scan3A_395, %mul3A_396 : i32
      %add3A_398 = arith.constant 0 : i32
      %add3A_399 = arith.addi %add3A_398, %mul3A_397 : i32
      %get3A = arith.index_cast %add3A_399 : i32 to index
      %get3A_400 = arith.constant 0 : index
      %get3A_401 = tpu.vector_load %arg8[%get3A, %get3A_400] {strides = array<i32>} : memref<128x128xf32, #tpu.memory_space<vmem>>, vector<1x16xf32>,
      %get3A_402 = vector.shape_cast %get3A_401 : vector<1x16xf32> to vector<16xf32>
      %mul3A_403 = arith.constant 11.3137083 : f32
      %mul3A_404 = vector.broadcast %mul3A_403 : f32 to vector<16xf32>
      %mul3A_405 = arith.mulf %get3A_402, %mul3A_404 : vector<16xf32>
      %swap3A = arith.index_cast %add3A_399 : i32 to index
      %swap3A_406 = arith.constant 0 : index
      %swap3A_407 = tpu.vector_load %arg8[%swap3A, %swap3A_406] {strides = array<i32>} : memref<128x128xf32, #tpu.memory_space<vmem>>, vector<1x16xf32>,
      %swap3A_408 = vector.shape_cast %swap3A_407 : vector<1x16xf32> to vector<16xf32>
      %swap3A_409 = vector.shape_cast %mul3A_405 : vector<16xf32> to vector<1x16xf32>
      tpu.vector_store %arg8[%swap3A, %swap3A_406], %swap3A_409 {strides = array<i32>} : memref<128x128xf32, #tpu.memory_space<vmem>>, vector<1x16xf32>,
      %get3A_410 = arith.index_cast %add3A_399 : i32 to index
      %get3A_411 = arith.constant 16 : index
      %get3A_412 = tpu.vector_load %arg8[%get3A_410, %get3A_411] {strides = array<i32>} : memref<128x128xf32, #tpu.memory_space<vmem>>, vector<1x16xf32>,
      %get3A_413 = vector.shape_cast %get3A_412 : vector<1x16xf32> to vector<16xf32>
      %mul3A_414 = arith.constant 11.3137083 : f32
      %mul3A_415 = vector.broadcast %mul3A_414 : f32 to vector<16xf32>
      %mul3A_416 = arith.mulf %get3A_413, %mul3A_415 : vector<16xf32>
      %swap3A_417 = arith.index_cast %add3A_399 : i32 to index
      %swap3A_418 = arith.constant 16 : index
      %swap3A_419 = tpu.vector_load %arg8[%swap3A_417, %swap3A_418] {strides = array<i32>} : memref<128x128xf32, #tpu.memory_space<vmem>>, vector<1x16xf32>,
      %swap3A_420 = vector.shape_cast %swap3A_419 : vector<1x16xf32> to vector<16xf32>
      %swap3A_421 = vector.shape_cast %mul3A_416 : vector<16xf32> to vector<1x16xf32>
      tpu.vector_store %arg8[%swap3A_417, %swap3A_418], %swap3A_421 {strides = array<i32>} : memref<128x128xf32, #tpu.memory_space<vmem>>, vector<1x16xf32>,
      %get3A_422 = arith.index_cast %add3A_399 : i32 to index
      %get3A_423 = arith.constant 32 : index
      %get3A_424 = tpu.vector_load %arg8[%get3A_422, %get3A_423] {strides = array<i32>} : memref<128x128xf32, #tpu.memory_space<vmem>>, vector<1x16xf32>,
      %get3A_425 = vector.shape_cast %get3A_424 : vector<1x16xf32> to vector<16xf32>
      %mul3A_426 = arith.constant 11.3137083 : f32
      %mul3A_427 = vector.broadcast %mul3A_426 : f32 to vector<16xf32>
      %mul3A_428 = arith.mulf %get3A_425, %mul3A_427 : vector<16xf32>
      %swap3A_429 = arith.index_cast %add3A_399 : i32 to index
      %swap3A_430 = arith.constant 32 : index
      %swap3A_431 = tpu.vector_load %arg8[%swap3A_429, %swap3A_430] {strides = array<i32>} : memref<128x128xf32, #tpu.memory_space<vmem>>, vector<1x16xf32>,
      %swap3A_432 = vector.shape_cast %swap3A_431 : vector<1x16xf32> to vector<16xf32>
      %swap3A_433 = vector.shape_cast %mul3A_428 : vector<16xf32> to vector<1x16xf32>
      tpu.vector_store %arg8[%swap3A_429, %swap3A_430], %swap3A_433 {strides = array<i32>} : memref<128x128xf32, #tpu.memory_space<vmem>>, vector<1x16xf32>,
      %get3A_434 = arith.index_cast %add3A_399 : i32 to index
      %get3A_435 = arith.constant 48 : index
      %get3A_436 = tpu.vector_load %arg8[%get3A_434, %get3A_435] {strides = array<i32>} : memref<128x128xf32, #tpu.memory_space<vmem>>, vector<1x16xf32>,
      %get3A_437 = vector.shape_cast %get3A_436 : vector<1x16xf32> to vector<16xf32>
      %mul3A_438 = arith.constant 11.3137083 : f32
      %mul3A_439 = vector.broadcast %mul3A_438 : f32 to vector<16xf32>
      %mul3A_440 = arith.mulf %get3A_437, %mul3A_439 : vector<16xf32>
      %swap3A_441 = arith.index_cast %add3A_399 : i32 to index
      %swap3A_442 = arith.constant 48 : index
      %swap3A_443 = tpu.vector_load %arg8[%swap3A_441, %swap3A_442] {strides = array<i32>} : memref<128x128xf32, #tpu.memory_space<vmem>>, vector<1x16xf32>,
      %swap3A_444 = vector.shape_cast %swap3A_443 : vector<1x16xf32> to vector<16xf32>
      %swap3A_445 = vector.shape_cast %mul3A_440 : vector<16xf32> to vector<1x16xf32>
      tpu.vector_store %arg8[%swap3A_441, %swap3A_442], %swap3A_445 {strides = array<i32>} : memref<128x128xf32, #tpu.memory_space<vmem>>, vector<1x16xf32>,
      %get3A_446 = arith.index_cast %add3A_399 : i32 to index
      %get3A_447 = arith.constant 64 : index
      %get3A_448 = tpu.vector_load %arg8[%get3A_446, %get3A_447] {strides = array<i32>} : memref<128x128xf32, #tpu.memory_space<vmem>>, vector<1x16xf32>,
      %get3A_449 = vector.shape_cast %get3A_448 : vector<1x16xf32> to vector<16xf32>
      %mul3A_450 = arith.constant 11.3137083 : f32
      %mul3A_451 = vector.broadcast %mul3A_450 : f32 to vector<16xf32>
      %mul3A_452 = arith.mulf %get3A_449, %mul3A_451 : vector<16xf32>
      %swap3A_453 = arith.index_cast %add3A_399 : i32 to index
      %swap3A_454 = arith.constant 64 : index
      %swap3A_455 = tpu.vector_load %arg8[%swap3A_453, %swap3A_454] {strides = array<i32>} : memref<128x128xf32, #tpu.memory_space<vmem>>, vector<1x16xf32>,
      %swap3A_456 = vector.shape_cast %swap3A_455 : vector<1x16xf32> to vector<16xf32>
      %swap3A_457 = vector.shape_cast %mul3A_452 : vector<16xf32> to vector<1x16xf32>
      tpu.vector_store %arg8[%swap3A_453, %swap3A_454], %swap3A_457 {strides = array<i32>} : memref<128x128xf32, #tpu.memory_space<vmem>>, vector<1x16xf32>,
      %get3A_458 = arith.index_cast %add3A_399 : i32 to index
      %get3A_459 = arith.constant 80 : index
      %get3A_460 = tpu.vector_load %arg8[%get3A_458, %get3A_459] {strides = array<i32>} : memref<128x128xf32, #tpu.memory_space<vmem>>, vector<1x16xf32>,
      %get3A_461 = vector.shape_cast %get3A_460 : vector<1x16xf32> to vector<16xf32>
      %mul3A_462 = arith.constant 11.3137083 : f32
      %mul3A_463 = vector.broadcast %mul3A_462 : f32 to vector<16xf32>
      %mul3A_464 = arith.mulf %get3A_461, %mul3A_463 : vector<16xf32>
      %swap3A_465 = arith.index_cast %add3A_399 : i32 to index
      %swap3A_466 = arith.constant 80 : index
      %swap3A_467 = tpu.vector_load %arg8[%swap3A_465, %swap3A_466] {strides = array<i32>} : memref<128x128xf32, #tpu.memory_space<vmem>>, vector<1x16xf32>,
      %swap3A_468 = vector.shape_cast %swap3A_467 : vector<1x16xf32> to vector<16xf32>
      %swap3A_469 = vector.shape_cast %mul3A_464 : vector<16xf32> to vector<1x16xf32>
      tpu.vector_store %arg8[%swap3A_465, %swap3A_466], %swap3A_469 {strides = array<i32>} : memref<128x128xf32, #tpu.memory_space<vmem>>, vector<1x16xf32>,
      %get3A_470 = arith.index_cast %add3A_399 : i32 to index
      %get3A_471 = arith.constant 96 : index
      %get3A_472 = tpu.vector_load %arg8[%get3A_470, %get3A_471] {strides = array<i32>} : memref<128x128xf32, #tpu.memory_space<vmem>>, vector<1x16xf32>,
      %get3A_473 = vector.shape_cast %get3A_472 : vector<1x16xf32> to vector<16xf32>
      %mul3A_474 = arith.constant 11.3137083 : f32
      %mul3A_475 = vector.broadcast %mul3A_474 : f32 to vector<16xf32>
      %mul3A_476 = arith.mulf %get3A_473, %mul3A_475 : vector<16xf32>
      %swap3A_477 = arith.index_cast %add3A_399 : i32 to index
      %swap3A_478 = arith.constant 96 : index
      %swap3A_479 = tpu.vector_load %arg8[%swap3A_477, %swap3A_478] {strides = array<i32>} : memref<128x128xf32, #tpu.memory_space<vmem>>, vector<1x16xf32>,
      %swap3A_480 = vector.shape_cast %swap3A_479 : vector<1x16xf32> to vector<16xf32>
      %swap3A_481 = vector.shape_cast %mul3A_476 : vector<16xf32> to vector<1x16xf32>
      tpu.vector_store %arg8[%swap3A_477, %swap3A_478], %swap3A_481 {strides = array<i32>} : memref<128x128xf32, #tpu.memory_space<vmem>>, vector<1x16xf32>,
      %get3A_482 = arith.index_cast %add3A_399 : i32 to index
      %get3A_483 = arith.constant 112 : index
      %get3A_484 = tpu.vector_load %arg8[%get3A_482, %get3A_483] {strides = array<i32>} : memref<128x128xf32, #tpu.memory_space<vmem>>, vector<1x16xf32>,
      %get3A_485 = vector.shape_cast %get3A_484 : vector<1x16xf32> to vector<16xf32>
      %mul3A_486 = arith.constant 11.3137083 : f32
      %mul3A_487 = vector.broadcast %mul3A_486 : f32 to vector<16xf32>
      %mul3A_488 = arith.mulf %get3A_485, %mul3A_487 : vector<16xf32>
      %swap3A_489 = arith.index_cast %add3A_399 : i32 to index
      %swap3A_490 = arith.constant 112 : index
      %swap3A_491 = tpu.vector_load %arg8[%swap3A_489, %swap3A_490] {strides = array<i32>} : memref<128x128xf32, #tpu.memory_space<vmem>>, vector<1x16xf32>,
      %swap3A_492 = vector.shape_cast %swap3A_491 : vector<1x16xf32> to vector<16xf32>
      %swap3A_493 = vector.shape_cast %mul3A_488 : vector<16xf32> to vector<1x16xf32>
      tpu.vector_store %arg8[%swap3A_489, %swap3A_490], %swap3A_493 {strides = array<i32>} : memref<128x128xf32, #tpu.memory_space<vmem>>, vector<1x16xf32>,
    }
    %scan3A_169 = arith.constant 128 : i32
    %add3A_170 = arith.constant 5632 : i32
    %add3A_171 = arith.addi %mul3A_2, %add3A_170 : i32
    %dma_start3A_172 = arith.constant 0 : i32
    %dma_start3A_173 = tpu.memref_slice %arg4[%add3A_171, %dma_start3A_172] : memref<204800x128xf32, #tpu.memory_space<hbm>> -> memref<128x128xf32, #tpu.memory_space<hbm>>
    %dma_start3A_174 = arith.constant 0 : i32
    %dma_start3A_175 = tpu.memref_slice %arg4[%add3A_171, %dma_start3A_174] : memref<204800x128xf32, #tpu.memory_space<hbm>> -> memref<128x128xf32, #tpu.memory_space<hbm>>
    tpu.enqueue_dma source(%arg8 : memref<128x128xf32, #tpu.memory_space<vmem>>) target(%dma_start3A_175 : memref<128x128xf32, #tpu.memory_space<hbm>>) target_semaphore(%arg20 : memref<!tpu.dma_semaphore, #tpu.memory_space<semaphore_mem>>)
    %dma_wait3A_176 = arith.constant 0 : i32
    %dma_wait3A_177 = tpu.memref_slice %arg4[%mul3A_2, %dma_wait3A_176] : memref<204800x128xf32, #tpu.memory_space<hbm>> -> memref<128x128xf32, #tpu.memory_space<hbm>>
    %dma_wait3A_178 = arith.constant 0 : i32
    %dma_wait3A_179 = tpu.memref_slice %arg4[%mul3A_2, %dma_wait3A_178] : memref<204800x128xf32, #tpu.memory_space<hbm>> -> memref<128x128xf32, #tpu.memory_space<hbm>>
    tpu.wait_dma2 semaphore(%arg23 : memref<!tpu.dma_semaphore, #tpu.memory_space<semaphore_mem>>) src(%arg11 : memref<128x128xf32, #tpu.memory_space<vmem>>) dst(%dma_wait3A_179 : memref<128x128xf32, #tpu.memory_space<hbm>>)
    %dma_start3A_180 = arith.constant 0 : i32
    %dma_start3A_181 = arith.constant 0 : i32
    %dma_start3A_182 = tpu.memref_slice %arg11[%dma_start3A_180, %dma_start3A_181] : memref<128x128xf32, #tpu.memory_space<vmem>> -> memref<64x128xf32, #tpu.memory_space<vmem>>
    %dma_start3A_183 = arith.constant 6016 : i32
    %dma_start3A_184 = tpu.memref_slice %arg5[%dma_start3A_183] : memref<6400xi32, #tpu.memory_space<vmem>> -> memref<64xi32, #tpu.memory_space<vmem>>
    %dma_start3A_185 = arith.constant 0 : i32
    %dma_start3A_186 = arith.constant 0 : i32
    %dma_start3A_187 = tpu.memref_slice %arg3[%dma_start3A_185, %dma_start3A_186] : memref<100000x128xf32, #tpu.memory_space<hbm>> -> memref<100000x128xf32, #tpu.memory_space<hbm>>
    tpu.enqueue_indirect_dma source(%dma_start3A_187 : memref<100000x128xf32, #tpu.memory_space<hbm>>) target(%dma_start3A_182 : memref<64x128xf32, #tpu.memory_space<vmem>>) offsets(%dma_start3A_184 : memref<64xi32, #tpu.memory_space<vmem>>) semaphore(%arg17 : memref<!tpu.dma_semaphore, #tpu.memory_space<semaphore_mem>>)
    %dma_start3A_188 = arith.constant 64 : i32
    %dma_start3A_189 = arith.constant 0 : i32
    %dma_start3A_190 = tpu.memref_slice %arg11[%dma_start3A_188, %dma_start3A_189] : memref<128x128xf32, #tpu.memory_space<vmem>> -> memref<64x128xf32, #tpu.memory_space<vmem>>
    %dma_start3A_191 = arith.constant 6080 : i32
    %dma_start3A_192 = tpu.memref_slice %arg5[%dma_start3A_191] : memref<6400xi32, #tpu.memory_space<vmem>> -> memref<64xi32, #tpu.memory_space<vmem>>
    %dma_start3A_193 = arith.constant 0 : i32
    %dma_start3A_194 = arith.constant 0 : i32
    %dma_start3A_195 = tpu.memref_slice %arg3[%dma_start3A_193, %dma_start3A_194] : memref<100000x128xf32, #tpu.memory_space<hbm>> -> memref<100000x128xf32, #tpu.memory_space<hbm>>
    tpu.enqueue_indirect_dma source(%dma_start3A_195 : memref<100000x128xf32, #tpu.memory_space<hbm>>) target(%dma_start3A_190 : memref<64x128xf32, #tpu.memory_space<vmem>>) offsets(%dma_start3A_192 : memref<64xi32, #tpu.memory_space<vmem>>) semaphore(%arg17 : memref<!tpu.dma_semaphore, #tpu.memory_space<semaphore_mem>>)
    %dma_wait3A_196 = arith.constant 0 : i32
    %dma_wait3A_197 = arith.constant 0 : i32
    %dma_wait3A_198 = tpu.memref_slice %arg9[%dma_wait3A_196, %dma_wait3A_197] : memref<128x128xf32, #tpu.memory_space<vmem>> -> memref<64x128xf32, #tpu.memory_space<vmem>>
    %dma_wait3A_199 = arith.constant 0 : i32
    %dma_wait3A_200 = tpu.memref_slice %arg5[%dma_wait3A_199] : memref<6400xi32, #tpu.memory_space<vmem>> -> memref<64xi32, #tpu.memory_space<vmem>>
    %dma_wait3A_201 = arith.constant 0 : i32
    %dma_wait3A_202 = arith.constant 0 : i32
    %dma_wait3A_203 = tpu.memref_slice %arg3[%dma_wait3A_201, %dma_wait3A_202] : memref<100000x128xf32, #tpu.memory_space<hbm>> -> memref<100000x128xf32, #tpu.memory_space<hbm>>
    tpu.wait_indirect_dma semaphore(%arg15 : memref<!tpu.dma_semaphore, #tpu.memory_space<semaphore_mem>>) src(%dma_wait3A_203 : memref<100000x128xf32, #tpu.memory_space<hbm>>) dst(%dma_wait3A_198 : memref<64x128xf32, #tpu.memory_space<vmem>>)
    %dma_wait3A_204 = arith.constant 64 : i32
    %dma_wait3A_205 = arith.constant 0 : i32
    %dma_wait3A_206 = tpu.memref_slice %arg9[%dma_wait3A_204, %dma_wait3A_205] : memref<128x128xf32, #tpu.memory_space<vmem>> -> memref<64x128xf32, #tpu.memory_space<vmem>>
    %dma_wait3A_207 = arith.constant 0 : i32
    %dma_wait3A_208 = tpu.memref_slice %arg5[%dma_wait3A_207] : memref<6400xi32, #tpu.memory_space<vmem>> -> memref<64xi32, #tpu.memory_space<vmem>>
    %dma_wait3A_209 = arith.constant 0 : i32
    %dma_wait3A_210 = arith.constant 0 : i32
    %dma_wait3A_211 = tpu.memref_slice %arg3[%dma_wait3A_209, %dma_wait3A_210] : memref<100000x128xf32, #tpu.memory_space<hbm>> -> memref<100000x128xf32, #tpu.memory_space<hbm>>
    tpu.wait_indirect_dma semaphore(%arg15 : memref<!tpu.dma_semaphore, #tpu.memory_space<semaphore_mem>>) src(%dma_wait3A_211 : memref<100000x128xf32, #tpu.memory_space<hbm>>) dst(%dma_wait3A_206 : memref<64x128xf32, #tpu.memory_space<vmem>>)
    %scan3A_212 = arith.constant 0 : i32
    %scan3A_213 = arith.constant 128 : i32
    %scan3A_214 = arith.addi %scan3A_212, %scan3A_213 : i32
    %scan3A_215 = arith.constant 1 : i32
    scf.for %scan3A_395 = %scan3A_212 to %scan3A_214 step %scan3A_215  : i32 {
      %mul3A_396 = arith.constant 1 : i32
      %mul3A_397 = arith.muli %scan3A_395, %mul3A_396 : i32
      %add3A_398 = arith.constant 0 : i32
      %add3A_399 = arith.addi %add3A_398, %mul3A_397 : i32
      %get3A = arith.index_cast %add3A_399 : i32 to index
      %get3A_400 = arith.constant 0 : index
      %get3A_401 = tpu.vector_load %arg9[%get3A, %get3A_400] {strides = array<i32>} : memref<128x128xf32, #tpu.memory_space<vmem>>, vector<1x16xf32>,
      %get3A_402 = vector.shape_cast %get3A_401 : vector<1x16xf32> to vector<16xf32>
      %mul3A_403 = arith.constant 11.3137083 : f32
      %mul3A_404 = vector.broadcast %mul3A_403 : f32 to vector<16xf32>
      %mul3A_405 = arith.mulf %get3A_402, %mul3A_404 : vector<16xf32>
      %swap3A = arith.index_cast %add3A_399 : i32 to index
      %swap3A_406 = arith.constant 0 : index
      %swap3A_407 = tpu.vector_load %arg9[%swap3A, %swap3A_406] {strides = array<i32>} : memref<128x128xf32, #tpu.memory_space<vmem>>, vector<1x16xf32>,
      %swap3A_408 = vector.shape_cast %swap3A_407 : vector<1x16xf32> to vector<16xf32>
      %swap3A_409 = vector.shape_cast %mul3A_405 : vector<16xf32> to vector<1x16xf32>
      tpu.vector_store %arg9[%swap3A, %swap3A_406], %swap3A_409 {strides = array<i32>} : memref<128x128xf32, #tpu.memory_space<vmem>>, vector<1x16xf32>,
      %get3A_410 = arith.index_cast %add3A_399 : i32 to index
      %get3A_411 = arith.constant 16 : index
      %get3A_412 = tpu.vector_load %arg9[%get3A_410, %get3A_411] {strides = array<i32>} : memref<128x128xf32, #tpu.memory_space<vmem>>, vector<1x16xf32>,
      %get3A_413 = vector.shape_cast %get3A_412 : vector<1x16xf32> to vector<16xf32>
      %mul3A_414 = arith.constant 11.3137083 : f32
      %mul3A_415 = vector.broadcast %mul3A_414 : f32 to vector<16xf32>
      %mul3A_416 = arith.mulf %get3A_413, %mul3A_415 : vector<16xf32>
      %swap3A_417 = arith.index_cast %add3A_399 : i32 to index
      %swap3A_418 = arith.constant 16 : index
      %swap3A_419 = tpu.vector_load %arg9[%swap3A_417, %swap3A_418] {strides = array<i32>} : memref<128x128xf32, #tpu.memory_space<vmem>>, vector<1x16xf32>,
      %swap3A_420 = vector.shape_cast %swap3A_419 : vector<1x16xf32> to vector<16xf32>
      %swap3A_421 = vector.shape_cast %mul3A_416 : vector<16xf32> to vector<1x16xf32>
      tpu.vector_store %arg9[%swap3A_417, %swap3A_418], %swap3A_421 {strides = array<i32>} : memref<128x128xf32, #tpu.memory_space<vmem>>, vector<1x16xf32>,
      %get3A_422 = arith.index_cast %add3A_399 : i32 to index
      %get3A_423 = arith.constant 32 : index
      %get3A_424 = tpu.vector_load %arg9[%get3A_422, %get3A_423] {strides = array<i32>} : memref<128x128xf32, #tpu.memory_space<vmem>>, vector<1x16xf32>,
      %get3A_425 = vector.shape_cast %get3A_424 : vector<1x16xf32> to vector<16xf32>
      %mul3A_426 = arith.constant 11.3137083 : f32
      %mul3A_427 = vector.broadcast %mul3A_426 : f32 to vector<16xf32>
      %mul3A_428 = arith.mulf %get3A_425, %mul3A_427 : vector<16xf32>
      %swap3A_429 = arith.index_cast %add3A_399 : i32 to index
      %swap3A_430 = arith.constant 32 : index
      %swap3A_431 = tpu.vector_load %arg9[%swap3A_429, %swap3A_430] {strides = array<i32>} : memref<128x128xf32, #tpu.memory_space<vmem>>, vector<1x16xf32>,
      %swap3A_432 = vector.shape_cast %swap3A_431 : vector<1x16xf32> to vector<16xf32>
      %swap3A_433 = vector.shape_cast %mul3A_428 : vector<16xf32> to vector<1x16xf32>
      tpu.vector_store %arg9[%swap3A_429, %swap3A_430], %swap3A_433 {strides = array<i32>} : memref<128x128xf32, #tpu.memory_space<vmem>>, vector<1x16xf32>,
      %get3A_434 = arith.index_cast %add3A_399 : i32 to index
      %get3A_435 = arith.constant 48 : index
      %get3A_436 = tpu.vector_load %arg9[%get3A_434, %get3A_435] {strides = array<i32>} : memref<128x128xf32, #tpu.memory_space<vmem>>, vector<1x16xf32>,
      %get3A_437 = vector.shape_cast %get3A_436 : vector<1x16xf32> to vector<16xf32>
      %mul3A_438 = arith.constant 11.3137083 : f32
      %mul3A_439 = vector.broadcast %mul3A_438 : f32 to vector<16xf32>
      %mul3A_440 = arith.mulf %get3A_437, %mul3A_439 : vector<16xf32>
      %swap3A_441 = arith.index_cast %add3A_399 : i32 to index
      %swap3A_442 = arith.constant 48 : index
      %swap3A_443 = tpu.vector_load %arg9[%swap3A_441, %swap3A_442] {strides = array<i32>} : memref<128x128xf32, #tpu.memory_space<vmem>>, vector<1x16xf32>,
      %swap3A_444 = vector.shape_cast %swap3A_443 : vector<1x16xf32> to vector<16xf32>
      %swap3A_445 = vector.shape_cast %mul3A_440 : vector<16xf32> to vector<1x16xf32>
      tpu.vector_store %arg9[%swap3A_441, %swap3A_442], %swap3A_445 {strides = array<i32>} : memref<128x128xf32, #tpu.memory_space<vmem>>, vector<1x16xf32>,
      %get3A_446 = arith.index_cast %add3A_399 : i32 to index
      %get3A_447 = arith.constant 64 : index
      %get3A_448 = tpu.vector_load %arg9[%get3A_446, %get3A_447] {strides = array<i32>} : memref<128x128xf32, #tpu.memory_space<vmem>>, vector<1x16xf32>,
      %get3A_449 = vector.shape_cast %get3A_448 : vector<1x16xf32> to vector<16xf32>
      %mul3A_450 = arith.constant 11.3137083 : f32
      %mul3A_451 = vector.broadcast %mul3A_450 : f32 to vector<16xf32>
      %mul3A_452 = arith.mulf %get3A_449, %mul3A_451 : vector<16xf32>
      %swap3A_453 = arith.index_cast %add3A_399 : i32 to index
      %swap3A_454 = arith.constant 64 : index
      %swap3A_455 = tpu.vector_load %arg9[%swap3A_453, %swap3A_454] {strides = array<i32>} : memref<128x128xf32, #tpu.memory_space<vmem>>, vector<1x16xf32>,
      %swap3A_456 = vector.shape_cast %swap3A_455 : vector<1x16xf32> to vector<16xf32>
      %swap3A_457 = vector.shape_cast %mul3A_452 : vector<16xf32> to vector<1x16xf32>
      tpu.vector_store %arg9[%swap3A_453, %swap3A_454], %swap3A_457 {strides = array<i32>} : memref<128x128xf32, #tpu.memory_space<vmem>>, vector<1x16xf32>,
      %get3A_458 = arith.index_cast %add3A_399 : i32 to index
      %get3A_459 = arith.constant 80 : index
      %get3A_460 = tpu.vector_load %arg9[%get3A_458, %get3A_459] {strides = array<i32>} : memref<128x128xf32, #tpu.memory_space<vmem>>, vector<1x16xf32>,
      %get3A_461 = vector.shape_cast %get3A_460 : vector<1x16xf32> to vector<16xf32>
      %mul3A_462 = arith.constant 11.3137083 : f32
      %mul3A_463 = vector.broadcast %mul3A_462 : f32 to vector<16xf32>
      %mul3A_464 = arith.mulf %get3A_461, %mul3A_463 : vector<16xf32>
      %swap3A_465 = arith.index_cast %add3A_399 : i32 to index
      %swap3A_466 = arith.constant 80 : index
      %swap3A_467 = tpu.vector_load %arg9[%swap3A_465, %swap3A_466] {strides = array<i32>} : memref<128x128xf32, #tpu.memory_space<vmem>>, vector<1x16xf32>,
      %swap3A_468 = vector.shape_cast %swap3A_467 : vector<1x16xf32> to vector<16xf32>
      %swap3A_469 = vector.shape_cast %mul3A_464 : vector<16xf32> to vector<1x16xf32>
      tpu.vector_store %arg9[%swap3A_465, %swap3A_466], %swap3A_469 {strides = array<i32>} : memref<128x128xf32, #tpu.memory_space<vmem>>, vector<1x16xf32>,
      %get3A_470 = arith.index_cast %add3A_399 : i32 to index
      %get3A_471 = arith.constant 96 : index
      %get3A_472 = tpu.vector_load %arg9[%get3A_470, %get3A_471] {strides = array<i32>} : memref<128x128xf32, #tpu.memory_space<vmem>>, vector<1x16xf32>,
      %get3A_473 = vector.shape_cast %get3A_472 : vector<1x16xf32> to vector<16xf32>
      %mul3A_474 = arith.constant 11.3137083 : f32
      %mul3A_475 = vector.broadcast %mul3A_474 : f32 to vector<16xf32>
      %mul3A_476 = arith.mulf %get3A_473, %mul3A_475 : vector<16xf32>
      %swap3A_477 = arith.index_cast %add3A_399 : i32 to index
      %swap3A_478 = arith.constant 96 : index
      %swap3A_479 = tpu.vector_load %arg9[%swap3A_477, %swap3A_478] {strides = array<i32>} : memref<128x128xf32, #tpu.memory_space<vmem>>, vector<1x16xf32>,
      %swap3A_480 = vector.shape_cast %swap3A_479 : vector<1x16xf32> to vector<16xf32>
      %swap3A_481 = vector.shape_cast %mul3A_476 : vector<16xf32> to vector<1x16xf32>
      tpu.vector_store %arg9[%swap3A_477, %swap3A_478], %swap3A_481 {strides = array<i32>} : memref<128x128xf32, #tpu.memory_space<vmem>>, vector<1x16xf32>,
      %get3A_482 = arith.index_cast %add3A_399 : i32 to index
      %get3A_483 = arith.constant 112 : index
      %get3A_484 = tpu.vector_load %arg9[%get3A_482, %get3A_483] {strides = array<i32>} : memref<128x128xf32, #tpu.memory_space<vmem>>, vector<1x16xf32>,
      %get3A_485 = vector.shape_cast %get3A_484 : vector<1x16xf32> to vector<16xf32>
      %mul3A_486 = arith.constant 11.3137083 : f32
      %mul3A_487 = vector.broadcast %mul3A_486 : f32 to vector<16xf32>
      %mul3A_488 = arith.mulf %get3A_485, %mul3A_487 : vector<16xf32>
      %swap3A_489 = arith.index_cast %add3A_399 : i32 to index
      %swap3A_490 = arith.constant 112 : index
      %swap3A_491 = tpu.vector_load %arg9[%swap3A_489, %swap3A_490] {strides = array<i32>} : memref<128x128xf32, #tpu.memory_space<vmem>>, vector<1x16xf32>,
      %swap3A_492 = vector.shape_cast %swap3A_491 : vector<1x16xf32> to vector<16xf32>
      %swap3A_493 = vector.shape_cast %mul3A_488 : vector<16xf32> to vector<1x16xf32>
      tpu.vector_store %arg9[%swap3A_489, %swap3A_490], %swap3A_493 {strides = array<i32>} : memref<128x128xf32, #tpu.memory_space<vmem>>, vector<1x16xf32>,
    }
    %scan3A_216 = arith.constant 128 : i32
    %add3A_217 = arith.constant 5760 : i32
    %add3A_218 = arith.addi %mul3A_2, %add3A_217 : i32
    %dma_start3A_219 = arith.constant 0 : i32
    %dma_start3A_220 = tpu.memref_slice %arg4[%add3A_218, %dma_start3A_219] : memref<204800x128xf32, #tpu.memory_space<hbm>> -> memref<128x128xf32, #tpu.memory_space<hbm>>
    %dma_start3A_221 = arith.constant 0 : i32
    %dma_start3A_222 = tpu.memref_slice %arg4[%add3A_218, %dma_start3A_221] : memref<204800x128xf32, #tpu.memory_space<hbm>> -> memref<128x128xf32, #tpu.memory_space<hbm>>
    tpu.enqueue_dma source(%arg9 : memref<128x128xf32, #tpu.memory_space<vmem>>) target(%dma_start3A_222 : memref<128x128xf32, #tpu.memory_space<hbm>>) target_semaphore(%arg21 : memref<!tpu.dma_semaphore, #tpu.memory_space<semaphore_mem>>)
    %dma_wait3A_223 = arith.constant 0 : i32
    %dma_wait3A_224 = tpu.memref_slice %arg4[%mul3A_2, %dma_wait3A_223] : memref<204800x128xf32, #tpu.memory_space<hbm>> -> memref<128x128xf32, #tpu.memory_space<hbm>>
    %dma_wait3A_225 = arith.constant 0 : i32
    %dma_wait3A_226 = tpu.memref_slice %arg4[%mul3A_2, %dma_wait3A_225] : memref<204800x128xf32, #tpu.memory_space<hbm>> -> memref<128x128xf32, #tpu.memory_space<hbm>>
    tpu.wait_dma2 semaphore(%arg18 : memref<!tpu.dma_semaphore, #tpu.memory_space<semaphore_mem>>) src(%arg6 : memref<128x128xf32, #tpu.memory_space<vmem>>) dst(%dma_wait3A_226 : memref<128x128xf32, #tpu.memory_space<hbm>>)
    %dma_start3A_227 = arith.constant 0 : i32
    %dma_start3A_228 = arith.constant 0 : i32
    %dma_start3A_229 = tpu.memref_slice %arg6[%dma_start3A_227, %dma_start3A_228] : memref<128x128xf32, #tpu.memory_space<vmem>> -> memref<64x128xf32, #tpu.memory_space<vmem>>
    %dma_start3A_230 = arith.constant 6144 : i32
    %dma_start3A_231 = tpu.memref_slice %arg5[%dma_start3A_230] : memref<6400xi32, #tpu.memory_space<vmem>> -> memref<64xi32, #tpu.memory_space<vmem>>
    %dma_start3A_232 = arith.constant 0 : i32
    %dma_start3A_233 = arith.constant 0 : i32
    %dma_start3A_234 = tpu.memref_slice %arg3[%dma_start3A_232, %dma_start3A_233] : memref<100000x128xf32, #tpu.memory_space<hbm>> -> memref<100000x128xf32, #tpu.memory_space<hbm>>
    tpu.enqueue_indirect_dma source(%dma_start3A_234 : memref<100000x128xf32, #tpu.memory_space<hbm>>) target(%dma_start3A_229 : memref<64x128xf32, #tpu.memory_space<vmem>>) offsets(%dma_start3A_231 : memref<64xi32, #tpu.memory_space<vmem>>) semaphore(%arg12 : memref<!tpu.dma_semaphore, #tpu.memory_space<semaphore_mem>>)
    %dma_start3A_235 = arith.constant 64 : i32
    %dma_start3A_236 = arith.constant 0 : i32
    %dma_start3A_237 = tpu.memref_slice %arg6[%dma_start3A_235, %dma_start3A_236] : memref<128x128xf32, #tpu.memory_space<vmem>> -> memref<64x128xf32, #tpu.memory_space<vmem>>
    %dma_start3A_238 = arith.constant 6208 : i32
    %dma_start3A_239 = tpu.memref_slice %arg5[%dma_start3A_238] : memref<6400xi32, #tpu.memory_space<vmem>> -> memref<64xi32, #tpu.memory_space<vmem>>
    %dma_start3A_240 = arith.constant 0 : i32
    %dma_start3A_241 = arith.constant 0 : i32
    %dma_start3A_242 = tpu.memref_slice %arg3[%dma_start3A_240, %dma_start3A_241] : memref<100000x128xf32, #tpu.memory_space<hbm>> -> memref<100000x128xf32, #tpu.memory_space<hbm>>
    tpu.enqueue_indirect_dma source(%dma_start3A_242 : memref<100000x128xf32, #tpu.memory_space<hbm>>) target(%dma_start3A_237 : memref<64x128xf32, #tpu.memory_space<vmem>>) offsets(%dma_start3A_239 : memref<64xi32, #tpu.memory_space<vmem>>) semaphore(%arg12 : memref<!tpu.dma_semaphore, #tpu.memory_space<semaphore_mem>>)
    %dma_wait3A_243 = arith.constant 0 : i32
    %dma_wait3A_244 = arith.constant 0 : i32
    %dma_wait3A_245 = tpu.memref_slice %arg10[%dma_wait3A_243, %dma_wait3A_244] : memref<128x128xf32, #tpu.memory_space<vmem>> -> memref<64x128xf32, #tpu.memory_space<vmem>>
    %dma_wait3A_246 = arith.constant 0 : i32
    %dma_wait3A_247 = tpu.memref_slice %arg5[%dma_wait3A_246] : memref<6400xi32, #tpu.memory_space<vmem>> -> memref<64xi32, #tpu.memory_space<vmem>>
    %dma_wait3A_248 = arith.constant 0 : i32
    %dma_wait3A_249 = arith.constant 0 : i32
    %dma_wait3A_250 = tpu.memref_slice %arg3[%dma_wait3A_248, %dma_wait3A_249] : memref<100000x128xf32, #tpu.memory_space<hbm>> -> memref<100000x128xf32, #tpu.memory_space<hbm>>
    tpu.wait_indirect_dma semaphore(%arg16 : memref<!tpu.dma_semaphore, #tpu.memory_space<semaphore_mem>>) src(%dma_wait3A_250 : memref<100000x128xf32, #tpu.memory_space<hbm>>) dst(%dma_wait3A_245 : memref<64x128xf32, #tpu.memory_space<vmem>>)
    %dma_wait3A_251 = arith.constant 64 : i32
    %dma_wait3A_252 = arith.constant 0 : i32
    %dma_wait3A_253 = tpu.memref_slice %arg10[%dma_wait3A_251, %dma_wait3A_252] : memref<128x128xf32, #tpu.memory_space<vmem>> -> memref<64x128xf32, #tpu.memory_space<vmem>>
    %dma_wait3A_254 = arith.constant 0 : i32
    %dma_wait3A_255 = tpu.memref_slice %arg5[%dma_wait3A_254] : memref<6400xi32, #tpu.memory_space<vmem>> -> memref<64xi32, #tpu.memory_space<vmem>>
    %dma_wait3A_256 = arith.constant 0 : i32
    %dma_wait3A_257 = arith.constant 0 : i32
    %dma_wait3A_258 = tpu.memref_slice %arg3[%dma_wait3A_256, %dma_wait3A_257] : memref<100000x128xf32, #tpu.memory_space<hbm>> -> memref<100000x128xf32, #tpu.memory_space<hbm>>
    tpu.wait_indirect_dma semaphore(%arg16 : memref<!tpu.dma_semaphore, #tpu.memory_space<semaphore_mem>>) src(%dma_wait3A_258 : memref<100000x128xf32, #tpu.memory_space<hbm>>) dst(%dma_wait3A_253 : memref<64x128xf32, #tpu.memory_space<vmem>>)
    %scan3A_259 = arith.constant 0 : i32
    %scan3A_260 = arith.constant 128 : i32
    %scan3A_261 = arith.addi %scan3A_259, %scan3A_260 : i32
    %scan3A_262 = arith.constant 1 : i32
    scf.for %scan3A_395 = %scan3A_259 to %scan3A_261 step %scan3A_262  : i32 {
      %mul3A_396 = arith.constant 1 : i32
      %mul3A_397 = arith.muli %scan3A_395, %mul3A_396 : i32
      %add3A_398 = arith.constant 0 : i32
      %add3A_399 = arith.addi %add3A_398, %mul3A_397 : i32
      %get3A = arith.index_cast %add3A_399 : i32 to index
      %get3A_400 = arith.constant 0 : index
      %get3A_401 = tpu.vector_load %arg10[%get3A, %get3A_400] {strides = array<i32>} : memref<128x128xf32, #tpu.memory_space<vmem>>, vector<1x16xf32>,
      %get3A_402 = vector.shape_cast %get3A_401 : vector<1x16xf32> to vector<16xf32>
      %mul3A_403 = arith.constant 11.3137083 : f32
      %mul3A_404 = vector.broadcast %mul3A_403 : f32 to vector<16xf32>
      %mul3A_405 = arith.mulf %get3A_402, %mul3A_404 : vector<16xf32>
      %swap3A = arith.index_cast %add3A_399 : i32 to index
      %swap3A_406 = arith.constant 0 : index
      %swap3A_407 = tpu.vector_load %arg10[%swap3A, %swap3A_406] {strides = array<i32>} : memref<128x128xf32, #tpu.memory_space<vmem>>, vector<1x16xf32>,
      %swap3A_408 = vector.shape_cast %swap3A_407 : vector<1x16xf32> to vector<16xf32>
      %swap3A_409 = vector.shape_cast %mul3A_405 : vector<16xf32> to vector<1x16xf32>
      tpu.vector_store %arg10[%swap3A, %swap3A_406], %swap3A_409 {strides = array<i32>} : memref<128x128xf32, #tpu.memory_space<vmem>>, vector<1x16xf32>,
      %get3A_410 = arith.index_cast %add3A_399 : i32 to index
      %get3A_411 = arith.constant 16 : index
      %get3A_412 = tpu.vector_load %arg10[%get3A_410, %get3A_411] {strides = array<i32>} : memref<128x128xf32, #tpu.memory_space<vmem>>, vector<1x16xf32>,
      %get3A_413 = vector.shape_cast %get3A_412 : vector<1x16xf32> to vector<16xf32>
      %mul3A_414 = arith.constant 11.3137083 : f32
      %mul3A_415 = vector.broadcast %mul3A_414 : f32 to vector<16xf32>
      %mul3A_416 = arith.mulf %get3A_413, %mul3A_415 : vector<16xf32>
      %swap3A_417 = arith.index_cast %add3A_399 : i32 to index
      %swap3A_418 = arith.constant 16 : index
      %swap3A_419 = tpu.vector_load %arg10[%swap3A_417, %swap3A_418] {strides = array<i32>} : memref<128x128xf32, #tpu.memory_space<vmem>>, vector<1x16xf32>,
      %swap3A_420 = vector.shape_cast %swap3A_419 : vector<1x16xf32> to vector<16xf32>
      %swap3A_421 = vector.shape_cast %mul3A_416 : vector<16xf32> to vector<1x16xf32>
      tpu.vector_store %arg10[%swap3A_417, %swap3A_418], %swap3A_421 {strides = array<i32>} : memref<128x128xf32, #tpu.memory_space<vmem>>, vector<1x16xf32>,
      %get3A_422 = arith.index_cast %add3A_399 : i32 to index
      %get3A_423 = arith.constant 32 : index
      %get3A_424 = tpu.vector_load %arg10[%get3A_422, %get3A_423] {strides = array<i32>} : memref<128x128xf32, #tpu.memory_space<vmem>>, vector<1x16xf32>,
      %get3A_425 = vector.shape_cast %get3A_424 : vector<1x16xf32> to vector<16xf32>
      %mul3A_426 = arith.constant 11.3137083 : f32
      %mul3A_427 = vector.broadcast %mul3A_426 : f32 to vector<16xf32>
      %mul3A_428 = arith.mulf %get3A_425, %mul3A_427 : vector<16xf32>
      %swap3A_429 = arith.index_cast %add3A_399 : i32 to index
      %swap3A_430 = arith.constant 32 : index
      %swap3A_431 = tpu.vector_load %arg10[%swap3A_429, %swap3A_430] {strides = array<i32>} : memref<128x128xf32, #tpu.memory_space<vmem>>, vector<1x16xf32>,
      %swap3A_432 = vector.shape_cast %swap3A_431 : vector<1x16xf32> to vector<16xf32>
      %swap3A_433 = vector.shape_cast %mul3A_428 : vector<16xf32> to vector<1x16xf32>
      tpu.vector_store %arg10[%swap3A_429, %swap3A_430], %swap3A_433 {strides = array<i32>} : memref<128x128xf32, #tpu.memory_space<vmem>>, vector<1x16xf32>,
      %get3A_434 = arith.index_cast %add3A_399 : i32 to index
      %get3A_435 = arith.constant 48 : index
      %get3A_436 = tpu.vector_load %arg10[%get3A_434, %get3A_435] {strides = array<i32>} : memref<128x128xf32, #tpu.memory_space<vmem>>, vector<1x16xf32>,
      %get3A_437 = vector.shape_cast %get3A_436 : vector<1x16xf32> to vector<16xf32>
      %mul3A_438 = arith.constant 11.3137083 : f32
      %mul3A_439 = vector.broadcast %mul3A_438 : f32 to vector<16xf32>
      %mul3A_440 = arith.mulf %get3A_437, %mul3A_439 : vector<16xf32>
      %swap3A_441 = arith.index_cast %add3A_399 : i32 to index
      %swap3A_442 = arith.constant 48 : index
      %swap3A_443 = tpu.vector_load %arg10[%swap3A_441, %swap3A_442] {strides = array<i32>} : memref<128x128xf32, #tpu.memory_space<vmem>>, vector<1x16xf32>,
      %swap3A_444 = vector.shape_cast %swap3A_443 : vector<1x16xf32> to vector<16xf32>
      %swap3A_445 = vector.shape_cast %mul3A_440 : vector<16xf32> to vector<1x16xf32>
      tpu.vector_store %arg10[%swap3A_441, %swap3A_442], %swap3A_445 {strides = array<i32>} : memref<128x128xf32, #tpu.memory_space<vmem>>, vector<1x16xf32>,
      %get3A_446 = arith.index_cast %add3A_399 : i32 to index
      %get3A_447 = arith.constant 64 : index
      %get3A_448 = tpu.vector_load %arg10[%get3A_446, %get3A_447] {strides = array<i32>} : memref<128x128xf32, #tpu.memory_space<vmem>>, vector<1x16xf32>,
      %get3A_449 = vector.shape_cast %get3A_448 : vector<1x16xf32> to vector<16xf32>
      %mul3A_450 = arith.constant 11.3137083 : f32
      %mul3A_451 = vector.broadcast %mul3A_450 : f32 to vector<16xf32>
      %mul3A_452 = arith.mulf %get3A_449, %mul3A_451 : vector<16xf32>
      %swap3A_453 = arith.index_cast %add3A_399 : i32 to index
      %swap3A_454 = arith.constant 64 : index
      %swap3A_455 = tpu.vector_load %arg10[%swap3A_453, %swap3A_454] {strides = array<i32>} : memref<128x128xf32, #tpu.memory_space<vmem>>, vector<1x16xf32>,
      %swap3A_456 = vector.shape_cast %swap3A_455 : vector<1x16xf32> to vector<16xf32>
      %swap3A_457 = vector.shape_cast %mul3A_452 : vector<16xf32> to vector<1x16xf32>
      tpu.vector_store %arg10[%swap3A_453, %swap3A_454], %swap3A_457 {strides = array<i32>} : memref<128x128xf32, #tpu.memory_space<vmem>>, vector<1x16xf32>,
      %get3A_458 = arith.index_cast %add3A_399 : i32 to index
      %get3A_459 = arith.constant 80 : index
      %get3A_460 = tpu.vector_load %arg10[%get3A_458, %get3A_459] {strides = array<i32>} : memref<128x128xf32, #tpu.memory_space<vmem>>, vector<1x16xf32>,
      %get3A_461 = vector.shape_cast %get3A_460 : vector<1x16xf32> to vector<16xf32>
      %mul3A_462 = arith.constant 11.3137083 : f32
      %mul3A_463 = vector.broadcast %mul3A_462 : f32 to vector<16xf32>
      %mul3A_464 = arith.mulf %get3A_461, %mul3A_463 : vector<16xf32>
      %swap3A_465 = arith.index_cast %add3A_399 : i32 to index
      %swap3A_466 = arith.constant 80 : index
      %swap3A_467 = tpu.vector_load %arg10[%swap3A_465, %swap3A_466] {strides = array<i32>} : memref<128x128xf32, #tpu.memory_space<vmem>>, vector<1x16xf32>,
      %swap3A_468 = vector.shape_cast %swap3A_467 : vector<1x16xf32> to vector<16xf32>
      %swap3A_469 = vector.shape_cast %mul3A_464 : vector<16xf32> to vector<1x16xf32>
      tpu.vector_store %arg10[%swap3A_465, %swap3A_466], %swap3A_469 {strides = array<i32>} : memref<128x128xf32, #tpu.memory_space<vmem>>, vector<1x16xf32>,
      %get3A_470 = arith.index_cast %add3A_399 : i32 to index
      %get3A_471 = arith.constant 96 : index
      %get3A_472 = tpu.vector_load %arg10[%get3A_470, %get3A_471] {strides = array<i32>} : memref<128x128xf32, #tpu.memory_space<vmem>>, vector<1x16xf32>,
      %get3A_473 = vector.shape_cast %get3A_472 : vector<1x16xf32> to vector<16xf32>
      %mul3A_474 = arith.constant 11.3137083 : f32
      %mul3A_475 = vector.broadcast %mul3A_474 : f32 to vector<16xf32>
      %mul3A_476 = arith.mulf %get3A_473, %mul3A_475 : vector<16xf32>
      %swap3A_477 = arith.index_cast %add3A_399 : i32 to index
      %swap3A_478 = arith.constant 96 : index
      %swap3A_479 = tpu.vector_load %arg10[%swap3A_477, %swap3A_478] {strides = array<i32>} : memref<128x128xf32, #tpu.memory_space<vmem>>, vector<1x16xf32>,
      %swap3A_480 = vector.shape_cast %swap3A_479 : vector<1x16xf32> to vector<16xf32>
      %swap3A_481 = vector.shape_cast %mul3A_476 : vector<16xf32> to vector<1x16xf32>
      tpu.vector_store %arg10[%swap3A_477, %swap3A_478], %swap3A_481 {strides = array<i32>} : memref<128x128xf32, #tpu.memory_space<vmem>>, vector<1x16xf32>,
      %get3A_482 = arith.index_cast %add3A_399 : i32 to index
      %get3A_483 = arith.constant 112 : index
      %get3A_484 = tpu.vector_load %arg10[%get3A_482, %get3A_483] {strides = array<i32>} : memref<128x128xf32, #tpu.memory_space<vmem>>, vector<1x16xf32>,
      %get3A_485 = vector.shape_cast %get3A_484 : vector<1x16xf32> to vector<16xf32>
      %mul3A_486 = arith.constant 11.3137083 : f32
      %mul3A_487 = vector.broadcast %mul3A_486 : f32 to vector<16xf32>
      %mul3A_488 = arith.mulf %get3A_485, %mul3A_487 : vector<16xf32>
      %swap3A_489 = arith.index_cast %add3A_399 : i32 to index
      %swap3A_490 = arith.constant 112 : index
      %swap3A_491 = tpu.vector_load %arg10[%swap3A_489, %swap3A_490] {strides = array<i32>} : memref<128x128xf32, #tpu.memory_space<vmem>>, vector<1x16xf32>,
      %swap3A_492 = vector.shape_cast %swap3A_491 : vector<1x16xf32> to vector<16xf32>
      %swap3A_493 = vector.shape_cast %mul3A_488 : vector<16xf32> to vector<1x16xf32>
      tpu.vector_store %arg10[%swap3A_489, %swap3A_490], %swap3A_493 {strides = array<i32>} : memref<128x128xf32, #tpu.memory_space<vmem>>, vector<1x16xf32>,
    }
    %scan3A_263 = arith.constant 128 : i32
    %add3A_264 = arith.constant 5888 : i32
    %add3A_265 = arith.addi %mul3A_2, %add3A_264 : i32
    %dma_start3A_266 = arith.constant 0 : i32
    %dma_start3A_267 = tpu.memref_slice %arg4[%add3A_265, %dma_start3A_266] : memref<204800x128xf32, #tpu.memory_space<hbm>> -> memref<128x128xf32, #tpu.memory_space<hbm>>
    %dma_start3A_268 = arith.constant 0 : i32
    %dma_start3A_269 = tpu.memref_slice %arg4[%add3A_265, %dma_start3A_268] : memref<204800x128xf32, #tpu.memory_space<hbm>> -> memref<128x128xf32, #tpu.memory_space<hbm>>
    tpu.enqueue_dma source(%arg10 : memref<128x128xf32, #tpu.memory_space<vmem>>) target(%dma_start3A_269 : memref<128x128xf32, #tpu.memory_space<hbm>>) target_semaphore(%arg22 : memref<!tpu.dma_semaphore, #tpu.memory_space<semaphore_mem>>)
    %dma_wait3A_270 = arith.constant 0 : i32
    %dma_wait3A_271 = tpu.memref_slice %arg4[%mul3A_2, %dma_wait3A_270] : memref<204800x128xf32, #tpu.memory_space<hbm>> -> memref<128x128xf32, #tpu.memory_space<hbm>>
    %dma_wait3A_272 = arith.constant 0 : i32
    %dma_wait3A_273 = tpu.memref_slice %arg4[%mul3A_2, %dma_wait3A_272] : memref<204800x128xf32, #tpu.memory_space<hbm>> -> memref<128x128xf32, #tpu.memory_space<hbm>>
    tpu.wait_dma2 semaphore(%arg19 : memref<!tpu.dma_semaphore, #tpu.memory_space<semaphore_mem>>) src(%arg7 : memref<128x128xf32, #tpu.memory_space<vmem>>) dst(%dma_wait3A_273 : memref<128x128xf32, #tpu.memory_space<hbm>>)
    %dma_start3A_274 = arith.constant 0 : i32
    %dma_start3A_275 = arith.constant 0 : i32
    %dma_start3A_276 = tpu.memref_slice %arg7[%dma_start3A_274, %dma_start3A_275] : memref<128x128xf32, #tpu.memory_space<vmem>> -> memref<64x128xf32, #tpu.memory_space<vmem>>
    %dma_start3A_277 = arith.constant 6272 : i32
    %dma_start3A_278 = tpu.memref_slice %arg5[%dma_start3A_277] : memref<6400xi32, #tpu.memory_space<vmem>> -> memref<64xi32, #tpu.memory_space<vmem>>
    %dma_start3A_279 = arith.constant 0 : i32
    %dma_start3A_280 = arith.constant 0 : i32
    %dma_start3A_281 = tpu.memref_slice %arg3[%dma_start3A_279, %dma_start3A_280] : memref<100000x128xf32, #tpu.memory_space<hbm>> -> memref<100000x128xf32, #tpu.memory_space<hbm>>
    tpu.enqueue_indirect_dma source(%dma_start3A_281 : memref<100000x128xf32, #tpu.memory_space<hbm>>) target(%dma_start3A_276 : memref<64x128xf32, #tpu.memory_space<vmem>>) offsets(%dma_start3A_278 : memref<64xi32, #tpu.memory_space<vmem>>) semaphore(%arg13 : memref<!tpu.dma_semaphore, #tpu.memory_space<semaphore_mem>>)
    %dma_start3A_282 = arith.constant 64 : i32
    %dma_start3A_283 = arith.constant 0 : i32
    %dma_start3A_284 = tpu.memref_slice %arg7[%dma_start3A_282, %dma_start3A_283] : memref<128x128xf32, #tpu.memory_space<vmem>> -> memref<64x128xf32, #tpu.memory_space<vmem>>
    %dma_start3A_285 = arith.constant 6336 : i32
    %dma_start3A_286 = tpu.memref_slice %arg5[%dma_start3A_285] : memref<6400xi32, #tpu.memory_space<vmem>> -> memref<64xi32, #tpu.memory_space<vmem>>
    %dma_start3A_287 = arith.constant 0 : i32
    %dma_start3A_288 = arith.constant 0 : i32
    %dma_start3A_289 = tpu.memref_slice %arg3[%dma_start3A_287, %dma_start3A_288] : memref<100000x128xf32, #tpu.memory_space<hbm>> -> memref<100000x128xf32, #tpu.memory_space<hbm>>
    tpu.enqueue_indirect_dma source(%dma_start3A_289 : memref<100000x128xf32, #tpu.memory_space<hbm>>) target(%dma_start3A_284 : memref<64x128xf32, #tpu.memory_space<vmem>>) offsets(%dma_start3A_286 : memref<64xi32, #tpu.memory_space<vmem>>) semaphore(%arg13 : memref<!tpu.dma_semaphore, #tpu.memory_space<semaphore_mem>>)
    %dma_wait3A_290 = arith.constant 0 : i32
    %dma_wait3A_291 = arith.constant 0 : i32
    %dma_wait3A_292 = tpu.memref_slice %arg11[%dma_wait3A_290, %dma_wait3A_291] : memref<128x128xf32, #tpu.memory_space<vmem>> -> memref<64x128xf32, #tpu.memory_space<vmem>>
    %dma_wait3A_293 = arith.constant 0 : i32
    %dma_wait3A_294 = tpu.memref_slice %arg5[%dma_wait3A_293] : memref<6400xi32, #tpu.memory_space<vmem>> -> memref<64xi32, #tpu.memory_space<vmem>>
    %dma_wait3A_295 = arith.constant 0 : i32
    %dma_wait3A_296 = arith.constant 0 : i32
    %dma_wait3A_297 = tpu.memref_slice %arg3[%dma_wait3A_295, %dma_wait3A_296] : memref<100000x128xf32, #tpu.memory_space<hbm>> -> memref<100000x128xf32, #tpu.memory_space<hbm>>
    tpu.wait_indirect_dma semaphore(%arg17 : memref<!tpu.dma_semaphore, #tpu.memory_space<semaphore_mem>>) src(%dma_wait3A_297 : memref<100000x128xf32, #tpu.memory_space<hbm>>) dst(%dma_wait3A_292 : memref<64x128xf32, #tpu.memory_space<vmem>>)
    %dma_wait3A_298 = arith.constant 64 : i32
    %dma_wait3A_299 = arith.constant 0 : i32
    %dma_wait3A_300 = tpu.memref_slice %arg11[%dma_wait3A_298, %dma_wait3A_299] : memref<128x128xf32, #tpu.memory_space<vmem>> -> memref<64x128xf32, #tpu.memory_space<vmem>>
    %dma_wait3A_301 = arith.constant 0 : i32
    %dma_wait3A_302 = tpu.memref_slice %arg5[%dma_wait3A_301] : memref<6400xi32, #tpu.memory_space<vmem>> -> memref<64xi32, #tpu.memory_space<vmem>>
    %dma_wait3A_303 = arith.constant 0 : i32
    %dma_wait3A_304 = arith.constant 0 : i32
    %dma_wait3A_305 = tpu.memref_slice %arg3[%dma_wait3A_303, %dma_wait3A_304] : memref<100000x128xf32, #tpu.memory_space<hbm>> -> memref<100000x128xf32, #tpu.memory_space<hbm>>
    tpu.wait_indirect_dma semaphore(%arg17 : memref<!tpu.dma_semaphore, #tpu.memory_space<semaphore_mem>>) src(%dma_wait3A_305 : memref<100000x128xf32, #tpu.memory_space<hbm>>) dst(%dma_wait3A_300 : memref<64x128xf32, #tpu.memory_space<vmem>>)
    %scan3A_306 = arith.constant 0 : i32
    %scan3A_307 = arith.constant 128 : i32
    %scan3A_308 = arith.addi %scan3A_306, %scan3A_307 : i32
    %scan3A_309 = arith.constant 1 : i32
    scf.for %scan3A_395 = %scan3A_306 to %scan3A_308 step %scan3A_309  : i32 {
      %mul3A_396 = arith.constant 1 : i32
      %mul3A_397 = arith.muli %scan3A_395, %mul3A_396 : i32
      %add3A_398 = arith.constant 0 : i32
      %add3A_399 = arith.addi %add3A_398, %mul3A_397 : i32
      %get3A = arith.index_cast %add3A_399 : i32 to index
      %get3A_400 = arith.constant 0 : index
      %get3A_401 = tpu.vector_load %arg11[%get3A, %get3A_400] {strides = array<i32>} : memref<128x128xf32, #tpu.memory_space<vmem>>, vector<1x16xf32>,
      %get3A_402 = vector.shape_cast %get3A_401 : vector<1x16xf32> to vector<16xf32>
      %mul3A_403 = arith.constant 11.3137083 : f32
      %mul3A_404 = vector.broadcast %mul3A_403 : f32 to vector<16xf32>
      %mul3A_405 = arith.mulf %get3A_402, %mul3A_404 : vector<16xf32>
      %swap3A = arith.index_cast %add3A_399 : i32 to index
      %swap3A_406 = arith.constant 0 : index
      %swap3A_407 = tpu.vector_load %arg11[%swap3A, %swap3A_406] {strides = array<i32>} : memref<128x128xf32, #tpu.memory_space<vmem>>, vector<1x16xf32>,
      %swap3A_408 = vector.shape_cast %swap3A_407 : vector<1x16xf32> to vector<16xf32>
      %swap3A_409 = vector.shape_cast %mul3A_405 : vector<16xf32> to vector<1x16xf32>
      tpu.vector_store %arg11[%swap3A, %swap3A_406], %swap3A_409 {strides = array<i32>} : memref<128x128xf32, #tpu.memory_space<vmem>>, vector<1x16xf32>,
      %get3A_410 = arith.index_cast %add3A_399 : i32 to index
      %get3A_411 = arith.constant 16 : index
      %get3A_412 = tpu.vector_load %arg11[%get3A_410, %get3A_411] {strides = array<i32>} : memref<128x128xf32, #tpu.memory_space<vmem>>, vector<1x16xf32>,
      %get3A_413 = vector.shape_cast %get3A_412 : vector<1x16xf32> to vector<16xf32>
      %mul3A_414 = arith.constant 11.3137083 : f32
      %mul3A_415 = vector.broadcast %mul3A_414 : f32 to vector<16xf32>
      %mul3A_416 = arith.mulf %get3A_413, %mul3A_415 : vector<16xf32>
      %swap3A_417 = arith.index_cast %add3A_399 : i32 to index
      %swap3A_418 = arith.constant 16 : index
      %swap3A_419 = tpu.vector_load %arg11[%swap3A_417, %swap3A_418] {strides = array<i32>} : memref<128x128xf32, #tpu.memory_space<vmem>>, vector<1x16xf32>,
      %swap3A_420 = vector.shape_cast %swap3A_419 : vector<1x16xf32> to vector<16xf32>
      %swap3A_421 = vector.shape_cast %mul3A_416 : vector<16xf32> to vector<1x16xf32>
      tpu.vector_store %arg11[%swap3A_417, %swap3A_418], %swap3A_421 {strides = array<i32>} : memref<128x128xf32, #tpu.memory_space<vmem>>, vector<1x16xf32>,
      %get3A_422 = arith.index_cast %add3A_399 : i32 to index
      %get3A_423 = arith.constant 32 : index
      %get3A_424 = tpu.vector_load %arg11[%get3A_422, %get3A_423] {strides = array<i32>} : memref<128x128xf32, #tpu.memory_space<vmem>>, vector<1x16xf32>,
      %get3A_425 = vector.shape_cast %get3A_424 : vector<1x16xf32> to vector<16xf32>
      %mul3A_426 = arith.constant 11.3137083 : f32
      %mul3A_427 = vector.broadcast %mul3A_426 : f32 to vector<16xf32>
      %mul3A_428 = arith.mulf %get3A_425, %mul3A_427 : vector<16xf32>
      %swap3A_429 = arith.index_cast %add3A_399 : i32 to index
      %swap3A_430 = arith.constant 32 : index
      %swap3A_431 = tpu.vector_load %arg11[%swap3A_429, %swap3A_430] {strides = array<i32>} : memref<128x128xf32, #tpu.memory_space<vmem>>, vector<1x16xf32>,
      %swap3A_432 = vector.shape_cast %swap3A_431 : vector<1x16xf32> to vector<16xf32>
      %swap3A_433 = vector.shape_cast %mul3A_428 : vector<16xf32> to vector<1x16xf32>
      tpu.vector_store %arg11[%swap3A_429, %swap3A_430], %swap3A_433 {strides = array<i32>} : memref<128x128xf32, #tpu.memory_space<vmem>>, vector<1x16xf32>,
      %get3A_434 = arith.index_cast %add3A_399 : i32 to index
      %get3A_435 = arith.constant 48 : index
      %get3A_436 = tpu.vector_load %arg11[%get3A_434, %get3A_435] {strides = array<i32>} : memref<128x128xf32, #tpu.memory_space<vmem>>, vector<1x16xf32>,
      %get3A_437 = vector.shape_cast %get3A_436 : vector<1x16xf32> to vector<16xf32>
      %mul3A_438 = arith.constant 11.3137083 : f32
      %mul3A_439 = vector.broadcast %mul3A_438 : f32 to vector<16xf32>
      %mul3A_440 = arith.mulf %get3A_437, %mul3A_439 : vector<16xf32>
      %swap3A_441 = arith.index_cast %add3A_399 : i32 to index
      %swap3A_442 = arith.constant 48 : index
      %swap3A_443 = tpu.vector_load %arg11[%swap3A_441, %swap3A_442] {strides = array<i32>} : memref<128x128xf32, #tpu.memory_space<vmem>>, vector<1x16xf32>,
      %swap3A_444 = vector.shape_cast %swap3A_443 : vector<1x16xf32> to vector<16xf32>
      %swap3A_445 = vector.shape_cast %mul3A_440 : vector<16xf32> to vector<1x16xf32>
      tpu.vector_store %arg11[%swap3A_441, %swap3A_442], %swap3A_445 {strides = array<i32>} : memref<128x128xf32, #tpu.memory_space<vmem>>, vector<1x16xf32>,
      %get3A_446 = arith.index_cast %add3A_399 : i32 to index
      %get3A_447 = arith.constant 64 : index
      %get3A_448 = tpu.vector_load %arg11[%get3A_446, %get3A_447] {strides = array<i32>} : memref<128x128xf32, #tpu.memory_space<vmem>>, vector<1x16xf32>,
      %get3A_449 = vector.shape_cast %get3A_448 : vector<1x16xf32> to vector<16xf32>
      %mul3A_450 = arith.constant 11.3137083 : f32
      %mul3A_451 = vector.broadcast %mul3A_450 : f32 to vector<16xf32>
      %mul3A_452 = arith.mulf %get3A_449, %mul3A_451 : vector<16xf32>
      %swap3A_453 = arith.index_cast %add3A_399 : i32 to index
      %swap3A_454 = arith.constant 64 : index
      %swap3A_455 = tpu.vector_load %arg11[%swap3A_453, %swap3A_454] {strides = array<i32>} : memref<128x128xf32, #tpu.memory_space<vmem>>, vector<1x16xf32>,
      %swap3A_456 = vector.shape_cast %swap3A_455 : vector<1x16xf32> to vector<16xf32>
      %swap3A_457 = vector.shape_cast %mul3A_452 : vector<16xf32> to vector<1x16xf32>
      tpu.vector_store %arg11[%swap3A_453, %swap3A_454], %swap3A_457 {strides = array<i32>} : memref<128x128xf32, #tpu.memory_space<vmem>>, vector<1x16xf32>,
      %get3A_458 = arith.index_cast %add3A_399 : i32 to index
      %get3A_459 = arith.constant 80 : index
      %get3A_460 = tpu.vector_load %arg11[%get3A_458, %get3A_459] {strides = array<i32>} : memref<128x128xf32, #tpu.memory_space<vmem>>, vector<1x16xf32>,
      %get3A_461 = vector.shape_cast %get3A_460 : vector<1x16xf32> to vector<16xf32>
      %mul3A_462 = arith.constant 11.3137083 : f32
      %mul3A_463 = vector.broadcast %mul3A_462 : f32 to vector<16xf32>
      %mul3A_464 = arith.mulf %get3A_461, %mul3A_463 : vector<16xf32>
      %swap3A_465 = arith.index_cast %add3A_399 : i32 to index
      %swap3A_466 = arith.constant 80 : index
      %swap3A_467 = tpu.vector_load %arg11[%swap3A_465, %swap3A_466] {strides = array<i32>} : memref<128x128xf32, #tpu.memory_space<vmem>>, vector<1x16xf32>,
      %swap3A_468 = vector.shape_cast %swap3A_467 : vector<1x16xf32> to vector<16xf32>
      %swap3A_469 = vector.shape_cast %mul3A_464 : vector<16xf32> to vector<1x16xf32>
      tpu.vector_store %arg11[%swap3A_465, %swap3A_466], %swap3A_469 {strides = array<i32>} : memref<128x128xf32, #tpu.memory_space<vmem>>, vector<1x16xf32>,
      %get3A_470 = arith.index_cast %add3A_399 : i32 to index
      %get3A_471 = arith.constant 96 : index
      %get3A_472 = tpu.vector_load %arg11[%get3A_470, %get3A_471] {strides = array<i32>} : memref<128x128xf32, #tpu.memory_space<vmem>>, vector<1x16xf32>,
      %get3A_473 = vector.shape_cast %get3A_472 : vector<1x16xf32> to vector<16xf32>
      %mul3A_474 = arith.constant 11.3137083 : f32
      %mul3A_475 = vector.broadcast %mul3A_474 : f32 to vector<16xf32>
      %mul3A_476 = arith.mulf %get3A_473, %mul3A_475 : vector<16xf32>
      %swap3A_477 = arith.index_cast %add3A_399 : i32 to index
      %swap3A_478 = arith.constant 96 : index
      %swap3A_479 = tpu.vector_load %arg11[%swap3A_477, %swap3A_478] {strides = array<i32>} : memref<128x128xf32, #tpu.memory_space<vmem>>, vector<1x16xf32>,
      %swap3A_480 = vector.shape_cast %swap3A_479 : vector<1x16xf32> to vector<16xf32>
      %swap3A_481 = vector.shape_cast %mul3A_476 : vector<16xf32> to vector<1x16xf32>
      tpu.vector_store %arg11[%swap3A_477, %swap3A_478], %swap3A_481 {strides = array<i32>} : memref<128x128xf32, #tpu.memory_space<vmem>>, vector<1x16xf32>,
      %get3A_482 = arith.index_cast %add3A_399 : i32 to index
      %get3A_483 = arith.constant 112 : index
      %get3A_484 = tpu.vector_load %arg11[%get3A_482, %get3A_483] {strides = array<i32>} : memref<128x128xf32, #tpu.memory_space<vmem>>, vector<1x16xf32>,
      %get3A_485 = vector.shape_cast %get3A_484 : vector<1x16xf32> to vector<16xf32>
      %mul3A_486 = arith.constant 11.3137083 : f32
      %mul3A_487 = vector.broadcast %mul3A_486 : f32 to vector<16xf32>
      %mul3A_488 = arith.mulf %get3A_485, %mul3A_487 : vector<16xf32>
      %swap3A_489 = arith.index_cast %add3A_399 : i32 to index
      %swap3A_490 = arith.constant 112 : index
      %swap3A_491 = tpu.vector_load %arg11[%swap3A_489, %swap3A_490] {strides = array<i32>} : memref<128x128xf32, #tpu.memory_space<vmem>>, vector<1x16xf32>,
      %swap3A_492 = vector.shape_cast %swap3A_491 : vector<1x16xf32> to vector<16xf32>
      %swap3A_493 = vector.shape_cast %mul3A_488 : vector<16xf32> to vector<1x16xf32>
      tpu.vector_store %arg11[%swap3A_489, %swap3A_490], %swap3A_493 {strides = array<i32>} : memref<128x128xf32, #tpu.memory_space<vmem>>, vector<1x16xf32>,
    }
    %scan3A_310 = arith.constant 128 : i32
    %add3A_311 = arith.constant 6016 : i32
    %add3A_312 = arith.addi %mul3A_2, %add3A_311 : i32
    %dma_start3A_313 = arith.constant 0 : i32
    %dma_start3A_314 = tpu.memref_slice %arg4[%add3A_312, %dma_start3A_313] : memref<204800x128xf32, #tpu.memory_space<hbm>> -> memref<128x128xf32, #tpu.memory_space<hbm>>
    %dma_start3A_315 = arith.constant 0 : i32
    %dma_start3A_316 = tpu.memref_slice %arg4[%add3A_312, %dma_start3A_315] : memref<204800x128xf32, #tpu.memory_space<hbm>> -> memref<128x128xf32, #tpu.memory_space<hbm>>
    tpu.enqueue_dma source(%arg11 : memref<128x128xf32, #tpu.memory_space<vmem>>) target(%dma_start3A_316 : memref<128x128xf32, #tpu.memory_space<hbm>>) target_semaphore(%arg23 : memref<!tpu.dma_semaphore, #tpu.memory_space<semaphore_mem>>)
    %dma_wait3A_317 = arith.constant 0 : i32
    %dma_wait3A_318 = arith.constant 0 : i32
    %dma_wait3A_319 = tpu.memref_slice %arg6[%dma_wait3A_317, %dma_wait3A_318] : memref<128x128xf32, #tpu.memory_space<vmem>> -> memref<64x128xf32, #tpu.memory_space<vmem>>
    %dma_wait3A_320 = arith.constant 0 : i32
    %dma_wait3A_321 = tpu.memref_slice %arg5[%dma_wait3A_320] : memref<6400xi32, #tpu.memory_space<vmem>> -> memref<64xi32, #tpu.memory_space<vmem>>
    %dma_wait3A_322 = arith.constant 0 : i32
    %dma_wait3A_323 = arith.constant 0 : i32
    %dma_wait3A_324 = tpu.memref_slice %arg3[%dma_wait3A_322, %dma_wait3A_323] : memref<100000x128xf32, #tpu.memory_space<hbm>> -> memref<100000x128xf32, #tpu.memory_space<hbm>>
    tpu.wait_indirect_dma semaphore(%arg12 : memref<!tpu.dma_semaphore, #tpu.memory_space<semaphore_mem>>) src(%dma_wait3A_324 : memref<100000x128xf32, #tpu.memory_space<hbm>>) dst(%dma_wait3A_319 : memref<64x128xf32, #tpu.memory_space<vmem>>)
    %dma_wait3A_325 = arith.constant 64 : i32
    %dma_wait3A_326 = arith.constant 0 : i32
    %dma_wait3A_327 = tpu.memref_slice %arg6[%dma_wait3A_325, %dma_wait3A_326] : memref<128x128xf32, #tpu.memory_space<vmem>> -> memref<64x128xf32, #tpu.memory_space<vmem>>
    %dma_wait3A_328 = arith.constant 0 : i32
    %dma_wait3A_329 = tpu.memref_slice %arg5[%dma_wait3A_328] : memref<6400xi32, #tpu.memory_space<vmem>> -> memref<64xi32, #tpu.memory_space<vmem>>
    %dma_wait3A_330 = arith.constant 0 : i32
    %dma_wait3A_331 = arith.constant 0 : i32
    %dma_wait3A_332 = tpu.memref_slice %arg3[%dma_wait3A_330, %dma_wait3A_331] : memref<100000x128xf32, #tpu.memory_space<hbm>> -> memref<100000x128xf32, #tpu.memory_space<hbm>>
    tpu.wait_indirect_dma semaphore(%arg12 : memref<!tpu.dma_semaphore, #tpu.memory_space<semaphore_mem>>) src(%dma_wait3A_332 : memref<100000x128xf32, #tpu.memory_space<hbm>>) dst(%dma_wait3A_327 : memref<64x128xf32, #tpu.memory_space<vmem>>)
    %scan3A_333 = arith.constant 0 : i32
    %scan3A_334 = arith.constant 128 : i32
    %scan3A_335 = arith.addi %scan3A_333, %scan3A_334 : i32
    %scan3A_336 = arith.constant 1 : i32
    scf.for %scan3A_395 = %scan3A_333 to %scan3A_335 step %scan3A_336  : i32 {
      %mul3A_396 = arith.constant 1 : i32
      %mul3A_397 = arith.muli %scan3A_395, %mul3A_396 : i32
      %add3A_398 = arith.constant 0 : i32
      %add3A_399 = arith.addi %add3A_398, %mul3A_397 : i32
      %get3A = arith.index_cast %add3A_399 : i32 to index
      %get3A_400 = arith.constant 0 : index
      %get3A_401 = tpu.vector_load %arg6[%get3A, %get3A_400] {strides = array<i32>} : memref<128x128xf32, #tpu.memory_space<vmem>>, vector<1x16xf32>,
      %get3A_402 = vector.shape_cast %get3A_401 : vector<1x16xf32> to vector<16xf32>
      %mul3A_403 = arith.constant 11.3137083 : f32
      %mul3A_404 = vector.broadcast %mul3A_403 : f32 to vector<16xf32>
      %mul3A_405 = arith.mulf %get3A_402, %mul3A_404 : vector<16xf32>
      %swap3A = arith.index_cast %add3A_399 : i32 to index
      %swap3A_406 = arith.constant 0 : index
      %swap3A_407 = tpu.vector_load %arg6[%swap3A, %swap3A_406] {strides = array<i32>} : memref<128x128xf32, #tpu.memory_space<vmem>>, vector<1x16xf32>,
      %swap3A_408 = vector.shape_cast %swap3A_407 : vector<1x16xf32> to vector<16xf32>
      %swap3A_409 = vector.shape_cast %mul3A_405 : vector<16xf32> to vector<1x16xf32>
      tpu.vector_store %arg6[%swap3A, %swap3A_406], %swap3A_409 {strides = array<i32>} : memref<128x128xf32, #tpu.memory_space<vmem>>, vector<1x16xf32>,
      %get3A_410 = arith.index_cast %add3A_399 : i32 to index
      %get3A_411 = arith.constant 16 : index
      %get3A_412 = tpu.vector_load %arg6[%get3A_410, %get3A_411] {strides = array<i32>} : memref<128x128xf32, #tpu.memory_space<vmem>>, vector<1x16xf32>,
      %get3A_413 = vector.shape_cast %get3A_412 : vector<1x16xf32> to vector<16xf32>
      %mul3A_414 = arith.constant 11.3137083 : f32
      %mul3A_415 = vector.broadcast %mul3A_414 : f32 to vector<16xf32>
      %mul3A_416 = arith.mulf %get3A_413, %mul3A_415 : vector<16xf32>
      %swap3A_417 = arith.index_cast %add3A_399 : i32 to index
      %swap3A_418 = arith.constant 16 : index
      %swap3A_419 = tpu.vector_load %arg6[%swap3A_417, %swap3A_418] {strides = array<i32>} : memref<128x128xf32, #tpu.memory_space<vmem>>, vector<1x16xf32>,
      %swap3A_420 = vector.shape_cast %swap3A_419 : vector<1x16xf32> to vector<16xf32>
      %swap3A_421 = vector.shape_cast %mul3A_416 : vector<16xf32> to vector<1x16xf32>
      tpu.vector_store %arg6[%swap3A_417, %swap3A_418], %swap3A_421 {strides = array<i32>} : memref<128x128xf32, #tpu.memory_space<vmem>>, vector<1x16xf32>,
      %get3A_422 = arith.index_cast %add3A_399 : i32 to index
      %get3A_423 = arith.constant 32 : index
      %get3A_424 = tpu.vector_load %arg6[%get3A_422, %get3A_423] {strides = array<i32>} : memref<128x128xf32, #tpu.memory_space<vmem>>, vector<1x16xf32>,
      %get3A_425 = vector.shape_cast %get3A_424 : vector<1x16xf32> to vector<16xf32>
      %mul3A_426 = arith.constant 11.3137083 : f32
      %mul3A_427 = vector.broadcast %mul3A_426 : f32 to vector<16xf32>
      %mul3A_428 = arith.mulf %get3A_425, %mul3A_427 : vector<16xf32>
      %swap3A_429 = arith.index_cast %add3A_399 : i32 to index
      %swap3A_430 = arith.constant 32 : index
      %swap3A_431 = tpu.vector_load %arg6[%swap3A_429, %swap3A_430] {strides = array<i32>} : memref<128x128xf32, #tpu.memory_space<vmem>>, vector<1x16xf32>,
      %swap3A_432 = vector.shape_cast %swap3A_431 : vector<1x16xf32> to vector<16xf32>
      %swap3A_433 = vector.shape_cast %mul3A_428 : vector<16xf32> to vector<1x16xf32>
      tpu.vector_store %arg6[%swap3A_429, %swap3A_430], %swap3A_433 {strides = array<i32>} : memref<128x128xf32, #tpu.memory_space<vmem>>, vector<1x16xf32>,
      %get3A_434 = arith.index_cast %add3A_399 : i32 to index
      %get3A_435 = arith.constant 48 : index
      %get3A_436 = tpu.vector_load %arg6[%get3A_434, %get3A_435] {strides = array<i32>} : memref<128x128xf32, #tpu.memory_space<vmem>>, vector<1x16xf32>,
      %get3A_437 = vector.shape_cast %get3A_436 : vector<1x16xf32> to vector<16xf32>
      %mul3A_438 = arith.constant 11.3137083 : f32
      %mul3A_439 = vector.broadcast %mul3A_438 : f32 to vector<16xf32>
      %mul3A_440 = arith.mulf %get3A_437, %mul3A_439 : vector<16xf32>
      %swap3A_441 = arith.index_cast %add3A_399 : i32 to index
      %swap3A_442 = arith.constant 48 : index
      %swap3A_443 = tpu.vector_load %arg6[%swap3A_441, %swap3A_442] {strides = array<i32>} : memref<128x128xf32, #tpu.memory_space<vmem>>, vector<1x16xf32>,
      %swap3A_444 = vector.shape_cast %swap3A_443 : vector<1x16xf32> to vector<16xf32>
      %swap3A_445 = vector.shape_cast %mul3A_440 : vector<16xf32> to vector<1x16xf32>
      tpu.vector_store %arg6[%swap3A_441, %swap3A_442], %swap3A_445 {strides = array<i32>} : memref<128x128xf32, #tpu.memory_space<vmem>>, vector<1x16xf32>,
      %get3A_446 = arith.index_cast %add3A_399 : i32 to index
      %get3A_447 = arith.constant 64 : index
      %get3A_448 = tpu.vector_load %arg6[%get3A_446, %get3A_447] {strides = array<i32>} : memref<128x128xf32, #tpu.memory_space<vmem>>, vector<1x16xf32>,
      %get3A_449 = vector.shape_cast %get3A_448 : vector<1x16xf32> to vector<16xf32>
      %mul3A_450 = arith.constant 11.3137083 : f32
      %mul3A_451 = vector.broadcast %mul3A_450 : f32 to vector<16xf32>
      %mul3A_452 = arith.mulf %get3A_449, %mul3A_451 : vector<16xf32>
      %swap3A_453 = arith.index_cast %add3A_399 : i32 to index
      %swap3A_454 = arith.constant 64 : index
      %swap3A_455 = tpu.vector_load %arg6[%swap3A_453, %swap3A_454] {strides = array<i32>} : memref<128x128xf32, #tpu.memory_space<vmem>>, vector<1x16xf32>,
      %swap3A_456 = vector.shape_cast %swap3A_455 : vector<1x16xf32> to vector<16xf32>
      %swap3A_457 = vector.shape_cast %mul3A_452 : vector<16xf32> to vector<1x16xf32>
      tpu.vector_store %arg6[%swap3A_453, %swap3A_454], %swap3A_457 {strides = array<i32>} : memref<128x128xf32, #tpu.memory_space<vmem>>, vector<1x16xf32>,
      %get3A_458 = arith.index_cast %add3A_399 : i32 to index
      %get3A_459 = arith.constant 80 : index
      %get3A_460 = tpu.vector_load %arg6[%get3A_458, %get3A_459] {strides = array<i32>} : memref<128x128xf32, #tpu.memory_space<vmem>>, vector<1x16xf32>,
      %get3A_461 = vector.shape_cast %get3A_460 : vector<1x16xf32> to vector<16xf32>
      %mul3A_462 = arith.constant 11.3137083 : f32
      %mul3A_463 = vector.broadcast %mul3A_462 : f32 to vector<16xf32>
      %mul3A_464 = arith.mulf %get3A_461, %mul3A_463 : vector<16xf32>
      %swap3A_465 = arith.index_cast %add3A_399 : i32 to index
      %swap3A_466 = arith.constant 80 : index
      %swap3A_467 = tpu.vector_load %arg6[%swap3A_465, %swap3A_466] {strides = array<i32>} : memref<128x128xf32, #tpu.memory_space<vmem>>, vector<1x16xf32>,
      %swap3A_468 = vector.shape_cast %swap3A_467 : vector<1x16xf32> to vector<16xf32>
      %swap3A_469 = vector.shape_cast %mul3A_464 : vector<16xf32> to vector<1x16xf32>
      tpu.vector_store %arg6[%swap3A_465, %swap3A_466], %swap3A_469 {strides = array<i32>} : memref<128x128xf32, #tpu.memory_space<vmem>>, vector<1x16xf32>,
      %get3A_470 = arith.index_cast %add3A_399 : i32 to index
      %get3A_471 = arith.constant 96 : index
      %get3A_472 = tpu.vector_load %arg6[%get3A_470, %get3A_471] {strides = array<i32>} : memref<128x128xf32, #tpu.memory_space<vmem>>, vector<1x16xf32>,
      %get3A_473 = vector.shape_cast %get3A_472 : vector<1x16xf32> to vector<16xf32>
      %mul3A_474 = arith.constant 11.3137083 : f32
      %mul3A_475 = vector.broadcast %mul3A_474 : f32 to vector<16xf32>
      %mul3A_476 = arith.mulf %get3A_473, %mul3A_475 : vector<16xf32>
      %swap3A_477 = arith.index_cast %add3A_399 : i32 to index
      %swap3A_478 = arith.constant 96 : index
      %swap3A_479 = tpu.vector_load %arg6[%swap3A_477, %swap3A_478] {strides = array<i32>} : memref<128x128xf32, #tpu.memory_space<vmem>>, vector<1x16xf32>,
      %swap3A_480 = vector.shape_cast %swap3A_479 : vector<1x16xf32> to vector<16xf32>
      %swap3A_481 = vector.shape_cast %mul3A_476 : vector<16xf32> to vector<1x16xf32>
      tpu.vector_store %arg6[%swap3A_477, %swap3A_478], %swap3A_481 {strides = array<i32>} : memref<128x128xf32, #tpu.memory_space<vmem>>, vector<1x16xf32>,
      %get3A_482 = arith.index_cast %add3A_399 : i32 to index
      %get3A_483 = arith.constant 112 : index
      %get3A_484 = tpu.vector_load %arg6[%get3A_482, %get3A_483] {strides = array<i32>} : memref<128x128xf32, #tpu.memory_space<vmem>>, vector<1x16xf32>,
      %get3A_485 = vector.shape_cast %get3A_484 : vector<1x16xf32> to vector<16xf32>
      %mul3A_486 = arith.constant 11.3137083 : f32
      %mul3A_487 = vector.broadcast %mul3A_486 : f32 to vector<16xf32>
      %mul3A_488 = arith.mulf %get3A_485, %mul3A_487 : vector<16xf32>
      %swap3A_489 = arith.index_cast %add3A_399 : i32 to index
      %swap3A_490 = arith.constant 112 : index
      %swap3A_491 = tpu.vector_load %arg6[%swap3A_489, %swap3A_490] {strides = array<i32>} : memref<128x128xf32, #tpu.memory_space<vmem>>, vector<1x16xf32>,
      %swap3A_492 = vector.shape_cast %swap3A_491 : vector<1x16xf32> to vector<16xf32>
      %swap3A_493 = vector.shape_cast %mul3A_488 : vector<16xf32> to vector<1x16xf32>
      tpu.vector_store %arg6[%swap3A_489, %swap3A_490], %swap3A_493 {strides = array<i32>} : memref<128x128xf32, #tpu.memory_space<vmem>>, vector<1x16xf32>,
    }
    %scan3A_337 = arith.constant 128 : i32
    %add3A_338 = arith.constant 6144 : i32
    %add3A_339 = arith.addi %mul3A_2, %add3A_338 : i32
    %dma_start3A_340 = arith.constant 0 : i32
    %dma_start3A_341 = tpu.memref_slice %arg4[%add3A_339, %dma_start3A_340] : memref<204800x128xf32, #tpu.memory_space<hbm>> -> memref<128x128xf32, #tpu.memory_space<hbm>>
    %dma_start3A_342 = arith.constant 0 : i32
    %dma_start3A_343 = tpu.memref_slice %arg4[%add3A_339, %dma_start3A_342] : memref<204800x128xf32, #tpu.memory_space<hbm>> -> memref<128x128xf32, #tpu.memory_space<hbm>>
    tpu.enqueue_dma source(%arg6 : memref<128x128xf32, #tpu.memory_space<vmem>>) target(%dma_start3A_343 : memref<128x128xf32, #tpu.memory_space<hbm>>) target_semaphore(%arg18 : memref<!tpu.dma_semaphore, #tpu.memory_space<semaphore_mem>>)
    %dma_wait3A_344 = arith.constant 0 : i32
    %dma_wait3A_345 = arith.constant 0 : i32
    %dma_wait3A_346 = tpu.memref_slice %arg7[%dma_wait3A_344, %dma_wait3A_345] : memref<128x128xf32, #tpu.memory_space<vmem>> -> memref<64x128xf32, #tpu.memory_space<vmem>>
    %dma_wait3A_347 = arith.constant 0 : i32
    %dma_wait3A_348 = tpu.memref_slice %arg5[%dma_wait3A_347] : memref<6400xi32, #tpu.memory_space<vmem>> -> memref<64xi32, #tpu.memory_space<vmem>>
    %dma_wait3A_349 = arith.constant 0 : i32
    %dma_wait3A_350 = arith.constant 0 : i32
    %dma_wait3A_351 = tpu.memref_slice %arg3[%dma_wait3A_349, %dma_wait3A_350] : memref<100000x128xf32, #tpu.memory_space<hbm>> -> memref<100000x128xf32, #tpu.memory_space<hbm>>
    tpu.wait_indirect_dma semaphore(%arg13 : memref<!tpu.dma_semaphore, #tpu.memory_space<semaphore_mem>>) src(%dma_wait3A_351 : memref<100000x128xf32, #tpu.memory_space<hbm>>) dst(%dma_wait3A_346 : memref<64x128xf32, #tpu.memory_space<vmem>>)
    %dma_wait3A_352 = arith.constant 64 : i32
    %dma_wait3A_353 = arith.constant 0 : i32
    %dma_wait3A_354 = tpu.memref_slice %arg7[%dma_wait3A_352, %dma_wait3A_353] : memref<128x128xf32, #tpu.memory_space<vmem>> -> memref<64x128xf32, #tpu.memory_space<vmem>>
    %dma_wait3A_355 = arith.constant 0 : i32
    %dma_wait3A_356 = tpu.memref_slice %arg5[%dma_wait3A_355] : memref<6400xi32, #tpu.memory_space<vmem>> -> memref<64xi32, #tpu.memory_space<vmem>>
    %dma_wait3A_357 = arith.constant 0 : i32
    %dma_wait3A_358 = arith.constant 0 : i32
    %dma_wait3A_359 = tpu.memref_slice %arg3[%dma_wait3A_357, %dma_wait3A_358] : memref<100000x128xf32, #tpu.memory_space<hbm>> -> memref<100000x128xf32, #tpu.memory_space<hbm>>
    tpu.wait_indirect_dma semaphore(%arg13 : memref<!tpu.dma_semaphore, #tpu.memory_space<semaphore_mem>>) src(%dma_wait3A_359 : memref<100000x128xf32, #tpu.memory_space<hbm>>) dst(%dma_wait3A_354 : memref<64x128xf32, #tpu.memory_space<vmem>>)
    %scan3A_360 = arith.constant 0 : i32
    %scan3A_361 = arith.constant 128 : i32
    %scan3A_362 = arith.addi %scan3A_360, %scan3A_361 : i32
    %scan3A_363 = arith.constant 1 : i32
    scf.for %scan3A_395 = %scan3A_360 to %scan3A_362 step %scan3A_363  : i32 {
      %mul3A_396 = arith.constant 1 : i32
      %mul3A_397 = arith.muli %scan3A_395, %mul3A_396 : i32
      %add3A_398 = arith.constant 0 : i32
      %add3A_399 = arith.addi %add3A_398, %mul3A_397 : i32
      %get3A = arith.index_cast %add3A_399 : i32 to index
      %get3A_400 = arith.constant 0 : index
      %get3A_401 = tpu.vector_load %arg7[%get3A, %get3A_400] {strides = array<i32>} : memref<128x128xf32, #tpu.memory_space<vmem>>, vector<1x16xf32>,
      %get3A_402 = vector.shape_cast %get3A_401 : vector<1x16xf32> to vector<16xf32>
      %mul3A_403 = arith.constant 11.3137083 : f32
      %mul3A_404 = vector.broadcast %mul3A_403 : f32 to vector<16xf32>
      %mul3A_405 = arith.mulf %get3A_402, %mul3A_404 : vector<16xf32>
      %swap3A = arith.index_cast %add3A_399 : i32 to index
      %swap3A_406 = arith.constant 0 : index
      %swap3A_407 = tpu.vector_load %arg7[%swap3A, %swap3A_406] {strides = array<i32>} : memref<128x128xf32, #tpu.memory_space<vmem>>, vector<1x16xf32>,
      %swap3A_408 = vector.shape_cast %swap3A_407 : vector<1x16xf32> to vector<16xf32>
      %swap3A_409 = vector.shape_cast %mul3A_405 : vector<16xf32> to vector<1x16xf32>
      tpu.vector_store %arg7[%swap3A, %swap3A_406], %swap3A_409 {strides = array<i32>} : memref<128x128xf32, #tpu.memory_space<vmem>>, vector<1x16xf32>,
      %get3A_410 = arith.index_cast %add3A_399 : i32 to index
      %get3A_411 = arith.constant 16 : index
      %get3A_412 = tpu.vector_load %arg7[%get3A_410, %get3A_411] {strides = array<i32>} : memref<128x128xf32, #tpu.memory_space<vmem>>, vector<1x16xf32>,
      %get3A_413 = vector.shape_cast %get3A_412 : vector<1x16xf32> to vector<16xf32>
      %mul3A_414 = arith.constant 11.3137083 : f32
      %mul3A_415 = vector.broadcast %mul3A_414 : f32 to vector<16xf32>
      %mul3A_416 = arith.mulf %get3A_413, %mul3A_415 : vector<16xf32>
      %swap3A_417 = arith.index_cast %add3A_399 : i32 to index
      %swap3A_418 = arith.constant 16 : index
      %swap3A_419 = tpu.vector_load %arg7[%swap3A_417, %swap3A_418] {strides = array<i32>} : memref<128x128xf32, #tpu.memory_space<vmem>>, vector<1x16xf32>,
      %swap3A_420 = vector.shape_cast %swap3A_419 : vector<1x16xf32> to vector<16xf32>
      %swap3A_421 = vector.shape_cast %mul3A_416 : vector<16xf32> to vector<1x16xf32>
      tpu.vector_store %arg7[%swap3A_417, %swap3A_418], %swap3A_421 {strides = array<i32>} : memref<128x128xf32, #tpu.memory_space<vmem>>, vector<1x16xf32>,
      %get3A_422 = arith.index_cast %add3A_399 : i32 to index
      %get3A_423 = arith.constant 32 : index
      %get3A_424 = tpu.vector_load %arg7[%get3A_422, %get3A_423] {strides = array<i32>} : memref<128x128xf32, #tpu.memory_space<vmem>>, vector<1x16xf32>,
      %get3A_425 = vector.shape_cast %get3A_424 : vector<1x16xf32> to vector<16xf32>
      %mul3A_426 = arith.constant 11.3137083 : f32
      %mul3A_427 = vector.broadcast %mul3A_426 : f32 to vector<16xf32>
      %mul3A_428 = arith.mulf %get3A_425, %mul3A_427 : vector<16xf32>
      %swap3A_429 = arith.index_cast %add3A_399 : i32 to index
      %swap3A_430 = arith.constant 32 : index
      %swap3A_431 = tpu.vector_load %arg7[%swap3A_429, %swap3A_430] {strides = array<i32>} : memref<128x128xf32, #tpu.memory_space<vmem>>, vector<1x16xf32>,
      %swap3A_432 = vector.shape_cast %swap3A_431 : vector<1x16xf32> to vector<16xf32>
      %swap3A_433 = vector.shape_cast %mul3A_428 : vector<16xf32> to vector<1x16xf32>
      tpu.vector_store %arg7[%swap3A_429, %swap3A_430], %swap3A_433 {strides = array<i32>} : memref<128x128xf32, #tpu.memory_space<vmem>>, vector<1x16xf32>,
      %get3A_434 = arith.index_cast %add3A_399 : i32 to index
      %get3A_435 = arith.constant 48 : index
      %get3A_436 = tpu.vector_load %arg7[%get3A_434, %get3A_435] {strides = array<i32>} : memref<128x128xf32, #tpu.memory_space<vmem>>, vector<1x16xf32>,
      %get3A_437 = vector.shape_cast %get3A_436 : vector<1x16xf32> to vector<16xf32>
      %mul3A_438 = arith.constant 11.3137083 : f32
      %mul3A_439 = vector.broadcast %mul3A_438 : f32 to vector<16xf32>
      %mul3A_440 = arith.mulf %get3A_437, %mul3A_439 : vector<16xf32>
      %swap3A_441 = arith.index_cast %add3A_399 : i32 to index
      %swap3A_442 = arith.constant 48 : index
      %swap3A_443 = tpu.vector_load %arg7[%swap3A_441, %swap3A_442] {strides = array<i32>} : memref<128x128xf32, #tpu.memory_space<vmem>>, vector<1x16xf32>,
      %swap3A_444 = vector.shape_cast %swap3A_443 : vector<1x16xf32> to vector<16xf32>
      %swap3A_445 = vector.shape_cast %mul3A_440 : vector<16xf32> to vector<1x16xf32>
      tpu.vector_store %arg7[%swap3A_441, %swap3A_442], %swap3A_445 {strides = array<i32>} : memref<128x128xf32, #tpu.memory_space<vmem>>, vector<1x16xf32>,
      %get3A_446 = arith.index_cast %add3A_399 : i32 to index
      %get3A_447 = arith.constant 64 : index
      %get3A_448 = tpu.vector_load %arg7[%get3A_446, %get3A_447] {strides = array<i32>} : memref<128x128xf32, #tpu.memory_space<vmem>>, vector<1x16xf32>,
      %get3A_449 = vector.shape_cast %get3A_448 : vector<1x16xf32> to vector<16xf32>
      %mul3A_450 = arith.constant 11.3137083 : f32
      %mul3A_451 = vector.broadcast %mul3A_450 : f32 to vector<16xf32>
      %mul3A_452 = arith.mulf %get3A_449, %mul3A_451 : vector<16xf32>
      %swap3A_453 = arith.index_cast %add3A_399 : i32 to index
      %swap3A_454 = arith.constant 64 : index
      %swap3A_455 = tpu.vector_load %arg7[%swap3A_453, %swap3A_454] {strides = array<i32>} : memref<128x128xf32, #tpu.memory_space<vmem>>, vector<1x16xf32>,
      %swap3A_456 = vector.shape_cast %swap3A_455 : vector<1x16xf32> to vector<16xf32>
      %swap3A_457 = vector.shape_cast %mul3A_452 : vector<16xf32> to vector<1x16xf32>
      tpu.vector_store %arg7[%swap3A_453, %swap3A_454], %swap3A_457 {strides = array<i32>} : memref<128x128xf32, #tpu.memory_space<vmem>>, vector<1x16xf32>,
      %get3A_458 = arith.index_cast %add3A_399 : i32 to index
      %get3A_459 = arith.constant 80 : index
      %get3A_460 = tpu.vector_load %arg7[%get3A_458, %get3A_459] {strides = array<i32>} : memref<128x128xf32, #tpu.memory_space<vmem>>, vector<1x16xf32>,
      %get3A_461 = vector.shape_cast %get3A_460 : vector<1x16xf32> to vector<16xf32>
      %mul3A_462 = arith.constant 11.3137083 : f32
      %mul3A_463 = vector.broadcast %mul3A_462 : f32 to vector<16xf32>
      %mul3A_464 = arith.mulf %get3A_461, %mul3A_463 : vector<16xf32>
      %swap3A_465 = arith.index_cast %add3A_399 : i32 to index
      %swap3A_466 = arith.constant 80 : index
      %swap3A_467 = tpu.vector_load %arg7[%swap3A_465, %swap3A_466] {strides = array<i32>} : memref<128x128xf32, #tpu.memory_space<vmem>>, vector<1x16xf32>,
      %swap3A_468 = vector.shape_cast %swap3A_467 : vector<1x16xf32> to vector<16xf32>
      %swap3A_469 = vector.shape_cast %mul3A_464 : vector<16xf32> to vector<1x16xf32>
      tpu.vector_store %arg7[%swap3A_465, %swap3A_466], %swap3A_469 {strides = array<i32>} : memref<128x128xf32, #tpu.memory_space<vmem>>, vector<1x16xf32>,
      %get3A_470 = arith.index_cast %add3A_399 : i32 to index
      %get3A_471 = arith.constant 96 : index
      %get3A_472 = tpu.vector_load %arg7[%get3A_470, %get3A_471] {strides = array<i32>} : memref<128x128xf32, #tpu.memory_space<vmem>>, vector<1x16xf32>,
      %get3A_473 = vector.shape_cast %get3A_472 : vector<1x16xf32> to vector<16xf32>
      %mul3A_474 = arith.constant 11.3137083 : f32
      %mul3A_475 = vector.broadcast %mul3A_474 : f32 to vector<16xf32>
      %mul3A_476 = arith.mulf %get3A_473, %mul3A_475 : vector<16xf32>
      %swap3A_477 = arith.index_cast %add3A_399 : i32 to index
      %swap3A_478 = arith.constant 96 : index
      %swap3A_479 = tpu.vector_load %arg7[%swap3A_477, %swap3A_478] {strides = array<i32>} : memref<128x128xf32, #tpu.memory_space<vmem>>, vector<1x16xf32>,
      %swap3A_480 = vector.shape_cast %swap3A_479 : vector<1x16xf32> to vector<16xf32>
      %swap3A_481 = vector.shape_cast %mul3A_476 : vector<16xf32> to vector<1x16xf32>
      tpu.vector_store %arg7[%swap3A_477, %swap3A_478], %swap3A_481 {strides = array<i32>} : memref<128x128xf32, #tpu.memory_space<vmem>>, vector<1x16xf32>,
      %get3A_482 = arith.index_cast %add3A_399 : i32 to index
      %get3A_483 = arith.constant 112 : index
      %get3A_484 = tpu.vector_load %arg7[%get3A_482, %get3A_483] {strides = array<i32>} : memref<128x128xf32, #tpu.memory_space<vmem>>, vector<1x16xf32>,
      %get3A_485 = vector.shape_cast %get3A_484 : vector<1x16xf32> to vector<16xf32>
      %mul3A_486 = arith.constant 11.3137083 : f32
      %mul3A_487 = vector.broadcast %mul3A_486 : f32 to vector<16xf32>
      %mul3A_488 = arith.mulf %get3A_485, %mul3A_487 : vector<16xf32>
      %swap3A_489 = arith.index_cast %add3A_399 : i32 to index
      %swap3A_490 = arith.constant 112 : index
      %swap3A_491 = tpu.vector_load %arg7[%swap3A_489, %swap3A_490] {strides = array<i32>} : memref<128x128xf32, #tpu.memory_space<vmem>>, vector<1x16xf32>,
      %swap3A_492 = vector.shape_cast %swap3A_491 : vector<1x16xf32> to vector<16xf32>
      %swap3A_493 = vector.shape_cast %mul3A_488 : vector<16xf32> to vector<1x16xf32>
      tpu.vector_store %arg7[%swap3A_489, %swap3A_490], %swap3A_493 {strides = array<i32>} : memref<128x128xf32, #tpu.memory_space<vmem>>, vector<1x16xf32>,
    }
    %scan3A_364 = arith.constant 128 : i32
    %add3A_365 = arith.constant 6272 : i32
    %add3A_366 = arith.addi %mul3A_2, %add3A_365 : i32
    %dma_start3A_367 = arith.constant 0 : i32
    %dma_start3A_368 = tpu.memref_slice %arg4[%add3A_366, %dma_start3A_367] : memref<204800x128xf32, #tpu.memory_space<hbm>> -> memref<128x128xf32, #tpu.memory_space<hbm>>
    %dma_start3A_369 = arith.constant 0 : i32
    %dma_start3A_370 = tpu.memref_slice %arg4[%add3A_366, %dma_start3A_369] : memref<204800x128xf32, #tpu.memory_space<hbm>> -> memref<128x128xf32, #tpu.memory_space<hbm>>
    tpu.enqueue_dma source(%arg7 : memref<128x128xf32, #tpu.memory_space<vmem>>) target(%dma_start3A_370 : memref<128x128xf32, #tpu.memory_space<hbm>>) target_semaphore(%arg19 : memref<!tpu.dma_semaphore, #tpu.memory_space<semaphore_mem>>)
    %dma_wait3A_371 = arith.constant 0 : i32
    %dma_wait3A_372 = tpu.memref_slice %arg4[%mul3A_2, %dma_wait3A_371] : memref<204800x128xf32, #tpu.memory_space<hbm>> -> memref<128x128xf32, #tpu.memory_space<hbm>>
    %dma_wait3A_373 = arith.constant 0 : i32
    %dma_wait3A_374 = tpu.memref_slice %arg4[%mul3A_2, %dma_wait3A_373] : memref<204800x128xf32, #tpu.memory_space<hbm>> -> memref<128x128xf32, #tpu.memory_space<hbm>>
    tpu.wait_dma2 semaphore(%arg20 : memref<!tpu.dma_semaphore, #tpu.memory_space<semaphore_mem>>) src(%arg8 : memref<128x128xf32, #tpu.memory_space<vmem>>) dst(%dma_wait3A_374 : memref<128x128xf32, #tpu.memory_space<hbm>>)
    %dma_wait3A_375 = arith.constant 0 : i32
    %dma_wait3A_376 = tpu.memref_slice %arg4[%mul3A_2, %dma_wait3A_375] : memref<204800x128xf32, #tpu.memory_space<hbm>> -> memref<128x128xf32, #tpu.memory_space<hbm>>
    %dma_wait3A_377 = arith.constant 0 : i32
    %dma_wait3A_378 = tpu.memref_slice %arg4[%mul3A_2, %dma_wait3A_377] : memref<204800x128xf32, #tpu.memory_space<hbm>> -> memref<128x128xf32, #tpu.memory_space<hbm>>
    tpu.wait_dma2 semaphore(%arg21 : memref<!tpu.dma_semaphore, #tpu.memory_space<semaphore_mem>>) src(%arg9 : memref<128x128xf32, #tpu.memory_space<vmem>>) dst(%dma_wait3A_378 : memref<128x128xf32, #tpu.memory_space<hbm>>)
    %dma_wait3A_379 = arith.constant 0 : i32
    %dma_wait3A_380 = tpu.memref_slice %arg4[%mul3A_2, %dma_wait3A_379] : memref<204800x128xf32, #tpu.memory_space<hbm>> -> memref<128x128xf32, #tpu.memory_space<hbm>>
    %dma_wait3A_381 = arith.constant 0 : i32
    %dma_wait3A_382 = tpu.memref_slice %arg4[%mul3A_2, %dma_wait3A_381] : memref<204800x128xf32, #tpu.memory_space<hbm>> -> memref<128x128xf32, #tpu.memory_space<hbm>>
    tpu.wait_dma2 semaphore(%arg22 : memref<!tpu.dma_semaphore, #tpu.memory_space<semaphore_mem>>) src(%arg10 : memref<128x128xf32, #tpu.memory_space<vmem>>) dst(%dma_wait3A_382 : memref<128x128xf32, #tpu.memory_space<hbm>>)
    %dma_wait3A_383 = arith.constant 0 : i32
    %dma_wait3A_384 = tpu.memref_slice %arg4[%mul3A_2, %dma_wait3A_383] : memref<204800x128xf32, #tpu.memory_space<hbm>> -> memref<128x128xf32, #tpu.memory_space<hbm>>
    %dma_wait3A_385 = arith.constant 0 : i32
    %dma_wait3A_386 = tpu.memref_slice %arg4[%mul3A_2, %dma_wait3A_385] : memref<204800x128xf32, #tpu.memory_space<hbm>> -> memref<128x128xf32, #tpu.memory_space<hbm>>
    tpu.wait_dma2 semaphore(%arg23 : memref<!tpu.dma_semaphore, #tpu.memory_space<semaphore_mem>>) src(%arg11 : memref<128x128xf32, #tpu.memory_space<vmem>>) dst(%dma_wait3A_386 : memref<128x128xf32, #tpu.memory_space<hbm>>)
    %dma_wait3A_387 = arith.constant 0 : i32
    %dma_wait3A_388 = tpu.memref_slice %arg4[%mul3A_2, %dma_wait3A_387] : memref<204800x128xf32, #tpu.memory_space<hbm>> -> memref<128x128xf32, #tpu.memory_space<hbm>>
    %dma_wait3A_389 = arith.constant 0 : i32
    %dma_wait3A_390 = tpu.memref_slice %arg4[%mul3A_2, %dma_wait3A_389] : memref<204800x128xf32, #tpu.memory_space<hbm>> -> memref<128x128xf32, #tpu.memory_space<hbm>>
    tpu.wait_dma2 semaphore(%arg18 : memref<!tpu.dma_semaphore, #tpu.memory_space<semaphore_mem>>) src(%arg6 : memref<128x128xf32, #tpu.memory_space<vmem>>) dst(%dma_wait3A_390 : memref<128x128xf32, #tpu.memory_space<hbm>>)
    %dma_wait3A_391 = arith.constant 0 : i32
    %dma_wait3A_392 = tpu.memref_slice %arg4[%mul3A_2, %dma_wait3A_391] : memref<204800x128xf32, #tpu.memory_space<hbm>> -> memref<128x128xf32, #tpu.memory_space<hbm>>
    %dma_wait3A_393 = arith.constant 0 : i32
    %dma_wait3A_394 = tpu.memref_slice %arg4[%mul3A_2, %dma_wait3A_393] : memref<204800x128xf32, #tpu.memory_space<hbm>> -> memref<128x128xf32, #tpu.memory_space<hbm>>
    tpu.wait_dma2 semaphore(%arg19 : memref<!tpu.dma_semaphore, #tpu.memory_space<semaphore_mem>>) src(%arg7 : memref<128x128xf32, #tpu.memory_space<vmem>>) dst(%dma_wait3A_394 : memref<128x128xf32, #tpu.memory_space<hbm>>)
    return
  }
}

</mosaic_0001>

<sc_bundles>
// kernel: _emb_call.3.cloned.1.call-start
scs
__scs_entry_jumppad:
0x0: {  	(pc) =	sbr.rel $0x88, $3  }
0x1: {  	(tag) =	ssettag $0x0;
	lr =	simm.s32 $0x1  }
0x2: {  	[smem:$0x3F9F] =	sst lr;
	_ =	strace $0xD0000000  }
0x3: {  	_ = 	snop  }
0x4: {  	_ = 	snop  }
0x5: {  	_ = 	snop  }
0x6: {  	_ = 	snop  }
0x7: {  	_ = 	snop  }
__scs_overlays_trampoline_lowered:
0x8: {  	[smem:$0x3FAE] =	sst s0  }
0x9: {  	[smem:$0x3FAF] =	sst s1  }
0xa: {  	[smem:$0x3FB0] =	sst s2  }
0xb: {  	[smem:$0x3FB1] =	sst s3  }
0xc: {  	[smem:$0x3FB2] =	sst s4  }
0xd: {  	[smem:$0x3FB3] =	sst s5  }
0xe: {  	[smem:$0x3FB4] =	sst s6  }
0xf: {  	[smem:$0x3FB5] =	sst s7  }
0x10: {  	[smem:$0x3FB6] =	sst s8  }
0x11: {  	[smem:$0x3FB7] =	sst s9;
	s0 =	simm.s32 @!p0 $0x0  }
0x12: {  	s1 =	sld [smem:$0x3F9D];
	s0 =	simm.s32 @p0 $0x1  }
0x13: {  	[smem:$0x3FB8] =	sst s0;
	s0 =	simm.s32 @!p1 $0x0  }
0x14: {  	s2 =	sld [smem:$0x3F9C];
	s0 =	simm.s32 @p1 $0x1  }
0x15: {  	[smem:$0x3FB9] =	sst s0;
	s0 =	simm.s32 @!p2 $0x0  }
0x16: {  	s3 =	sld [smem:$0x3FDB];
	s0 =	simm.s32 @p2 $0x1  }
0x17: {  	s4 =	simm.s32 $0x1BF5;
	[smem:$0x3FBB] =	sst s0  }
0x18: {  	s0 =	sld [smem:$0x3F9E];
	_ =	swait.ge [sflag:s4], $0x0  }
0x19: {  	s7 =	sld [smem:$0x3F9F]  }
0x1a: {  	s8 =	sadd.s32 $0xFFFFE003, lr  }
0x1b: {  	s9 =	sadd.s32 $0xFFFFFEF7, lr;
	s5 =	simm.s32 $0xFFFFFFFF;
	p2 =	slt.u32 s8, $0xFFFFF086  }
0x1c: {  	p1 =	slt.u32 s9, $0xF7A;
	s5 =	simm.s32 @!p2 $0x0  }
0x1d: {  	s5 =	simm.s32 @p1 $0x1;
	p0 =	seq.s32 s7, s2  }
0x1e: {  	s7 =	smul.u32 @!p0 $0xF7A, s2;
	p2 =	seq.s32 @!p0 s5, $0x0  }
0x1f: {  	s9 =	smul.u32 $0xF7A, s1;
	s8 =	simm.s32 @!p0 $0x1BF5;
	p2 =	por !p2, p0  }
0x20: {  	[sflag:s8] =	ssyncset.s32 @!p0 $0xFFFFF086;
	s6 =	sadd.s32 @!p0 s3, s7;
	s7 =	simm.s32 @!p0 $0x108  }
0x21: {  	s3 =	sadd.s32 s3, s9;
	s6 =	sadd.s32 @!p0 $0x88, s6;
	s7 =	simm.s32 @p2 $0x1082  }
0x22: {  	[simem:s7], [sflag:s8] =	dma.local @!p0 [hbm:s6], $0xF7A  }
0x23: {  	s9 =	sor.u32 $0xD0000000, s2;
	s6 =	simm.s32 $0x108;
	_ =	swait.ge @!p0 [sflag:s8], $0x0  }
0x24: {  	s3 =	sadd.s32 $0x88, s3;
	s6 =	simm.s32 @!p1 $0x1082;
	[sflag:s4] =	ssyncset.s32 $0xFFFFF086  }
0x25: {  	[simem:s6], [sflag:s4] =	dma.local [hbm:s3], $0xF7A  }
0x26: {  	[smem:$0x3F9F] =	sst s1;
	(tag) =	ssettag s2;
	_ =	strace s9  }
0x27: {  	s1 =	sld [smem:$0x3FAF]  }
0x28: {  	s2 =	sld [smem:$0x3FB0]  }
0x29: {  	s4 =	sld [smem:$0x3FB2]  }
0x2a: {  	p0 =	seq.s32 s5, $0x0;
	s5 =	sld [smem:$0x3FB3]  }
0x2b: {  	s6 =	sld [smem:$0x3FB4]  }
0x2c: {  	s7 =	sld [smem:$0x3FB5]  }
0x2d: {  	s3 =	simm.s32 $0x108;
	s8 =	sld [smem:$0x3FB6]  }
0x2e: {  	s3 =	simm.s32 @!p0 $0x1082;
	s9 =	sld [smem:$0x3FB7]  }
0x2f: {  	lr =	sadd.s32 s0, s3;
	s0 =	sld [smem:$0x3FAE]  }
0x30: {  	s3 =	sld [smem:$0x3FB1]  }
0x31: {  	[smem:$0x3FBA] =	sst s10  }
0x32: {  	s10 =	sld [smem:$0x3FB8];
	_ =	sdelay $0x3  }
0x33: {  	p0 =	seq.s32 s10, $0x1;
	s10 =	sld [smem:$0x3FBA];
	_ =	sdelay $0x3  }
0x34: {  	[smem:$0x3FBA] =	sst s10  }
0x35: {  	s10 =	sld [smem:$0x3FB9];
	_ =	sdelay $0x3  }
0x36: {  	p1 =	seq.s32 s10, $0x1;
	s10 =	sld [smem:$0x3FBA];
	_ =	sdelay $0x3  }
0x37: {  	[smem:$0x3FBA] =	sst s10  }
0x38: {  	s10 =	sld [smem:$0x3FBB]  }
0x39: {  	_ = 	snop;
	(pc) =	sbr.ind lr, $3  }
0x3a: {  	_ = 	snop  }
0x3b: {  	_ = 	snop  }
0x3c: {  	p2 =	seq.s32 s10, $0x1;
	s10 =	sld [smem:$0x3FBA]  }
0x3d: {  	_ =	shalt  }
0x3e: {  	_ =	shalt  }
0x3f: {  	_ =	shalt  }
0x40: {  	_ =	shalt  }
0x41: {  	_ =	shalt  }
0x42: {  	_ =	shalt  }
0x43: {  	_ =	shalt  }
0x44: {  	_ =	shalt  }
0x45: {  	_ =	shalt  }
0x46: {  	_ =	shalt  }
0x47: {  	_ =	shalt  }
0x48: {  	_ =	shalt  }
0x49: {  	_ =	shalt  }
0x4a: {  	_ =	shalt  }
0x4b: {  	_ =	shalt  }
0x4c: {  	_ =	shalt  }
0x4d: {  	_ =	shalt  }
0x4e: {  	_ =	shalt  }
0x4f: {  	_ =	shalt  }
0x50: {  	_ =	shalt  }
0x51: {  	_ =	shalt  }
0x52: {  	_ =	shalt  }
0x53: {  	_ =	shalt  }
0x54: {  	_ =	shalt  }
0x55: {  	_ =	shalt  }
0x56: {  	_ =	shalt  }
0x57: {  	_ =	shalt  }
0x58: {  	_ =	shalt  }
0x59: {  	_ =	shalt  }
0x5a: {  	_ =	shalt  }
0x5b: {  	_ =	shalt  }
0x5c: {  	_ =	shalt  }
0x5d: {  	_ =	shalt  }
0x5e: {  	_ =	shalt  }
0x5f: {  	_ =	shalt  }
0x60: {  	_ =	shalt  }
0x61: {  	_ =	shalt  }
0x62: {  	_ =	shalt  }
0x63: {  	_ =	shalt  }
0x64: {  	_ =	shalt  }
0x65: {  	_ =	shalt  }
0x66: {  	_ =	shalt  }
0x67: {  	_ =	shalt  }
0x68: {  	_ =	shalt  }
0x69: {  	_ =	shalt  }
0x6a: {  	_ =	shalt  }
0x6b: {  	_ =	shalt  }
0x6c: {  	_ =	shalt  }
0x6d: {  	_ =	shalt  }
0x6e: {  	_ =	shalt  }
0x6f: {  	_ =	shalt  }
0x70: {  	_ =	shalt  }
0x71: {  	_ =	shalt  }
0x72: {  	_ =	shalt  }
0x73: {  	_ =	shalt  }
0x74: {  	_ =	shalt  }
0x75: {  	_ =	shalt  }
0x76: {  	_ =	shalt  }
0x77: {  	_ =	shalt  }
0x78: {  	_ =	shalt  }
0x79: {  	_ =	shalt  }
0x7a: {  	_ =	shalt  }
0x7b: {  	_ =	shalt  }
0x7c: {  	_ =	shalt  }
0x7d: {  	_ =	shalt  }
0x7e: {  	_ =	shalt  }
0x7f: {  	_ =	shalt  }
0x80: {  	_ =	shalt  }
0x81: {  	_ =	shalt  }
0x82: {  	_ =	shalt  }
0x83: {  	_ =	shalt  }
0x84: {  	_ =	shalt  }
0x85: {  	_ =	shalt  }
0x86: {  	_ =	shalt  }
0x87: {  	_ =	shalt  }
.Lfunc_end0:
.L_simem_size_0:
called_computation_lowered:
.L_overlay_start_0:
0x88: {  	s2 =	sld [smem:$0x3FD9]  }
0x89: {  	s3 =	sld [smem:$0x3FFE];
	_ =	sdelay $0x1  }
0x8a: {  	s1 =	srdreg.scid  }
0x8b: {  	s0 =	sand.u32 $0x1, s1  }
0x8c: {  	s18 =	sshll.u32 s0, $0xA;
	s2 =	sadd.s32 s3, s2  }
0x8d: {  	s2 =	sadd.s32 s2, s18  }
0x8e: {  	[smem:$0x3FC6] =	sst s2  }
0x8f: {  	_ = 	snop  }
0x90: {  	s2 =	sld [smem:$0x3FC9]  }
0x91: {  	s19 =	sld [smem:$0x3FC8]  }
0x92: {  	s4 =	sld [smem:$0x3FD0];
	(tm) =	ssettm $0x1  }
0x93: {  	s5 =	sld [smem:$0x3FFB];
	_ =	sdelay $0x3  }
0x94: {  	_ =	strace s5  }
0x95: {  	s5 =	sld [smem:$0x3FFC];
	_ =	sdelay $0x3  }
0x96: {  	_ =	strace s5  }
0x97: {  	s5 =	sld [smem:$0x3FFD];
	_ =	sdelay $0x3  }
0x98: {  	_ =	strace s5  }
0x99: {  	_ =	strace $0x8FFFFFFF  }
0x9a: {  	s20 =	sld [smem:$0x3FDB];
	_ =	sdelay $0x1  }
0x9b: {  	s6 =	simm.s32 $_scs_section_size  }
0x9c: {  	s7 =	simm.s32 $_size__tile_overlayer_lowered;
	s8 =	simm.s32 $_tile_overlayer_lowered  }
0x9d: {  	s23 =	simm.s32 $0x1BFF;
	s22 =	sshll.u32 s8, $0x1;
	s5 =	sadd.s32 s6, s20  }
0x9e: {  	s9 =	simm.s32 $0x0;
	s21 =	sshll.u32 s7, $0x1;
	s7 =	sadd.s32 s22, s5  }
0x9f: {  	[timem:s9], [sflag:s23] =	dma.local [hbm:s7], s21  }
0xa0: {  	_ =	swait.ge [sflag:s23], s21  }
0xa1: {  	s6 =	ssub.s32 $0x0, s21;
	[sflag:s23] =	ssyncset.done $0x0  }
0xa2: {  	[sflag:s23] =	ssyncadd.s32 s6;
	_ =	sdelay $0x1  }
0xa3: {  	s24 =	simm.s32 $0x1B8B  }
0xa4: {  	_ =	swait.ge [sflag:s24], $0x1  }
0xa5: {  	[sflag:s24] =	ssyncset.done $0x0  }
0xa6: {  	s25 =	simm.s32 $0x1B8E;
	[sflag:s24] =	ssyncadd.s32 $0xFFFFFFFF  }
0xa7: {  	s26 =	simm.s32 $execute0_lowered;
	[smem:$0x3FD2] =	sst s25  }
0xa8: {  	s6 =	sshll.u32 s26, $0x1;
	_ =	strace $0x80000046;
	[dreg:$0x1] =	wrdreg $0xFFFFFFFF  }
0xa9: {  	s28 =	simm.s32 $_size_execute0_lowered;
	s5 =	sadd.s32 s5, s6;
	[dreg:$0x0] =	wrdreg $0x0  }
0xaa: {  	s6 =	sshll.u32 s28, $0x1;
	[dreg:$0x2] =	wrdreg s5  }
0xab: {  	[dreg:$0x3] =	wrdreg s6  }
0xac: {  	[dreg:$0x4] =	wrdreg $0xC0  }
0xad: {  	_ =	task [dreg:s9], $0x5FFFF  }
0xae: {  	[dreg:$0x1] =	wrdreg $0xFFFFFFFF  }
0xaf: {  	[dreg:$0x0] =	wrdreg $0x60  }
0xb0: {  	[dreg:$0x2] =	wrdreg s2  }
0xb1: {  	[dreg:$0x3] =	wrdreg s19  }
0xb2: {  	[dreg:$0x4] =	wrdreg s4  }
0xb3: {  	[dreg:$0x5] =	wrdreg $0x9  }
0xb4: {  	_ =	task.clear_ibuf [dreg:s9], $0x6FFFF;
	_ =	strace $0x90000046  }
0xb5: {  	s29 =	simm.s32 $0x9;
	_ =	strace $0x80000048  }
0xb6: {  	_ =	swait.ge [sflag:s29], $0x1  }
0xb7: {  	[sflag:s29] =	ssyncadd.s32 $0xFFFFFFFF  }
0xb8: {  	_ =	strace $0x90000048  }
0xb9: {  	_ =	sfence  }
0xba: {  	s30 =	sld [smem:$0x0];
	_ =	sdelay $0x2  }
0xbb: {  	s31 =	sshll.u32 s1, $0xD;
	s1 =	sshrl.u32 s1, $0x2  }
0xbc: {  	s3 =	sand.u32 $0x4000, s31;
	s1 =	sadd.s32 s1, s30  }
0xbd: {  	s0 =	sor.u32 s3, s0;
	s1 =	sshll.u32 s1, $0x11  }
0xbe: {  	s0 =	sor.u32 s1, s0  }
0xbf: {  	s0 =	sadd.s32 $0x8F2B, s0  }
0xc0: {  	[sflag:s0] =	ssyncadd.remote.s32 $0x1  }
0xc1: {  	_ =	sfence.sel $0xFFFF  }
0xc2: {  	[dreg:$0x0] =	wrdreg $0xFFFFFFFF;
	(pc) =	sbr.abs _section_cstart, $3  }
0xc3: {  	[dreg:$0x1] =	wrdreg $0xFFFFFFFF  }
0xc4: {  	_ =	task.clear_ibuf [dreg:s9], $0x2FFFF;
	_ =	strace $0x9FFFFFFF  }
0xc5: {  	(tm) =	ssettm $0x7FFFFFFF  }
tec
execute0_lowered:
.L_overlay_start_1:
0x0: {  	(tag) =	ssettag $0x1  }
0x1: {  	s0 =	rddreg [dreg:$0x0];
	s1 =	srdreg.scid  }
0x2: {  	s3 =	stileid.u32;
	s2 =	rddreg [dreg:$0x1]  }
0x3: {  	s29 =	simm.s32 $0x9900;
	s28 =	simm.s32 $0x2;
	s30 =	simm.s32 $0x11900  }
0x4: {  	s10 =	simm.s32 $0x15900;
	s1 =	sand.u32 $0x1, s1;
	s4 =	sshll.u32 s3, $0x1  }
0x5: {  	s3 =	rddreg [dreg:$0x2];
	s6 =	sor.u32 s1, s4;
	s1 =	ssub.s32 $0x2, s1  }
0x6: {  	s4 =	simm.s32 $0x0;
	s5 =	smul.u32 $0x1900, s6;
	s7 =	sshrl.u32 s1, $0x1  }
0x7: {  	[smem:$0x7FF] =	sst s4;
	s6 =	smul.u32 $0xC8000, s6;
	s1 =	ssub.s32 s1, s7  }
0x8: {  	_ =	strace $0x80000047;
	s8 =	sshrl.u32 s5, $0x3;
	s31 =	smax.u32 s1, $0x1  }
0x9: {  	s19 =	sshrl.u32 s6, $0x3;
	s18 =	sadd.s32 s0, s8;
	[dreg:$0xe] =	wrdreg s31  }
0xa: {  	s0 =	sadd.s32 s3, s19;
	[dreg:$0x4] =	wrdreg s18;
	s7 =	sadd.s32 $0x10, s18  }
0xb: {  	s12 =	simm.s32 $0x4;
	s20 =	sadd.s32 $0x15000, s0;
	[dreg:$0x5] =	wrdreg s7  }
0xc: {  	s13 =	simm.s32 $0x7;
	s21 =	sadd.s32 $0x15800, s0;
	[dreg:$0x6] =	wrdreg s20  }
0xd: {  	s14 =	simm.s32 $0x5;
	s22 =	sadd.s32 $0x16000, s0;
	[dreg:$0x7] =	wrdreg s21  }
0xe: {  	s15 =	simm.s32 $0x8;
	s23 =	sadd.s32 $0x16800, s0;
	[dreg:$0x8] =	wrdreg s22  }
0xf: {  	s16 =	simm.s32 $0x6;
	s24 =	sadd.s32 $0x17000, s0;
	[dreg:$0x9] =	wrdreg s23  }
0x10: {  	s17 =	simm.s32 $0x9;
	s25 =	sadd.s32 $0x17800, s0;
	[dreg:$0xa] =	wrdreg s24  }
0x11: {  	s11 =	simm.s32 $0x0;
	s26 =	sadd.s32 $0x18000, s0;
	[dreg:$0xb] =	wrdreg s25  }
0x12: {  	s9 =	sadd.s32 $0x8000, s6;
	s0 =	sadd.s32 $0x18800, s0;
	[dreg:$0xc] =	wrdreg s26  }
0x13: {  	s1 =	simm.s32 $0x1;
	s8 =	sor.u32 $0x4000, s6;
	[dreg:$0xd] =	wrdreg s0  }
0x14: {  	s20 =	simm.s32 $0x40;
	s21 =	simm.s32 $0x1900;
	s24 =	simm.s32 $0x5900  }
0x15: {  	s26 =	simm.s32 $0x7900;
	s0 =	simm.s32 $0xD900;
	s7 =	simm.s32 $0x3  }
.LBB2_1:
0x16: {  	[dreg:$0xf] =	wrdreg s11  }
0x17: {  	s6 =	rddreg [dreg:$0x4];
	s31 =	simm.s32 $0xD  }
0x18: {  	[tilespmem:s4], [sflag:$0xD] =	stream.linear.gather [hbm4b:s6+s4], $0x80, $0x38;
	[tilespmem:$0x19900] =	vst v63  }
0x19: {  	_ =	swait.ge [sflag:s31], $0x80  }
0x1a: {  	[sflag:s31] =	ssyncset.done $0x0  }
0x1b: {  	[sflag:s31] =	ssyncadd.s32 $0xFFFFFF80  }
0x1c: {  	[tilespmem:s21], [sflag:$0x1] =	stream.indirect.gather [hbm4b:s2+s20], $0x80, s4, s20, $0xb8;
	[tilespmem:$0x19900] =	vst v63  }
0x1d: {  	s18 =	simm.s32 $0x3900  }
0x1e: {  	[tilespmem:s18], [sflag:$0x1] =	stream.indirect.gather [hbm4b:s2+s20], $0x80, s20, s20, $0xb8;
	[tilespmem:$0x19900] =	vst v63  }
0x1f: {  	s19 =	rddreg [dreg:$0x5];
	s18 =	simm.s32 $0x80  }
0x20: {  	[tilespmem:s18], [sflag:$0xD] =	stream.linear.gather [hbm4b:s19+s4], $0x1880, $0x38;
	[tilespmem:$0x19900] =	vst v63  }
0x21: {  	_ =	swait.ge [sflag:s31], $0x1880  }
0x22: {  	[sflag:s31] =	ssyncset.done $0x0  }
0x23: {  	[sflag:s31] =	ssyncadd.s32 $0xFFFFE780  }
0x24: {  	[tilespmem:s24], [sflag:$0x2] =	stream.indirect.gather [hbm4b:s2+s20], $0x80, s18, s20, $0xb8;
	[tilespmem:$0x19900] =	vst v63  }
0x25: {  	s22 =	simm.s32 $0xC0  }
0x26: {  	[tilespmem:s26], [sflag:$0x2] =	stream.indirect.gather [hbm4b:s2+s20], $0x80, s22, s20, $0xb8;
	[tilespmem:$0x19900] =	vst v63  }
0x27: {  	s23 =	simm.s32 $0x100  }
0x28: {  	[tilespmem:s29], [sflag:$0x3] =	stream.indirect.gather [hbm4b:s2+s20], $0x80, s23, s20, $0xb8;
	[tilespmem:$0x19900] =	vst v63  }
0x29: {  	s25 =	simm.s32 $0x140;
	s6 =	simm.s32 $0x0;
	s31 =	simm.s32 $0xB900  }
0x2a: {  	[tilespmem:s31], [sflag:$0x3] =	stream.indirect.gather [hbm4b:s2+s20], $0x80, s25, s20, $0xb8;
	[tilespmem:$0x19900] =	vst v63  }
.LBB2_2:
0x2b: {  	_ =	swait.ge [sflag:s1], $0x2000  }
0x2c: {  	[sflag:s1] =	ssyncset.done $0x0  }
0x2d: {  	[sflag:s1] =	ssyncadd.s32 $0xFFFFE000  }
0x2e: {  	_ =	swait.ge [sflag:s1], $0x2000  }
0x2f: {  	[sflag:s1] =	ssyncset.done $0x0  }
0x30: {  	s18 =	simm.s32 $0x0;
	[sflag:s1] =	ssyncadd.s32 $0xFFFFE000  }
0x31: {  	v2 =	vld [tilespmem:s18+$0x1900]  }
0x32: {  	v5 =	vld [tilespmem:s18+$0x1910]  }
0x33: {  	v4 =	vld [tilespmem:s18+$0x1920]  }
0x34: {  	v3 =	vld [tilespmem:s18+$0x1930]  }
0x35: {  	v0 =	vld [tilespmem:s18+$0x1940]  }
0x36: {  	v1 =	vld [tilespmem:s18+$0x1950];
	v6 =	vmul.f32 $1.131370830e+01, v2  }
0x37: {  	s19 =	simm.s32 $0x200;
	v5 =	vmul.f32 $1.131370830e+01, v5;
	v2 =	vld [tilespmem:s18+$0x1960]  }
.LBB2_3:
0x38: {  	s11 =	sshra.s32 s19, $0x2;
	p0 =	sne.s32 s19, $0xFE00;
	[tilespmem:s18+$0x1900] =	vst v6;
	v4 =	vmul.f32 $1.131370830e+01, v4;
	v6 =	vld [tilespmem:s18+$0x1970]  }
0x39: {  	v7 =	vld [tilespmem:s11+$0x1900];
	[tilespmem:s18+$0x1910] =	vst v5;
	v3 =	vmul.f32 $1.131370830e+01, v3  }
0x3a: {  	v5 =	vld [tilespmem:s11+$0x1910];
	[tilespmem:s18+$0x1920] =	vst v4;
	v0 =	vmul.f32 $1.131370830e+01, v0  }
.Ltmp0:
0x3b: {  	v4 =	vld [tilespmem:s11+$0x1920];
	[tilespmem:s18+$0x1930] =	vst v3;
	v1 =	vmul.f32 $1.131370830e+01, v1;
	(pc) =	sbr.rel @p0 .LBB2_3-.Ltmp0, $4  }
0x3c: {  	v3 =	vld [tilespmem:s11+$0x1930];
	[tilespmem:s18+$0x1940] =	vst v0;
	v2 =	vmul.f32 $1.131370830e+01, v2  }
0x3d: {  	v0 =	vld [tilespmem:s11+$0x1940];
	[tilespmem:s18+$0x1950] =	vst v1;
	v8 =	vmul.f32 $1.131370830e+01, v6  }
0x3e: {  	v6 =	vmul.f32 $1.131370830e+01, v7;
	v1 =	vld [tilespmem:s11+$0x1950];
	[tilespmem:s18+$0x1960] =	vst v2  }
0x3f: {  	s19 =	sadd.s32 $0x200, s19;
	v5 =	vmul.f32 $1.131370830e+01, v5;
	v2 =	vld [tilespmem:s11+$0x1960];
	[tilespmem:s18+$0x1970] =	vst v8;
	s18 =	smov.u32 s11  }
0x40: {  	[tilespmem:s18+$0x1900] =	vst v6;
	v4 =	vmul.f32 $1.131370830e+01, v4;
	v6 =	vld [tilespmem:s18+$0x1970]  }
0x41: {  	[tilespmem:s18+$0x1910] =	vst v5;
	v3 =	vmul.f32 $1.131370830e+01, v3  }
0x42: {  	[tilespmem:s18+$0x1920] =	vst v4;
	v0 =	vmul.f32 $1.131370830e+01, v0  }
0x43: {  	s19 =	smul.u32 $0x300, s6;
	[tilespmem:s18+$0x1930] =	vst v3;
	v1 =	vmul.f32 $1.131370830e+01, v1  }
0x44: {  	[tilespmem:s18+$0x1940] =	vst v0;
	v0 =	vmul.f32 $1.131370830e+01, v2  }
0x45: {  	s11 =	sadd.s32 s5, s19;
	[tilespmem:s18+$0x1950] =	vst v1;
	v1 =	vmul.f32 $1.131370830e+01, v6  }
0x46: {  	s11 =	sshll.u32 s11, $0x4;
	[tilespmem:s18+$0x1960] =	vst v0  }
0x47: {  	p0 =	seq.s32 s6, $0x0;
	s11 =	sadd.s32 s3, s11;
	[tilespmem:s18+$0x1970] =	vst v1  }
0x48: {  	[hbm4b:s11+s4] =	stream.linear.scatter [tilespmem:s21], [sflag:$0x7], $0x4000, $0x38;
	[tilespmem:$0x19900] =	vst v63  }
0x49: {  	s11 =	simm.s32 @!p0 $0xA  }
0x4a: {  	_ =	swait.ge @!p0 [sflag:s11], $0x4000  }
0x4b: {  	[sflag:s11] =	ssyncset.done @!p0 $0x0  }
0x4c: {  	s18 =	sadd.s32 $0x180, s19;
	[sflag:s11] =	ssyncadd.s32 @!p0 $0xFFFFC000  }
0x4d: {  	[tilespmem:s0], [sflag:$0x4] =	stream.indirect.gather [hbm4b:s2+s20], $0x80, s18, s20, $0xb8;
	[tilespmem:$0x19900] =	vst v63  }
0x4e: {  	s22 =	simm.s32 $0xF900;
	s25 =	sadd.s32 $0x1C0, s19  }
0x4f: {  	[tilespmem:s22], [sflag:$0x4] =	stream.indirect.gather [hbm4b:s2+s20], $0x80, s25, s20, $0xb8;
	[tilespmem:$0x19900] =	vst v63  }
0x50: {  	_ =	swait.ge [sflag:s28], $0x2000  }
0x51: {  	[sflag:s28] =	ssyncset.done $0x0  }
0x52: {  	[sflag:s28] =	ssyncadd.s32 $0xFFFFE000  }
0x53: {  	_ =	swait.ge [sflag:s28], $0x2000  }
0x54: {  	[sflag:s28] =	ssyncset.done $0x0  }
0x55: {  	s31 =	simm.s32 $0x0;
	[sflag:s28] =	ssyncadd.s32 $0xFFFFE000  }
0x56: {  	v2 =	vld [tilespmem:s31+$0x5900]  }
0x57: {  	v5 =	vld [tilespmem:s31+$0x5910]  }
0x58: {  	v4 =	vld [tilespmem:s31+$0x5920]  }
0x59: {  	v3 =	vld [tilespmem:s31+$0x5930]  }
0x5a: {  	v0 =	vld [tilespmem:s31+$0x5940]  }
0x5b: {  	v1 =	vld [tilespmem:s31+$0x5950];
	v6 =	vmul.f32 $1.131370830e+01, v2  }
0x5c: {  	s23 =	simm.s32 $0x200;
	v5 =	vmul.f32 $1.131370830e+01, v5;
	v2 =	vld [tilespmem:s31+$0x5960]  }
.LBB2_5:
0x5d: {  	s11 =	sshra.s32 s23, $0x2;
	p1 =	sne.s32 s23, $0xFE00;
	[tilespmem:s31+$0x5900] =	vst v6;
	v4 =	vmul.f32 $1.131370830e+01, v4;
	v6 =	vld [tilespmem:s31+$0x5970]  }
0x5e: {  	v7 =	vld [tilespmem:s11+$0x5900];
	[tilespmem:s31+$0x5910] =	vst v5;
	v3 =	vmul.f32 $1.131370830e+01, v3  }
0x5f: {  	v5 =	vld [tilespmem:s11+$0x5910];
	[tilespmem:s31+$0x5920] =	vst v4;
	v0 =	vmul.f32 $1.131370830e+01, v0  }
.Ltmp1:
0x60: {  	v4 =	vld [tilespmem:s11+$0x5920];
	[tilespmem:s31+$0x5930] =	vst v3;
	v1 =	vmul.f32 $1.131370830e+01, v1;
	(pc) =	sbr.rel @p1 .LBB2_5-.Ltmp1, $4  }
0x61: {  	v3 =	vld [tilespmem:s11+$0x5930];
	[tilespmem:s31+$0x5940] =	vst v0;
	v2 =	vmul.f32 $1.131370830e+01, v2  }
0x62: {  	v0 =	vld [tilespmem:s11+$0x5940];
	[tilespmem:s31+$0x5950] =	vst v1;
	v8 =	vmul.f32 $1.131370830e+01, v6  }
0x63: {  	v6 =	vmul.f32 $1.131370830e+01, v7;
	v1 =	vld [tilespmem:s11+$0x5950];
	[tilespmem:s31+$0x5960] =	vst v2  }
0x64: {  	s23 =	sadd.s32 $0x200, s23;
	v5 =	vmul.f32 $1.131370830e+01, v5;
	v2 =	vld [tilespmem:s11+$0x5960];
	[tilespmem:s31+$0x5970] =	vst v8;
	s31 =	smov.u32 s11  }
0x65: {  	[tilespmem:s31+$0x5900] =	vst v6;
	v4 =	vmul.f32 $1.131370830e+01, v4;
	v6 =	vld [tilespmem:s31+$0x5970]  }
0x66: {  	[tilespmem:s31+$0x5910] =	vst v5;
	v3 =	vmul.f32 $1.131370830e+01, v3  }
0x67: {  	[tilespmem:s31+$0x5920] =	vst v4;
	v0 =	vmul.f32 $1.131370830e+01, v0  }
0x68: {  	s25 =	smul.u32 $0x18000, s6;
	[tilespmem:s31+$0x5930] =	vst v3;
	v1 =	vmul.f32 $1.131370830e+01, v1  }
0x69: {  	[tilespmem:s31+$0x5940] =	vst v0;
	v0 =	vmul.f32 $1.131370830e+01, v2  }
0x6a: {  	s11 =	sadd.s32 s25, s8;
	[tilespmem:s31+$0x5950] =	vst v1;
	v1 =	vmul.f32 $1.131370830e+01, v6  }
0x6b: {  	s11 =	sshrl.u32 s11, $0x3;
	[tilespmem:s31+$0x5960] =	vst v0  }
0x6c: {  	s11 =	sadd.s32 s3, s11;
	[tilespmem:s31+$0x5970] =	vst v1  }
0x6d: {  	[hbm4b:s11+s4] =	stream.linear.scatter [tilespmem:s24], [sflag:$0x8], $0x4000, $0x38;
	[tilespmem:$0x19900] =	vst v63  }
0x6e: {  	s11 =	simm.s32 @!p0 $0xB  }
0x6f: {  	_ =	swait.ge @!p0 [sflag:s11], $0x4000  }
0x70: {  	[sflag:s11] =	ssyncset.done @!p0 $0x0  }
0x71: {  	s31 =	sadd.s32 $0x200, s19;
	[sflag:s11] =	ssyncadd.s32 @!p0 $0xFFFFC000  }
0x72: {  	[tilespmem:s30], [sflag:$0x5] =	stream.indirect.gather [hbm4b:s2+s20], $0x80, s31, s20, $0xb8;
	[tilespmem:$0x19900] =	vst v63  }
0x73: {  	s23 =	sadd.s32 $0x240, s19;
	s22 =	simm.s32 $0x13900  }
0x74: {  	[tilespmem:s22], [sflag:$0x5] =	stream.indirect.gather [hbm4b:s2+s20], $0x80, s23, s20, $0xb8;
	[tilespmem:$0x19900] =	vst v63  }
0x75: {  	_ =	swait.ge [sflag:s7], $0x2000  }
0x76: {  	[sflag:s7] =	ssyncset.done $0x0  }
0x77: {  	[sflag:s7] =	ssyncadd.s32 $0xFFFFE000  }
0x78: {  	_ =	swait.ge [sflag:s7], $0x2000  }
0x79: {  	[sflag:s7] =	ssyncset.done $0x0  }
0x7a: {  	s23 =	simm.s32 $0x0;
	[sflag:s7] =	ssyncadd.s32 $0xFFFFE000  }
0x7b: {  	v3 =	vld [tilespmem:s23+$0x9900]  }
0x7c: {  	v5 =	vld [tilespmem:s23+$0x9910]  }
0x7d: {  	v4 =	vld [tilespmem:s23+$0x9920]  }
0x7e: {  	v2 =	vld [tilespmem:s23+$0x9930]  }
0x7f: {  	v0 =	vld [tilespmem:s23+$0x9940]  }
0x80: {  	v1 =	vld [tilespmem:s23+$0x9950];
	v6 =	vmul.f32 $1.131370830e+01, v3  }
0x81: {  	s11 =	simm.s32 $0x200;
	v5 =	vmul.f32 $1.131370830e+01, v5;
	v3 =	vld [tilespmem:s23+$0x9960]  }
.LBB2_7:
0x82: {  	s22 =	sshra.s32 s11, $0x2;
	p1 =	sne.s32 s11, $0xFE00;
	[tilespmem:s23+$0x9900] =	vst v6;
	v4 =	vmul.f32 $1.131370830e+01, v4;
	v6 =	vld [tilespmem:s23+$0x9970]  }
0x83: {  	v7 =	vld [tilespmem:s22+$0x9900];
	[tilespmem:s23+$0x9910] =	vst v5;
	v2 =	vmul.f32 $1.131370830e+01, v2  }
0x84: {  	v5 =	vld [tilespmem:s22+$0x9910];
	[tilespmem:s23+$0x9920] =	vst v4;
	v0 =	vmul.f32 $1.131370830e+01, v0  }
.Ltmp2:
0x85: {  	v4 =	vld [tilespmem:s22+$0x9920];
	[tilespmem:s23+$0x9930] =	vst v2;
	v1 =	vmul.f32 $1.131370830e+01, v1;
	(pc) =	sbr.rel @p1 .LBB2_7-.Ltmp2, $4  }
0x86: {  	v2 =	vld [tilespmem:s22+$0x9930];
	[tilespmem:s23+$0x9940] =	vst v0;
	v3 =	vmul.f32 $1.131370830e+01, v3  }
0x87: {  	v0 =	vld [tilespmem:s22+$0x9940];
	[tilespmem:s23+$0x9950] =	vst v1;
	v8 =	vmul.f32 $1.131370830e+01, v6  }
0x88: {  	v6 =	vmul.f32 $1.131370830e+01, v7;
	v1 =	vld [tilespmem:s22+$0x9950];
	[tilespmem:s23+$0x9960] =	vst v3  }
0x89: {  	s11 =	sadd.s32 $0x200, s11;
	v5 =	vmul.f32 $1.131370830e+01, v5;
	v3 =	vld [tilespmem:s22+$0x9960];
	[tilespmem:s23+$0x9970] =	vst v8;
	s23 =	smov.u32 s22  }
0x8a: {  	[tilespmem:s23+$0x9900] =	vst v6;
	v4 =	vmul.f32 $1.131370830e+01, v4;
	v6 =	vld [tilespmem:s23+$0x9970]  }
0x8b: {  	[tilespmem:s23+$0x9910] =	vst v5;
	v2 =	vmul.f32 $1.131370830e+01, v2  }
0x8c: {  	[tilespmem:s23+$0x9920] =	vst v4;
	v0 =	vmul.f32 $1.131370830e+01, v0  }
0x8d: {  	[tilespmem:s23+$0x9930] =	vst v2;
	v1 =	vmul.f32 $1.131370830e+01, v1  }
0x8e: {  	[tilespmem:s23+$0x9940] =	vst v0;
	v0 =	vmul.f32 $1.131370830e+01, v3  }
0x8f: {  	s11 =	sadd.s32 s25, s9;
	[tilespmem:s23+$0x9950] =	vst v1;
	v1 =	vmul.f32 $1.131370830e+01, v6  }
0x90: {  	s11 =	sshrl.u32 s11, $0x3;
	[tilespmem:s23+$0x9960] =	vst v0  }
0x91: {  	s11 =	sadd.s32 s3, s11;
	[tilespmem:s23+$0x9970] =	vst v1  }
0x92: {  	[hbm4b:s11+s4] =	stream.linear.scatter [tilespmem:s29], [sflag:$0x9], $0x4000, $0x38;
	[tilespmem:$0x19900] =	vst v63  }
0x93: {  	s11 =	simm.s32 @!p0 $0xC  }
0x94: {  	_ =	swait.ge @!p0 [sflag:s11], $0x4000  }
0x95: {  	[sflag:s11] =	ssyncset.done @!p0 $0x0  }
0x96: {  	s25 =	sadd.s32 $0x280, s19;
	[sflag:s11] =	ssyncadd.s32 @!p0 $0xFFFFC000  }
0x97: {  	[tilespmem:s10], [sflag:$0x6] =	stream.indirect.gather [hbm4b:s2+s20], $0x80, s25, s20, $0xb8;
	[tilespmem:$0x19900] =	vst v63  }
0x98: {  	s22 =	simm.s32 $0x17900;
	s23 =	sadd.s32 $0x2C0, s19  }
0x99: {  	[tilespmem:s22], [sflag:$0x6] =	stream.indirect.gather [hbm4b:s2+s20], $0x80, s23, s20, $0xb8;
	[tilespmem:$0x19900] =	vst v63  }
0x9a: {  	_ =	swait.ge [sflag:s12], $0x2000  }
0x9b: {  	[sflag:s12] =	ssyncset.done $0x0  }
0x9c: {  	[sflag:s12] =	ssyncadd.s32 $0xFFFFE000  }
0x9d: {  	_ =	swait.ge [sflag:s12], $0x2000  }
0x9e: {  	[sflag:s12] =	ssyncset.done $0x0  }
0x9f: {  	s23 =	simm.s32 $0x0;
	[sflag:s12] =	ssyncadd.s32 $0xFFFFE000  }
0xa0: {  	v3 =	vld [tilespmem:s23+$0xD900]  }
0xa1: {  	v5 =	vld [tilespmem:s23+$0xD910]  }
0xa2: {  	v4 =	vld [tilespmem:s23+$0xD920]  }
0xa3: {  	v2 =	vld [tilespmem:s23+$0xD930]  }
0xa4: {  	v0 =	vld [tilespmem:s23+$0xD940]  }
0xa5: {  	v1 =	vld [tilespmem:s23+$0xD950];
	v6 =	vmul.f32 $1.131370830e+01, v3  }
0xa6: {  	s11 =	simm.s32 $0x200;
	v5 =	vmul.f32 $1.131370830e+01, v5;
	v3 =	vld [tilespmem:s23+$0xD960]  }
.LBB2_9:
0xa7: {  	s22 =	sshra.s32 s11, $0x2;
	p0 =	sne.s32 s11, $0xFE00;
	[tilespmem:s23+$0xD900] =	vst v6;
	v4 =	vmul.f32 $1.131370830e+01, v4;
	v6 =	vld [tilespmem:s23+$0xD970]  }
0xa8: {  	v7 =	vld [tilespmem:s22+$0xD900];
	[tilespmem:s23+$0xD910] =	vst v5;
	v2 =	vmul.f32 $1.131370830e+01, v2  }
0xa9: {  	v5 =	vld [tilespmem:s22+$0xD910];
	[tilespmem:s23+$0xD920] =	vst v4;
	v0 =	vmul.f32 $1.131370830e+01, v0  }
.Ltmp3:
0xaa: {  	v4 =	vld [tilespmem:s22+$0xD920];
	[tilespmem:s23+$0xD930] =	vst v2;
	v1 =	vmul.f32 $1.131370830e+01, v1;
	(pc) =	sbr.rel @p0 .LBB2_9-.Ltmp3, $4  }
0xab: {  	v2 =	vld [tilespmem:s22+$0xD930];
	[tilespmem:s23+$0xD940] =	vst v0;
	v3 =	vmul.f32 $1.131370830e+01, v3  }
0xac: {  	v0 =	vld [tilespmem:s22+$0xD940];
	[tilespmem:s23+$0xD950] =	vst v1;
	v8 =	vmul.f32 $1.131370830e+01, v6  }
0xad: {  	v6 =	vmul.f32 $1.131370830e+01, v7;
	v1 =	vld [tilespmem:s22+$0xD950];
	[tilespmem:s23+$0xD960] =	vst v3  }
0xae: {  	s11 =	sadd.s32 $0x200, s11;
	v5 =	vmul.f32 $1.131370830e+01, v5;
	v3 =	vld [tilespmem:s22+$0xD960];
	[tilespmem:s23+$0xD970] =	vst v8;
	s23 =	smov.u32 s22  }
0xaf: {  	[tilespmem:s23+$0xD900] =	vst v6;
	v4 =	vmul.f32 $1.131370830e+01, v4;
	v6 =	vld [tilespmem:s23+$0xD970]  }
0xb0: {  	[tilespmem:s23+$0xD910] =	vst v5;
	v2 =	vmul.f32 $1.131370830e+01, v2  }
0xb1: {  	[tilespmem:s23+$0xD920] =	vst v4;
	v0 =	vmul.f32 $1.131370830e+01, v0  }
0xb2: {  	[tilespmem:s23+$0xD930] =	vst v2;
	v1 =	vmul.f32 $1.131370830e+01, v1  }
0xb3: {  	[tilespmem:s23+$0xD940] =	vst v0;
	v0 =	vmul.f32 $1.131370830e+01, v3  }
0xb4: {  	s11 =	sadd.s32 s5, s18;
	[tilespmem:s23+$0xD950] =	vst v1;
	v1 =	vmul.f32 $1.131370830e+01, v6  }
0xb5: {  	s11 =	sshll.u32 s11, $0x4;
	[tilespmem:s23+$0xD960] =	vst v0  }
0xb6: {  	s11 =	sadd.s32 s3, s11;
	[tilespmem:s23+$0xD970] =	vst v1;
	s23 =	simm.s32 $0x0  }
0xb7: {  	[hbm4b:s11+s23] =	stream.linear.scatter [tilespmem:s0], [sflag:$0xA], $0x4000, $0x38;
	[tilespmem:$0x19900] =	vst v63  }
0xb8: {  	_ =	swait.ge [sflag:s13], $0x4000  }
0xb9: {  	[sflag:s13] =	ssyncset.done $0x0  }
0xba: {  	s18 =	sadd.s32 $0x300, s19;
	[sflag:s13] =	ssyncadd.s32 $0xFFFFC000  }
0xbb: {  	[tilespmem:s21], [sflag:$0x1] =	stream.indirect.gather [hbm4b:s2+s20], $0x80, s18, s20, $0xb8;
	[tilespmem:$0x19900] =	vst v63  }
0xbc: {  	s22 =	sadd.s32 $0x340, s19;
	s23 =	simm.s32 $0x3900  }
0xbd: {  	[tilespmem:s23], [sflag:$0x1] =	stream.indirect.gather [hbm4b:s2+s20], $0x80, s22, s20, $0xb8;
	[tilespmem:$0x19900] =	vst v63  }
0xbe: {  	_ =	swait.ge [sflag:s14], $0x2000  }
0xbf: {  	[sflag:s14] =	ssyncset.done $0x0  }
0xc0: {  	[sflag:s14] =	ssyncadd.s32 $0xFFFFE000  }
0xc1: {  	_ =	swait.ge [sflag:s14], $0x2000  }
0xc2: {  	[sflag:s14] =	ssyncset.done $0x0  }
0xc3: {  	s18 =	simm.s32 $0x0;
	[sflag:s14] =	ssyncadd.s32 $0xFFFFE000  }
0xc4: {  	v3 =	vld [tilespmem:s18+$0x11900]  }
0xc5: {  	v5 =	vld [tilespmem:s18+$0x11910]  }
0xc6: {  	v4 =	vld [tilespmem:s18+$0x11920]  }
0xc7: {  	v2 =	vld [tilespmem:s18+$0x11930]  }
0xc8: {  	v0 =	vld [tilespmem:s18+$0x11940]  }
0xc9: {  	v1 =	vld [tilespmem:s18+$0x11950];
	v6 =	vmul.f32 $1.131370830e+01, v3  }
0xca: {  	s11 =	simm.s32 $0x200;
	v5 =	vmul.f32 $1.131370830e+01, v5;
	v3 =	vld [tilespmem:s18+$0x11960]  }
.LBB2_11:
0xcb: {  	s22 =	sshra.s32 s11, $0x2;
	p0 =	sne.s32 s11, $0xFE00;
	[tilespmem:s18+$0x11900] =	vst v6;
	v4 =	vmul.f32 $1.131370830e+01, v4;
	v6 =	vld [tilespmem:s18+$0x11970]  }
0xcc: {  	v7 =	vld [tilespmem:s22+$0x11900];
	[tilespmem:s18+$0x11910] =	vst v5;
	v2 =	vmul.f32 $1.131370830e+01, v2  }
0xcd: {  	v5 =	vld [tilespmem:s22+$0x11910];
	[tilespmem:s18+$0x11920] =	vst v4;
	v0 =	vmul.f32 $1.131370830e+01, v0  }
.Ltmp4:
0xce: {  	v4 =	vld [tilespmem:s22+$0x11920];
	[tilespmem:s18+$0x11930] =	vst v2;
	v1 =	vmul.f32 $1.131370830e+01, v1;
	(pc) =	sbr.rel @p0 .LBB2_11-.Ltmp4, $4  }
0xcf: {  	v2 =	vld [tilespmem:s22+$0x11930];
	[tilespmem:s18+$0x11940] =	vst v0;
	v3 =	vmul.f32 $1.131370830e+01, v3  }
0xd0: {  	v0 =	vld [tilespmem:s22+$0x11940];
	[tilespmem:s18+$0x11950] =	vst v1;
	v8 =	vmul.f32 $1.131370830e+01, v6  }
0xd1: {  	v6 =	vmul.f32 $1.131370830e+01, v7;
	v1 =	vld [tilespmem:s22+$0x11950];
	[tilespmem:s18+$0x11960] =	vst v3  }
0xd2: {  	s11 =	sadd.s32 $0x200, s11;
	v5 =	vmul.f32 $1.131370830e+01, v5;
	v3 =	vld [tilespmem:s22+$0x11960];
	[tilespmem:s18+$0x11970] =	vst v8;
	s18 =	smov.u32 s22  }
0xd3: {  	[tilespmem:s18+$0x11900] =	vst v6;
	v4 =	vmul.f32 $1.131370830e+01, v4;
	v6 =	vld [tilespmem:s18+$0x11970]  }
0xd4: {  	[tilespmem:s18+$0x11910] =	vst v5;
	v2 =	vmul.f32 $1.131370830e+01, v2  }
0xd5: {  	[tilespmem:s18+$0x11920] =	vst v4;
	v0 =	vmul.f32 $1.131370830e+01, v0  }
0xd6: {  	[tilespmem:s18+$0x11930] =	vst v2;
	v1 =	vmul.f32 $1.131370830e+01, v1  }
0xd7: {  	[tilespmem:s18+$0x11940] =	vst v0;
	v0 =	vmul.f32 $1.131370830e+01, v3  }
0xd8: {  	s11 =	sadd.s32 s5, s31;
	[tilespmem:s18+$0x11950] =	vst v1;
	v1 =	vmul.f32 $1.131370830e+01, v6  }
0xd9: {  	s11 =	sshll.u32 s11, $0x4;
	[tilespmem:s18+$0x11960] =	vst v0  }
0xda: {  	s22 =	simm.s32 $0x0;
	s11 =	sadd.s32 s3, s11;
	[tilespmem:s18+$0x11970] =	vst v1  }
0xdb: {  	[hbm4b:s11+s22] =	stream.linear.scatter [tilespmem:s30], [sflag:$0xB], $0x4000, $0x38;
	[tilespmem:$0x19900] =	vst v63  }
0xdc: {  	_ =	swait.ge [sflag:s15], $0x4000  }
0xdd: {  	[sflag:s15] =	ssyncset.done $0x0  }
0xde: {  	s23 =	sadd.s32 $0x380, s19;
	[sflag:s15] =	ssyncadd.s32 $0xFFFFC000  }
0xdf: {  	[tilespmem:s24], [sflag:$0x2] =	stream.indirect.gather [hbm4b:s2+s20], $0x80, s23, s20, $0xb8;
	[tilespmem:$0x19900] =	vst v63  }
0xe0: {  	s31 =	sadd.s32 $0x3C0, s19  }
0xe1: {  	[tilespmem:s26], [sflag:$0x2] =	stream.indirect.gather [hbm4b:s2+s20], $0x80, s31, s20, $0xb8;
	[tilespmem:$0x19900] =	vst v63  }
0xe2: {  	_ =	swait.ge [sflag:s16], $0x2000  }
0xe3: {  	[sflag:s16] =	ssyncset.done $0x0  }
0xe4: {  	[sflag:s16] =	ssyncadd.s32 $0xFFFFE000  }
0xe5: {  	_ =	swait.ge [sflag:s16], $0x2000  }
0xe6: {  	[sflag:s16] =	ssyncset.done $0x0  }
0xe7: {  	s18 =	simm.s32 $0x0;
	[sflag:s16] =	ssyncadd.s32 $0xFFFFE000  }
0xe8: {  	v3 =	vld [tilespmem:s18+$0x15900]  }
0xe9: {  	v5 =	vld [tilespmem:s18+$0x15910]  }
0xea: {  	v4 =	vld [tilespmem:s18+$0x15920]  }
0xeb: {  	v2 =	vld [tilespmem:s18+$0x15930]  }
0xec: {  	v0 =	vld [tilespmem:s18+$0x15940]  }
0xed: {  	v1 =	vld [tilespmem:s18+$0x15950];
	v6 =	vmul.f32 $1.131370830e+01, v3  }
0xee: {  	s11 =	simm.s32 $0x200;
	v5 =	vmul.f32 $1.131370830e+01, v5;
	v3 =	vld [tilespmem:s18+$0x15960]  }
.LBB2_13:
0xef: {  	s22 =	sshra.s32 s11, $0x2;
	p0 =	sne.s32 s11, $0xFE00;
	[tilespmem:s18+$0x15900] =	vst v6;
	v4 =	vmul.f32 $1.131370830e+01, v4;
	v6 =	vld [tilespmem:s18+$0x15970]  }
0xf0: {  	v7 =	vld [tilespmem:s22+$0x15900];
	[tilespmem:s18+$0x15910] =	vst v5;
	v2 =	vmul.f32 $1.131370830e+01, v2  }
0xf1: {  	v5 =	vld [tilespmem:s22+$0x15910];
	[tilespmem:s18+$0x15920] =	vst v4;
	v0 =	vmul.f32 $1.131370830e+01, v0  }
.Ltmp5:
0xf2: {  	v4 =	vld [tilespmem:s22+$0x15920];
	[tilespmem:s18+$0x15930] =	vst v2;
	v1 =	vmul.f32 $1.131370830e+01, v1;
	(pc) =	sbr.rel @p0 .LBB2_13-.Ltmp5, $4  }
0xf3: {  	v2 =	vld [tilespmem:s22+$0x15930];
	[tilespmem:s18+$0x15940] =	vst v0;
	v3 =	vmul.f32 $1.131370830e+01, v3  }
0xf4: {  	v0 =	vld [tilespmem:s22+$0x15940];
	[tilespmem:s18+$0x15950] =	vst v1;
	v8 =	vmul.f32 $1.131370830e+01, v6  }
0xf5: {  	v6 =	vmul.f32 $1.131370830e+01, v7;
	v1 =	vld [tilespmem:s22+$0x15950];
	[tilespmem:s18+$0x15960] =	vst v3  }
0xf6: {  	s11 =	sadd.s32 $0x200, s11;
	v5 =	vmul.f32 $1.131370830e+01, v5;
	v3 =	vld [tilespmem:s22+$0x15960];
	[tilespmem:s18+$0x15970] =	vst v8;
	s18 =	smov.u32 s22  }
0xf7: {  	[tilespmem:s18+$0x15900] =	vst v6;
	v4 =	vmul.f32 $1.131370830e+01, v4;
	v61 =	vld [tilespmem:s18+$0x15970]  }
0xf8: {  	[tilespmem:s18+$0x15910] =	vst v5;
	v2 =	vmul.f32 $1.131370830e+01, v2  }
0xf9: {  	[tilespmem:s18+$0x15920] =	vst v4;
	v0 =	vmul.f32 $1.131370830e+01, v0  }
0xfa: {  	[tilespmem:s18+$0x15930] =	vst v2;
	v1 =	vmul.f32 $1.131370830e+01, v1  }
0xfb: {  	[tilespmem:s18+$0x15940] =	vst v0;
	v62 =	vmul.f32 $1.131370830e+01, v3  }
0xfc: {  	s11 =	sadd.s32 s5, s25;
	[tilespmem:s18+$0x15950] =	vst v1;
	v63 =	vmul.f32 $1.131370830e+01, v61  }
0xfd: {  	s11 =	sshll.u32 s11, $0x4;
	[tilespmem:s18+$0x15960] =	vst v62  }
0xfe: {  	s6 =	sadd.s32 $0x1, s6;
	s11 =	sadd.s32 s3, s11;
	[tilespmem:s18+$0x15970] =	vst v63  }
0xff: {  	[hbm4b:s11+s4] =	stream.linear.scatter [tilespmem:s10], [sflag:$0xC], $0x4000, $0x38;
	[tilespmem:$0x19900] =	vst v63  }
0x100: {  	p0 =	sne.s32 s6, $0x7;
	_ =	swait.ge [sflag:s17], $0x4000  }
.Ltmp6:
0x101: {  	[sflag:s17] =	ssyncset.done $0x0;
	(pc) =	sbr.rel @p0 .LBB2_2-.Ltmp6, $4  }
0x102: {  	s23 =	sadd.s32 $0x400, s19;
	[sflag:s17] =	ssyncadd.s32 $0xFFFFC000  }
0x103: {  	[tilespmem:s29], [sflag:$0x3] =	stream.indirect.gather [hbm4b:s2+s20], $0x80, s23, s20, $0xb8;
	[tilespmem:$0x19900] =	vst v63  }
0x104: {  	s25 =	sadd.s32 $0x440, s19;
	s31 =	simm.s32 $0xB900  }
0x105: {  	[tilespmem:s31], [sflag:$0x3] =	stream.indirect.gather [hbm4b:s2+s20], $0x80, s25, s20, $0xb8;
	[tilespmem:$0x19900] =	vst v63  }
0x106: {  	_ =	swait.ge [sflag:s1], $0x2000  }
0x107: {  	[sflag:s1] =	ssyncset.done $0x0  }
0x108: {  	[sflag:s1] =	ssyncadd.s32 $0xFFFFE000  }
0x109: {  	_ =	swait.ge [sflag:s1], $0x2000  }
0x10a: {  	[sflag:s1] =	ssyncset.done $0x0  }
0x10b: {  	s6 =	simm.s32 $0x0;
	[sflag:s1] =	ssyncadd.s32 $0xFFFFE000  }
0x10c: {  	v3 =	vld [tilespmem:s6+$0x1900]  }
0x10d: {  	v5 =	vld [tilespmem:s6+$0x1910]  }
0x10e: {  	v4 =	vld [tilespmem:s6+$0x1920]  }
0x10f: {  	v2 =	vld [tilespmem:s6+$0x1930]  }
0x110: {  	v0 =	vld [tilespmem:s6+$0x1940]  }
0x111: {  	v1 =	vld [tilespmem:s6+$0x1950];
	v6 =	vmul.f32 $1.131370830e+01, v3  }
0x112: {  	s11 =	simm.s32 $0x200;
	v5 =	vmul.f32 $1.131370830e+01, v5;
	v3 =	vld [tilespmem:s6+$0x1960]  }
.LBB2_16:
0x113: {  	s18 =	sshra.s32 s11, $0x2;
	p0 =	sne.s32 s11, $0xFE00;
	[tilespmem:s6+$0x1900] =	vst v6;
	v4 =	vmul.f32 $1.131370830e+01, v4;
	v6 =	vld [tilespmem:s6+$0x1970]  }
0x114: {  	v7 =	vld [tilespmem:s18+$0x1900];
	[tilespmem:s6+$0x1910] =	vst v5;
	v2 =	vmul.f32 $1.131370830e+01, v2  }
0x115: {  	v5 =	vld [tilespmem:s18+$0x1910];
	[tilespmem:s6+$0x1920] =	vst v4;
	v0 =	vmul.f32 $1.131370830e+01, v0  }
.Ltmp7:
0x116: {  	v4 =	vld [tilespmem:s18+$0x1920];
	[tilespmem:s6+$0x1930] =	vst v2;
	v1 =	vmul.f32 $1.131370830e+01, v1;
	(pc) =	sbr.rel @p0 .LBB2_16-.Ltmp7, $4  }
0x117: {  	v2 =	vld [tilespmem:s18+$0x1930];
	[tilespmem:s6+$0x1940] =	vst v0;
	v3 =	vmul.f32 $1.131370830e+01, v3  }
0x118: {  	v0 =	vld [tilespmem:s18+$0x1940];
	[tilespmem:s6+$0x1950] =	vst v1;
	v8 =	vmul.f32 $1.131370830e+01, v6  }
0x119: {  	v6 =	vmul.f32 $1.131370830e+01, v7;
	v1 =	vld [tilespmem:s18+$0x1950];
	[tilespmem:s6+$0x1960] =	vst v3  }
0x11a: {  	s11 =	sadd.s32 $0x200, s11;
	v5 =	vmul.f32 $1.131370830e+01, v5;
	v3 =	vld [tilespmem:s18+$0x1960];
	[tilespmem:s6+$0x1970] =	vst v8;
	s6 =	smov.u32 s18  }
0x11b: {  	[tilespmem:s6+$0x1900] =	vst v6;
	v4 =	vmul.f32 $1.131370830e+01, v4;
	v6 =	vld [tilespmem:s6+$0x1970]  }
0x11c: {  	[tilespmem:s6+$0x1910] =	vst v5;
	v2 =	vmul.f32 $1.131370830e+01, v2  }
0x11d: {  	[tilespmem:s6+$0x1920] =	vst v4;
	v0 =	vmul.f32 $1.131370830e+01, v0  }
0x11e: {  	[tilespmem:s6+$0x1930] =	vst v2;
	v1 =	vmul.f32 $1.131370830e+01, v1  }
0x11f: {  	[tilespmem:s6+$0x1940] =	vst v0;
	v0 =	vmul.f32 $1.131370830e+01, v3  }
0x120: {  	[tilespmem:s6+$0x1950] =	vst v1;
	v1 =	vmul.f32 $1.131370830e+01, v6  }
0x121: {  	[tilespmem:s6+$0x1960] =	vst v0  }
0x122: {  	s22 =	simm.s32 $0x0;
	s11 =	rddreg [dreg:$0x6];
	s19 =	simm.s32 $0xA;
	[tilespmem:s6+$0x1970] =	vst v1  }
0x123: {  	[hbm4b:s11+s22] =	stream.linear.scatter [tilespmem:s21], [sflag:$0x7], $0x4000, $0x38;
	[tilespmem:$0x19900] =	vst v63  }
0x124: {  	_ =	swait.ge [sflag:s19], $0x4000  }
0x125: {  	[sflag:s19] =	ssyncset.done $0x0  }
0x126: {  	s23 =	simm.s32 $0x1680;
	[sflag:s19] =	ssyncadd.s32 $0xFFFFC000  }
0x127: {  	[tilespmem:s0], [sflag:$0x4] =	stream.indirect.gather [hbm4b:s2+s20], $0x80, s23, s20, $0xb8;
	[tilespmem:$0x19900] =	vst v63  }
0x128: {  	s25 =	simm.s32 $0xF900;
	s31 =	simm.s32 $0x16C0  }
0x129: {  	[tilespmem:s25], [sflag:$0x4] =	stream.indirect.gather [hbm4b:s2+s20], $0x80, s31, s20, $0xb8;
	[tilespmem:$0x19900] =	vst v63  }
0x12a: {  	_ =	swait.ge [sflag:s28], $0x2000  }
0x12b: {  	[sflag:s28] =	ssyncset.done $0x0  }
0x12c: {  	[sflag:s28] =	ssyncadd.s32 $0xFFFFE000  }
0x12d: {  	_ =	swait.ge [sflag:s28], $0x2000  }
0x12e: {  	[sflag:s28] =	ssyncset.done $0x0  }
0x12f: {  	s6 =	simm.s32 $0x0;
	[sflag:s28] =	ssyncadd.s32 $0xFFFFE000  }
0x130: {  	v3 =	vld [tilespmem:s6+$0x5900]  }
0x131: {  	v5 =	vld [tilespmem:s6+$0x5910]  }
0x132: {  	v4 =	vld [tilespmem:s6+$0x5920]  }
0x133: {  	v2 =	vld [tilespmem:s6+$0x5930]  }
0x134: {  	v0 =	vld [tilespmem:s6+$0x5940]  }
0x135: {  	v1 =	vld [tilespmem:s6+$0x5950];
	v6 =	vmul.f32 $1.131370830e+01, v3  }
0x136: {  	s11 =	simm.s32 $0x200;
	s22 =	simm.s32 $0xB;
	v5 =	vmul.f32 $1.131370830e+01, v5;
	v3 =	vld [tilespmem:s6+$0x5960]  }
.LBB2_18:
0x137: {  	s18 =	sshra.s32 s11, $0x2;
	p0 =	sne.s32 s11, $0xFE00;
	[tilespmem:s6+$0x5900] =	vst v6;
	v4 =	vmul.f32 $1.131370830e+01, v4;
	v6 =	vld [tilespmem:s6+$0x5970]  }
0x138: {  	v7 =	vld [tilespmem:s18+$0x5900];
	[tilespmem:s6+$0x5910] =	vst v5;
	v2 =	vmul.f32 $1.131370830e+01, v2  }
0x139: {  	v5 =	vld [tilespmem:s18+$0x5910];
	[tilespmem:s6+$0x5920] =	vst v4;
	v0 =	vmul.f32 $1.131370830e+01, v0  }
.Ltmp8:
0x13a: {  	v4 =	vld [tilespmem:s18+$0x5920];
	[tilespmem:s6+$0x5930] =	vst v2;
	v1 =	vmul.f32 $1.131370830e+01, v1;
	(pc) =	sbr.rel @p0 .LBB2_18-.Ltmp8, $4  }
0x13b: {  	v2 =	vld [tilespmem:s18+$0x5930];
	[tilespmem:s6+$0x5940] =	vst v0;
	v3 =	vmul.f32 $1.131370830e+01, v3  }
0x13c: {  	v0 =	vld [tilespmem:s18+$0x5940];
	[tilespmem:s6+$0x5950] =	vst v1;
	v8 =	vmul.f32 $1.131370830e+01, v6  }
0x13d: {  	v6 =	vmul.f32 $1.131370830e+01, v7;
	v1 =	vld [tilespmem:s18+$0x5950];
	[tilespmem:s6+$0x5960] =	vst v3  }
0x13e: {  	s11 =	sadd.s32 $0x200, s11;
	v5 =	vmul.f32 $1.131370830e+01, v5;
	v3 =	vld [tilespmem:s18+$0x5960];
	[tilespmem:s6+$0x5970] =	vst v8;
	s6 =	smov.u32 s18  }
0x13f: {  	[tilespmem:s6+$0x5900] =	vst v6;
	v4 =	vmul.f32 $1.131370830e+01, v4;
	v6 =	vld [tilespmem:s6+$0x5970]  }
0x140: {  	[tilespmem:s6+$0x5910] =	vst v5;
	v2 =	vmul.f32 $1.131370830e+01, v2  }
0x141: {  	[tilespmem:s6+$0x5920] =	vst v4;
	v0 =	vmul.f32 $1.131370830e+01, v0  }
0x142: {  	[tilespmem:s6+$0x5930] =	vst v2;
	v1 =	vmul.f32 $1.131370830e+01, v1  }
0x143: {  	[tilespmem:s6+$0x5940] =	vst v0;
	v0 =	vmul.f32 $1.131370830e+01, v3  }
0x144: {  	[tilespmem:s6+$0x5950] =	vst v1;
	v1 =	vmul.f32 $1.131370830e+01, v6  }
0x145: {  	[tilespmem:s6+$0x5960] =	vst v0  }
0x146: {  	s18 =	simm.s32 $0x0;
	s11 =	rddreg [dreg:$0x7];
	[tilespmem:s6+$0x5970] =	vst v1  }
0x147: {  	[hbm4b:s11+s18] =	stream.linear.scatter [tilespmem:s24], [sflag:$0x8], $0x4000, $0x38;
	[tilespmem:$0x19900] =	vst v63  }
0x148: {  	_ =	swait.ge [sflag:s22], $0x4000  }
0x149: {  	[sflag:s22] =	ssyncset.done $0x0  }
0x14a: {  	s23 =	simm.s32 $0x1700;
	[sflag:s22] =	ssyncadd.s32 $0xFFFFC000  }
0x14b: {  	[tilespmem:s30], [sflag:$0x5] =	stream.indirect.gather [hbm4b:s2+s20], $0x80, s23, s20, $0xb8;
	[tilespmem:$0x19900] =	vst v63  }
0x14c: {  	s25 =	simm.s32 $0x13900;
	s31 =	simm.s32 $0x1740  }
0x14d: {  	[tilespmem:s25], [sflag:$0x5] =	stream.indirect.gather [hbm4b:s2+s20], $0x80, s31, s20, $0xb8;
	[tilespmem:$0x19900] =	vst v63  }
0x14e: {  	_ =	swait.ge [sflag:s7], $0x2000  }
0x14f: {  	[sflag:s7] =	ssyncset.done $0x0  }
0x150: {  	[sflag:s7] =	ssyncadd.s32 $0xFFFFE000  }
0x151: {  	_ =	swait.ge [sflag:s7], $0x2000  }
0x152: {  	[sflag:s7] =	ssyncset.done $0x0  }
0x153: {  	s6 =	simm.s32 $0x0;
	[sflag:s7] =	ssyncadd.s32 $0xFFFFE000  }
0x154: {  	v3 =	vld [tilespmem:s6+$0x9900]  }
0x155: {  	v5 =	vld [tilespmem:s6+$0x9910]  }
0x156: {  	v4 =	vld [tilespmem:s6+$0x9920]  }
0x157: {  	v2 =	vld [tilespmem:s6+$0x9930]  }
0x158: {  	v0 =	vld [tilespmem:s6+$0x9940]  }
0x159: {  	v1 =	vld [tilespmem:s6+$0x9950];
	v6 =	vmul.f32 $1.131370830e+01, v3  }
0x15a: {  	s11 =	simm.s32 $0x200;
	v5 =	vmul.f32 $1.131370830e+01, v5;
	v3 =	vld [tilespmem:s6+$0x9960]  }
.LBB2_20:
0x15b: {  	s18 =	sshra.s32 s11, $0x2;
	p0 =	sne.s32 s11, $0xFE00;
	[tilespmem:s6+$0x9900] =	vst v6;
	v4 =	vmul.f32 $1.131370830e+01, v4;
	v6 =	vld [tilespmem:s6+$0x9970]  }
0x15c: {  	v7 =	vld [tilespmem:s18+$0x9900];
	[tilespmem:s6+$0x9910] =	vst v5;
	v2 =	vmul.f32 $1.131370830e+01, v2  }
0x15d: {  	v5 =	vld [tilespmem:s18+$0x9910];
	[tilespmem:s6+$0x9920] =	vst v4;
	v0 =	vmul.f32 $1.131370830e+01, v0  }
.Ltmp9:
0x15e: {  	v4 =	vld [tilespmem:s18+$0x9920];
	[tilespmem:s6+$0x9930] =	vst v2;
	v1 =	vmul.f32 $1.131370830e+01, v1;
	(pc) =	sbr.rel @p0 .LBB2_20-.Ltmp9, $4  }
0x15f: {  	v2 =	vld [tilespmem:s18+$0x9930];
	[tilespmem:s6+$0x9940] =	vst v0;
	v3 =	vmul.f32 $1.131370830e+01, v3  }
0x160: {  	v0 =	vld [tilespmem:s18+$0x9940];
	[tilespmem:s6+$0x9950] =	vst v1;
	v8 =	vmul.f32 $1.131370830e+01, v6  }
0x161: {  	v6 =	vmul.f32 $1.131370830e+01, v7;
	v1 =	vld [tilespmem:s18+$0x9950];
	[tilespmem:s6+$0x9960] =	vst v3  }
0x162: {  	s11 =	sadd.s32 $0x200, s11;
	v5 =	vmul.f32 $1.131370830e+01, v5;
	v3 =	vld [tilespmem:s18+$0x9960];
	[tilespmem:s6+$0x9970] =	vst v8;
	s6 =	smov.u32 s18  }
0x163: {  	[tilespmem:s6+$0x9900] =	vst v6;
	v4 =	vmul.f32 $1.131370830e+01, v4;
	v6 =	vld [tilespmem:s6+$0x9970]  }
0x164: {  	[tilespmem:s6+$0x9910] =	vst v5;
	v2 =	vmul.f32 $1.131370830e+01, v2  }
0x165: {  	[tilespmem:s6+$0x9920] =	vst v4;
	v0 =	vmul.f32 $1.131370830e+01, v0  }
0x166: {  	[tilespmem:s6+$0x9930] =	vst v2;
	v1 =	vmul.f32 $1.131370830e+01, v1  }
0x167: {  	[tilespmem:s6+$0x9940] =	vst v0;
	v0 =	vmul.f32 $1.131370830e+01, v3  }
0x168: {  	[tilespmem:s6+$0x9950] =	vst v1;
	v1 =	vmul.f32 $1.131370830e+01, v6  }
0x169: {  	[tilespmem:s6+$0x9960] =	vst v0  }
0x16a: {  	s31 =	simm.s32 $0x0;
	s11 =	rddreg [dreg:$0x8];
	s18 =	simm.s32 $0xC;
	[tilespmem:s6+$0x9970] =	vst v1  }
0x16b: {  	[hbm4b:s11+s31] =	stream.linear.scatter [tilespmem:s29], [sflag:$0x9], $0x4000, $0x38;
	[tilespmem:$0x19900] =	vst v63  }
0x16c: {  	_ =	swait.ge [sflag:s18], $0x4000  }
0x16d: {  	[sflag:s18] =	ssyncset.done $0x0  }
0x16e: {  	s23 =	simm.s32 $0x1780;
	[sflag:s18] =	ssyncadd.s32 $0xFFFFC000  }
0x16f: {  	[tilespmem:s10], [sflag:$0x6] =	stream.indirect.gather [hbm4b:s2+s20], $0x80, s23, s20, $0xb8;
	[tilespmem:$0x19900] =	vst v63  }
0x170: {  	s25 =	simm.s32 $0x17900;
	s31 =	simm.s32 $0x17C0  }
0x171: {  	[tilespmem:s25], [sflag:$0x6] =	stream.indirect.gather [hbm4b:s2+s20], $0x80, s31, s20, $0xb8;
	[tilespmem:$0x19900] =	vst v63  }
0x172: {  	_ =	swait.ge [sflag:s12], $0x2000  }
0x173: {  	[sflag:s12] =	ssyncset.done $0x0  }
0x174: {  	[sflag:s12] =	ssyncadd.s32 $0xFFFFE000  }
0x175: {  	_ =	swait.ge [sflag:s12], $0x2000  }
0x176: {  	[sflag:s12] =	ssyncset.done $0x0  }
0x177: {  	s6 =	simm.s32 $0x0;
	[sflag:s12] =	ssyncadd.s32 $0xFFFFE000  }
0x178: {  	v3 =	vld [tilespmem:s6+$0xD900]  }
0x179: {  	v5 =	vld [tilespmem:s6+$0xD910]  }
0x17a: {  	v4 =	vld [tilespmem:s6+$0xD920]  }
0x17b: {  	v2 =	vld [tilespmem:s6+$0xD930]  }
0x17c: {  	v0 =	vld [tilespmem:s6+$0xD940]  }
0x17d: {  	v1 =	vld [tilespmem:s6+$0xD950];
	v6 =	vmul.f32 $1.131370830e+01, v3  }
0x17e: {  	s11 =	simm.s32 $0x200;
	v5 =	vmul.f32 $1.131370830e+01, v5;
	v3 =	vld [tilespmem:s6+$0xD960]  }
.LBB2_22:
0x17f: {  	s18 =	sshra.s32 s11, $0x2;
	p0 =	sne.s32 s11, $0xFE00;
	[tilespmem:s6+$0xD900] =	vst v6;
	v4 =	vmul.f32 $1.131370830e+01, v4;
	v6 =	vld [tilespmem:s6+$0xD970]  }
0x180: {  	v7 =	vld [tilespmem:s18+$0xD900];
	[tilespmem:s6+$0xD910] =	vst v5;
	v2 =	vmul.f32 $1.131370830e+01, v2  }
0x181: {  	v5 =	vld [tilespmem:s18+$0xD910];
	[tilespmem:s6+$0xD920] =	vst v4;
	v0 =	vmul.f32 $1.131370830e+01, v0  }
.Ltmp10:
0x182: {  	v4 =	vld [tilespmem:s18+$0xD920];
	[tilespmem:s6+$0xD930] =	vst v2;
	v1 =	vmul.f32 $1.131370830e+01, v1;
	(pc) =	sbr.rel @p0 .LBB2_22-.Ltmp10, $4  }
0x183: {  	v2 =	vld [tilespmem:s18+$0xD930];
	[tilespmem:s6+$0xD940] =	vst v0;
	v3 =	vmul.f32 $1.131370830e+01, v3  }
0x184: {  	v0 =	vld [tilespmem:s18+$0xD940];
	[tilespmem:s6+$0xD950] =	vst v1;
	v8 =	vmul.f32 $1.131370830e+01, v6  }
0x185: {  	v6 =	vmul.f32 $1.131370830e+01, v7;
	v1 =	vld [tilespmem:s18+$0xD950];
	[tilespmem:s6+$0xD960] =	vst v3  }
0x186: {  	s11 =	sadd.s32 $0x200, s11;
	v5 =	vmul.f32 $1.131370830e+01, v5;
	v3 =	vld [tilespmem:s18+$0xD960];
	[tilespmem:s6+$0xD970] =	vst v8;
	s6 =	smov.u32 s18  }
0x187: {  	[tilespmem:s6+$0xD900] =	vst v6;
	v4 =	vmul.f32 $1.131370830e+01, v4;
	v6 =	vld [tilespmem:s6+$0xD970]  }
0x188: {  	[tilespmem:s6+$0xD910] =	vst v5;
	v2 =	vmul.f32 $1.131370830e+01, v2  }
0x189: {  	[tilespmem:s6+$0xD920] =	vst v4;
	v0 =	vmul.f32 $1.131370830e+01, v0  }
0x18a: {  	[tilespmem:s6+$0xD930] =	vst v2;
	v1 =	vmul.f32 $1.131370830e+01, v1  }
0x18b: {  	[tilespmem:s6+$0xD940] =	vst v0;
	v0 =	vmul.f32 $1.131370830e+01, v3  }
0x18c: {  	[tilespmem:s6+$0xD950] =	vst v1;
	v1 =	vmul.f32 $1.131370830e+01, v6  }
0x18d: {  	[tilespmem:s6+$0xD960] =	vst v0  }
0x18e: {  	s18 =	simm.s32 $0x0;
	s11 =	rddreg [dreg:$0x9];
	[tilespmem:s6+$0xD970] =	vst v1  }
0x18f: {  	[hbm4b:s11+s18] =	stream.linear.scatter [tilespmem:s0], [sflag:$0xA], $0x4000, $0x38;
	[tilespmem:$0x19900] =	vst v63  }
0x190: {  	_ =	swait.ge [sflag:s13], $0x4000  }
0x191: {  	[sflag:s13] =	ssyncset.done $0x0  }
0x192: {  	s23 =	simm.s32 $0x1800;
	[sflag:s13] =	ssyncadd.s32 $0xFFFFC000  }
0x193: {  	[tilespmem:s21], [sflag:$0x1] =	stream.indirect.gather [hbm4b:s2+s20], $0x80, s23, s20, $0xb8;
	[tilespmem:$0x19900] =	vst v63  }
0x194: {  	s25 =	simm.s32 $0x3900;
	s31 =	simm.s32 $0x1840  }
0x195: {  	[tilespmem:s25], [sflag:$0x1] =	stream.indirect.gather [hbm4b:s2+s20], $0x80, s31, s20, $0xb8;
	[tilespmem:$0x19900] =	vst v63  }
0x196: {  	_ =	swait.ge [sflag:s14], $0x2000  }
0x197: {  	[sflag:s14] =	ssyncset.done $0x0  }
0x198: {  	[sflag:s14] =	ssyncadd.s32 $0xFFFFE000  }
0x199: {  	_ =	swait.ge [sflag:s14], $0x2000  }
0x19a: {  	[sflag:s14] =	ssyncset.done $0x0  }
0x19b: {  	s6 =	simm.s32 $0x0;
	[sflag:s14] =	ssyncadd.s32 $0xFFFFE000  }
0x19c: {  	v3 =	vld [tilespmem:s6+$0x11900]  }
0x19d: {  	v5 =	vld [tilespmem:s6+$0x11910]  }
0x19e: {  	v4 =	vld [tilespmem:s6+$0x11920]  }
0x19f: {  	v2 =	vld [tilespmem:s6+$0x11930]  }
0x1a0: {  	v0 =	vld [tilespmem:s6+$0x11940]  }
0x1a1: {  	v1 =	vld [tilespmem:s6+$0x11950];
	v6 =	vmul.f32 $1.131370830e+01, v3  }
0x1a2: {  	s11 =	simm.s32 $0x200;
	v5 =	vmul.f32 $1.131370830e+01, v5;
	v3 =	vld [tilespmem:s6+$0x11960]  }
.LBB2_24:
0x1a3: {  	s18 =	sshra.s32 s11, $0x2;
	p0 =	sne.s32 s11, $0xFE00;
	[tilespmem:s6+$0x11900] =	vst v6;
	v4 =	vmul.f32 $1.131370830e+01, v4;
	v6 =	vld [tilespmem:s6+$0x11970]  }
0x1a4: {  	v7 =	vld [tilespmem:s18+$0x11900];
	[tilespmem:s6+$0x11910] =	vst v5;
	v2 =	vmul.f32 $1.131370830e+01, v2  }
0x1a5: {  	v5 =	vld [tilespmem:s18+$0x11910];
	[tilespmem:s6+$0x11920] =	vst v4;
	v0 =	vmul.f32 $1.131370830e+01, v0  }
.Ltmp11:
0x1a6: {  	v4 =	vld [tilespmem:s18+$0x11920];
	[tilespmem:s6+$0x11930] =	vst v2;
	v1 =	vmul.f32 $1.131370830e+01, v1;
	(pc) =	sbr.rel @p0 .LBB2_24-.Ltmp11, $4  }
0x1a7: {  	v2 =	vld [tilespmem:s18+$0x11930];
	[tilespmem:s6+$0x11940] =	vst v0;
	v3 =	vmul.f32 $1.131370830e+01, v3  }
0x1a8: {  	v0 =	vld [tilespmem:s18+$0x11940];
	[tilespmem:s6+$0x11950] =	vst v1;
	v8 =	vmul.f32 $1.131370830e+01, v6  }
0x1a9: {  	v6 =	vmul.f32 $1.131370830e+01, v7;
	v1 =	vld [tilespmem:s18+$0x11950];
	[tilespmem:s6+$0x11960] =	vst v3  }
0x1aa: {  	s11 =	sadd.s32 $0x200, s11;
	v5 =	vmul.f32 $1.131370830e+01, v5;
	v3 =	vld [tilespmem:s18+$0x11960];
	[tilespmem:s6+$0x11970] =	vst v8;
	s6 =	smov.u32 s18  }
0x1ab: {  	[tilespmem:s6+$0x11900] =	vst v6;
	v4 =	vmul.f32 $1.131370830e+01, v4;
	v6 =	vld [tilespmem:s6+$0x11970]  }
0x1ac: {  	[tilespmem:s6+$0x11910] =	vst v5;
	v2 =	vmul.f32 $1.131370830e+01, v2  }
0x1ad: {  	[tilespmem:s6+$0x11920] =	vst v4;
	v0 =	vmul.f32 $1.131370830e+01, v0  }
0x1ae: {  	[tilespmem:s6+$0x11930] =	vst v2;
	v1 =	vmul.f32 $1.131370830e+01, v1  }
0x1af: {  	[tilespmem:s6+$0x11940] =	vst v0;
	v0 =	vmul.f32 $1.131370830e+01, v3  }
0x1b0: {  	[tilespmem:s6+$0x11950] =	vst v1;
	v1 =	vmul.f32 $1.131370830e+01, v6  }
0x1b1: {  	[tilespmem:s6+$0x11960] =	vst v0  }
0x1b2: {  	s23 =	simm.s32 $0x0;
	s11 =	rddreg [dreg:$0xa];
	[tilespmem:s6+$0x11970] =	vst v1  }
0x1b3: {  	[hbm4b:s11+s23] =	stream.linear.scatter [tilespmem:s30], [sflag:$0xB], $0x4000, $0x38;
	[tilespmem:$0x19900] =	vst v63  }
0x1b4: {  	_ =	swait.ge [sflag:s15], $0x4000  }
0x1b5: {  	[sflag:s15] =	ssyncset.done $0x0  }
0x1b6: {  	s25 =	simm.s32 $0x1880;
	[sflag:s15] =	ssyncadd.s32 $0xFFFFC000  }
0x1b7: {  	[tilespmem:s24], [sflag:$0x2] =	stream.indirect.gather [hbm4b:s2+s20], $0x80, s25, s20, $0xb8;
	[tilespmem:$0x19900] =	vst v63  }
0x1b8: {  	s31 =	simm.s32 $0x18C0  }
0x1b9: {  	[tilespmem:s26], [sflag:$0x2] =	stream.indirect.gather [hbm4b:s2+s20], $0x80, s31, s20, $0xb8;
	[tilespmem:$0x19900] =	vst v63  }
0x1ba: {  	_ =	swait.ge [sflag:s16], $0x2000  }
0x1bb: {  	[sflag:s16] =	ssyncset.done $0x0  }
0x1bc: {  	[sflag:s16] =	ssyncadd.s32 $0xFFFFE000  }
0x1bd: {  	_ =	swait.ge [sflag:s16], $0x2000  }
0x1be: {  	[sflag:s16] =	ssyncset.done $0x0  }
0x1bf: {  	s6 =	simm.s32 $0x0;
	[sflag:s16] =	ssyncadd.s32 $0xFFFFE000  }
0x1c0: {  	v3 =	vld [tilespmem:s6+$0x15900]  }
0x1c1: {  	v5 =	vld [tilespmem:s6+$0x15910]  }
0x1c2: {  	v4 =	vld [tilespmem:s6+$0x15920]  }
0x1c3: {  	v2 =	vld [tilespmem:s6+$0x15930]  }
0x1c4: {  	v0 =	vld [tilespmem:s6+$0x15940]  }
0x1c5: {  	v1 =	vld [tilespmem:s6+$0x15950];
	v6 =	vmul.f32 $1.131370830e+01, v3  }
0x1c6: {  	s11 =	simm.s32 $0x200;
	v5 =	vmul.f32 $1.131370830e+01, v5;
	v3 =	vld [tilespmem:s6+$0x15960]  }
.LBB2_26:
0x1c7: {  	s18 =	sshra.s32 s11, $0x2;
	p0 =	sne.s32 s11, $0xFE00;
	[tilespmem:s6+$0x15900] =	vst v6;
	v4 =	vmul.f32 $1.131370830e+01, v4;
	v6 =	vld [tilespmem:s6+$0x15970]  }
0x1c8: {  	v7 =	vld [tilespmem:s18+$0x15900];
	[tilespmem:s6+$0x15910] =	vst v5;
	v2 =	vmul.f32 $1.131370830e+01, v2  }
0x1c9: {  	v5 =	vld [tilespmem:s18+$0x15910];
	[tilespmem:s6+$0x15920] =	vst v4;
	v0 =	vmul.f32 $1.131370830e+01, v0  }
.Ltmp12:
0x1ca: {  	v4 =	vld [tilespmem:s18+$0x15920];
	[tilespmem:s6+$0x15930] =	vst v2;
	v1 =	vmul.f32 $1.131370830e+01, v1;
	(pc) =	sbr.rel @p0 .LBB2_26-.Ltmp12, $4  }
0x1cb: {  	v2 =	vld [tilespmem:s18+$0x15930];
	[tilespmem:s6+$0x15940] =	vst v0;
	v3 =	vmul.f32 $1.131370830e+01, v3  }
0x1cc: {  	v0 =	vld [tilespmem:s18+$0x15940];
	[tilespmem:s6+$0x15950] =	vst v1;
	v8 =	vmul.f32 $1.131370830e+01, v6  }
0x1cd: {  	v6 =	vmul.f32 $1.131370830e+01, v7;
	v1 =	vld [tilespmem:s18+$0x15950];
	[tilespmem:s6+$0x15960] =	vst v3  }
0x1ce: {  	s11 =	sadd.s32 $0x200, s11;
	v5 =	vmul.f32 $1.131370830e+01, v5;
	v3 =	vld [tilespmem:s18+$0x15960];
	[tilespmem:s6+$0x15970] =	vst v8;
	s6 =	smov.u32 s18  }
0x1cf: {  	[tilespmem:s6+$0x15900] =	vst v6;
	v4 =	vmul.f32 $1.131370830e+01, v4;
	v6 =	vld [tilespmem:s6+$0x15970]  }
0x1d0: {  	[tilespmem:s6+$0x15910] =	vst v5;
	v2 =	vmul.f32 $1.131370830e+01, v2  }
0x1d1: {  	[tilespmem:s6+$0x15920] =	vst v4;
	v0 =	vmul.f32 $1.131370830e+01, v0  }
0x1d2: {  	[tilespmem:s6+$0x15930] =	vst v2;
	v1 =	vmul.f32 $1.131370830e+01, v1  }
0x1d3: {  	[tilespmem:s6+$0x15940] =	vst v0;
	v0 =	vmul.f32 $1.131370830e+01, v3  }
0x1d4: {  	[tilespmem:s6+$0x15950] =	vst v1;
	v1 =	vmul.f32 $1.131370830e+01, v6  }
0x1d5: {  	[tilespmem:s6+$0x15960] =	vst v0  }
0x1d6: {  	s31 =	simm.s32 $0x0;
	s11 =	rddreg [dreg:$0xb];
	[tilespmem:s6+$0x15970] =	vst v1  }
0x1d7: {  	[hbm4b:s11+s31] =	stream.linear.scatter [tilespmem:s10], [sflag:$0xC], $0x4000, $0x38;
	[tilespmem:$0x19900] =	vst v63  }
0x1d8: {  	_ =	swait.ge [sflag:s1], $0x2000  }
0x1d9: {  	[sflag:s1] =	ssyncset.done $0x0  }
0x1da: {  	[sflag:s1] =	ssyncadd.s32 $0xFFFFE000  }
0x1db: {  	_ =	swait.ge [sflag:s1], $0x2000  }
0x1dc: {  	[sflag:s1] =	ssyncset.done $0x0  }
0x1dd: {  	s6 =	simm.s32 $0x0;
	[sflag:s1] =	ssyncadd.s32 $0xFFFFE000  }
0x1de: {  	v3 =	vld [tilespmem:s6+$0x1900]  }
0x1df: {  	v5 =	vld [tilespmem:s6+$0x1910]  }
0x1e0: {  	v4 =	vld [tilespmem:s6+$0x1920]  }
0x1e1: {  	v2 =	vld [tilespmem:s6+$0x1930]  }
0x1e2: {  	v0 =	vld [tilespmem:s6+$0x1940]  }
0x1e3: {  	v1 =	vld [tilespmem:s6+$0x1950];
	v6 =	vmul.f32 $1.131370830e+01, v3  }
0x1e4: {  	s11 =	simm.s32 $0x200;
	v5 =	vmul.f32 $1.131370830e+01, v5;
	v3 =	vld [tilespmem:s6+$0x1960]  }
.LBB2_28:
0x1e5: {  	s18 =	sshra.s32 s11, $0x2;
	p0 =	sne.s32 s11, $0xFE00;
	[tilespmem:s6+$0x1900] =	vst v6;
	v4 =	vmul.f32 $1.131370830e+01, v4;
	v6 =	vld [tilespmem:s6+$0x1970]  }
0x1e6: {  	v7 =	vld [tilespmem:s18+$0x1900];
	[tilespmem:s6+$0x1910] =	vst v5;
	v2 =	vmul.f32 $1.131370830e+01, v2  }
0x1e7: {  	v5 =	vld [tilespmem:s18+$0x1910];
	[tilespmem:s6+$0x1920] =	vst v4;
	v0 =	vmul.f32 $1.131370830e+01, v0  }
.Ltmp13:
0x1e8: {  	v4 =	vld [tilespmem:s18+$0x1920];
	[tilespmem:s6+$0x1930] =	vst v2;
	v1 =	vmul.f32 $1.131370830e+01, v1;
	(pc) =	sbr.rel @p0 .LBB2_28-.Ltmp13, $4  }
0x1e9: {  	v2 =	vld [tilespmem:s18+$0x1930];
	[tilespmem:s6+$0x1940] =	vst v0;
	v3 =	vmul.f32 $1.131370830e+01, v3  }
0x1ea: {  	v0 =	vld [tilespmem:s18+$0x1940];
	[tilespmem:s6+$0x1950] =	vst v1;
	v8 =	vmul.f32 $1.131370830e+01, v6  }
0x1eb: {  	v6 =	vmul.f32 $1.131370830e+01, v7;
	v1 =	vld [tilespmem:s18+$0x1950];
	[tilespmem:s6+$0x1960] =	vst v3  }
0x1ec: {  	s11 =	sadd.s32 $0x200, s11;
	v5 =	vmul.f32 $1.131370830e+01, v5;
	v3 =	vld [tilespmem:s18+$0x1960];
	[tilespmem:s6+$0x1970] =	vst v8;
	s6 =	smov.u32 s18  }
0x1ed: {  	[tilespmem:s6+$0x1900] =	vst v6;
	v4 =	vmul.f32 $1.131370830e+01, v4;
	v6 =	vld [tilespmem:s6+$0x1970]  }
0x1ee: {  	[tilespmem:s6+$0x1910] =	vst v5;
	v2 =	vmul.f32 $1.131370830e+01, v2  }
0x1ef: {  	[tilespmem:s6+$0x1920] =	vst v4;
	v0 =	vmul.f32 $1.131370830e+01, v0  }
0x1f0: {  	[tilespmem:s6+$0x1930] =	vst v2;
	v1 =	vmul.f32 $1.131370830e+01, v1  }
0x1f1: {  	[tilespmem:s6+$0x1940] =	vst v0;
	v0 =	vmul.f32 $1.131370830e+01, v3  }
0x1f2: {  	[tilespmem:s6+$0x1950] =	vst v1;
	v1 =	vmul.f32 $1.131370830e+01, v6  }
0x1f3: {  	[tilespmem:s6+$0x1960] =	vst v0  }
0x1f4: {  	s31 =	simm.s32 $0x0;
	s11 =	rddreg [dreg:$0xc];
	[tilespmem:s6+$0x1970] =	vst v1  }
0x1f5: {  	[hbm4b:s11+s31] =	stream.linear.scatter [tilespmem:s21], [sflag:$0x7], $0x4000, $0x38;
	[tilespmem:$0x19900] =	vst v63  }
0x1f6: {  	_ =	swait.ge [sflag:s28], $0x2000  }
0x1f7: {  	[sflag:s28] =	ssyncset.done $0x0  }
0x1f8: {  	[sflag:s28] =	ssyncadd.s32 $0xFFFFE000  }
0x1f9: {  	_ =	swait.ge [sflag:s28], $0x2000  }
0x1fa: {  	[sflag:s28] =	ssyncset.done $0x0  }
0x1fb: {  	s6 =	simm.s32 $0x0;
	[sflag:s28] =	ssyncadd.s32 $0xFFFFE000  }
0x1fc: {  	v3 =	vld [tilespmem:s6+$0x5900]  }
0x1fd: {  	v5 =	vld [tilespmem:s6+$0x5910]  }
0x1fe: {  	v4 =	vld [tilespmem:s6+$0x5920]  }
0x1ff: {  	v2 =	vld [tilespmem:s6+$0x5930]  }
0x200: {  	v0 =	vld [tilespmem:s6+$0x5940]  }
0x201: {  	v1 =	vld [tilespmem:s6+$0x5950];
	v6 =	vmul.f32 $1.131370830e+01, v3  }
0x202: {  	s11 =	simm.s32 $0x200;
	v5 =	vmul.f32 $1.131370830e+01, v5;
	v3 =	vld [tilespmem:s6+$0x5960]  }
.LBB2_30:
0x203: {  	s18 =	sshra.s32 s11, $0x2;
	p0 =	sne.s32 s11, $0xFE00;
	[tilespmem:s6+$0x5900] =	vst v6;
	v4 =	vmul.f32 $1.131370830e+01, v4;
	v6 =	vld [tilespmem:s6+$0x5970]  }
0x204: {  	v7 =	vld [tilespmem:s18+$0x5900];
	[tilespmem:s6+$0x5910] =	vst v5;
	v2 =	vmul.f32 $1.131370830e+01, v2  }
0x205: {  	v5 =	vld [tilespmem:s18+$0x5910];
	[tilespmem:s6+$0x5920] =	vst v4;
	v0 =	vmul.f32 $1.131370830e+01, v0  }
.Ltmp14:
0x206: {  	v4 =	vld [tilespmem:s18+$0x5920];
	[tilespmem:s6+$0x5930] =	vst v2;
	v1 =	vmul.f32 $1.131370830e+01, v1;
	(pc) =	sbr.rel @p0 .LBB2_30-.Ltmp14, $4  }
0x207: {  	v2 =	vld [tilespmem:s18+$0x5930];
	[tilespmem:s6+$0x5940] =	vst v0;
	v3 =	vmul.f32 $1.131370830e+01, v3  }
0x208: {  	v0 =	vld [tilespmem:s18+$0x5940];
	[tilespmem:s6+$0x5950] =	vst v1;
	v8 =	vmul.f32 $1.131370830e+01, v6  }
0x209: {  	v6 =	vmul.f32 $1.131370830e+01, v7;
	v1 =	vld [tilespmem:s18+$0x5950];
	[tilespmem:s6+$0x5960] =	vst v3  }
0x20a: {  	s11 =	sadd.s32 $0x200, s11;
	v5 =	vmul.f32 $1.131370830e+01, v5;
	v3 =	vld [tilespmem:s18+$0x5960];
	[tilespmem:s6+$0x5970] =	vst v8;
	s6 =	smov.u32 s18  }
0x20b: {  	[tilespmem:s6+$0x5900] =	vst v6;
	v4 =	vmul.f32 $1.131370830e+01, v4;
	v61 =	vld [tilespmem:s6+$0x5970]  }
0x20c: {  	[tilespmem:s6+$0x5910] =	vst v5;
	v2 =	vmul.f32 $1.131370830e+01, v2  }
0x20d: {  	[tilespmem:s6+$0x5920] =	vst v4;
	v0 =	vmul.f32 $1.131370830e+01, v0  }
0x20e: {  	[tilespmem:s6+$0x5930] =	vst v2;
	v1 =	vmul.f32 $1.131370830e+01, v1  }
0x20f: {  	[tilespmem:s6+$0x5940] =	vst v0;
	v62 =	vmul.f32 $1.131370830e+01, v3  }
0x210: {  	[tilespmem:s6+$0x5950] =	vst v1;
	v63 =	vmul.f32 $1.131370830e+01, v61  }
0x211: {  	[tilespmem:s6+$0x5960] =	vst v62  }
0x212: {  	s23 =	rddreg [dreg:$0xd];
	[tilespmem:s6+$0x5970] =	vst v63  }
0x213: {  	[hbm4b:s23+s4] =	stream.linear.scatter [tilespmem:s24], [sflag:$0x8], $0x4000, $0x38;
	[tilespmem:$0x19900] =	vst v63  }
0x214: {  	_ =	swait.ge [sflag:s17], $0x4000  }
0x215: {  	[sflag:s17] =	ssyncset.done $0x0  }
0x216: {  	[sflag:s17] =	ssyncadd.s32 $0xFFFFC000  }
0x217: {  	_ =	swait.ge [sflag:s19], $0x4000  }
0x218: {  	[sflag:s19] =	ssyncset.done $0x0  }
0x219: {  	[sflag:s19] =	ssyncadd.s32 $0xFFFFC000  }
0x21a: {  	_ =	swait.ge [sflag:s22], $0x4000  }
0x21b: {  	[sflag:s22] =	ssyncset.done $0x0  }
0x21c: {  	s25 =	simm.s32 $0xC;
	[sflag:s22] =	ssyncadd.s32 $0xFFFFC000  }
0x21d: {  	_ =	swait.ge [sflag:s25], $0x4000  }
0x21e: {  	[sflag:s25] =	ssyncset.done $0x0  }
0x21f: {  	[sflag:s25] =	ssyncadd.s32 $0xFFFFC000  }
0x220: {  	_ =	swait.ge [sflag:s13], $0x4000  }
0x221: {  	[sflag:s13] =	ssyncset.done $0x0  }
0x222: {  	[sflag:s13] =	ssyncadd.s32 $0xFFFFC000  }
0x223: {  	_ =	swait.ge [sflag:s15], $0x4000  }
0x224: {  	s11 =	rddreg [dreg:$0xf]  }
0x225: {  	s31 =	rddreg [dreg:$0xe];
	s11 =	sadd.s32 $0x1, s11  }
0x226: {  	p0 =	sne.s32 s11, s31  }
.Ltmp15:
0x227: {  	_ = 	snop;
	(pc) =	sbr.rel @p0 .LBB2_1-.Ltmp15, $3  }
0x228: {  	_ =	sdelay $0x1  }
0x229: {  	[sflag:s15] =	ssyncset.done $0x0  }
0x22a: {  	[sflag:s15] =	ssyncadd.s32 $0xFFFFC000  }
0x22b: {  	_ =	sfence.sel $0x180000  }
0x22c: {  	[bflag:$0x0] =	sbarrier.arrive $0xFFFF  }
0x22d: {  	_ =	strace $0x90000047  }
0x22e: {  	s0 =	stileid.u32;
	[bflag:$0x2] =	sbarrier.arrive $0xFFFF  }
0x22f: {  	p0 =	sne.s32 s0, $0x0;
	s0 =	rddreg [dreg:$0x3]  }
0x230: {  	s0 =	sadd.s32 @!p0 $0x100000, s0  }
0x231: {  	[sflag:s0] =	ssyncadd.tile.s32 @!p0 $0x1;
	_ =	shalt  }
.Lfunc_end2:
_tile_overlayer_lowered:
.L_overlay_start_2:
0x232: {  	(tag) =	ssettag $0x2  }
0x233: {  	s0 =	rddreg [dreg:$0x0];
	s2 =	stileid.u32  }
0x234: {  	s1 =	rddreg [dreg:$0x1];
	p0 =	sne.s32 s2, $0x0  }
0x235: {  	s3 =	rddreg [dreg:$0x2];
	[bflag:$0x3] =	sbarrier.arrive $0xFFFF;
	s2 =	simm.s32 @!p0 $0x1C0D  }
0x236: {  	[timem:s3], [sflag:s2] =	dma.local @!p0 [hbm:s0], s1  }
0x237: {  	s0 =	simm.s32 @!p0 $0xD  }
0x238: {  	_ =	swait.ge @!p0 [sflag:s0], s1  }
0x239: {  	s1 =	ssub.s32 @!p0 $0x0, s1;
	[sflag:s0] =	ssyncset.done @!p0 $0x0  }
0x23a: {  	[sflag:s0] =	ssyncadd.s32 @!p0 s1  }
0x23b: {  	[bflag:$0x3] =	sbarrier.arrive $0xFFFF  }
0x23c: {  	_ =	shalt  }

</sc_bundles>
